<compile_context>
chip_gen: v7x
topology: tpu7x:2x2x1
jax: 0.10.2.dev20260603
libtpu: 0.0.44.dev20260713+nightly
codegen_flags: <defaults>
</compile_context>

<pallas_src>
import jax
import jax.numpy as jnp
from jax import lax
from jax.experimental import pallas as pl
from jax.experimental.pallas import tpu as pltpu
from jax.experimental.pallas import tpu_sc as plsc

B = 2
N = 512
NV = 20000
HID = 128
GRID = 32
CELLS = GRID * GRID * GRID
TOTAL = B * CELLS
NANCH = 512
TILE = 4096
N_SIDE = 8


def _r16(v):
    b = lax.bitcast_convert_type(v, jnp.int32)
    lsb = (b >> 13) & 1
    r = (b + 0x0FFF + lsb) & ~0x1FFF
    return lax.bitcast_convert_type(r, jnp.float32)



_NC = 2
_NS = 16
_NW = _NC * _NS
_NVP = 20480
_VPW = _NVP // _NW
_NIDX = _VPW // 128
_SLACK = 1024
_PTOT = TOTAL + _SLACK
_ZCH = _PTOT // _NS
_OCH = TOTAL // _NS


def _sc_mask_body(coords_hbm, cnt_hbm, coords_v, idx_v, ones_v, zero_v,
                  counts_sh):
    core = lax.axis_index("c")
    sid = lax.axis_index("s")
    gw = sid * _NC + core

    def _zero(j, _):
        zero_v[pl.ds(j * 16, 16)] = jnp.zeros((16,), jnp.float32)
        return 0

    lax.fori_loop(0, _ZCH // 16, _zero, 0)
    pltpu.sync_copy(zero_v, counts_sh.at[pl.ds(sid * _ZCH, _ZCH)])

    def _ones(j, _):
        ones_v[pl.ds(j * 16, 16)] = jnp.ones((16,), jnp.float32)
        return 0

    lax.fori_loop(0, 8, _ones, 0)

    pltpu.sync_copy(coords_hbm.at[:, pl.ds(gw * _VPW, _VPW)], coords_v)
    for t in range(_VPW // 16):
        s = t * 16
        bb = coords_v[0, pl.ds(s, 16)]
        xx = coords_v[1, pl.ds(s, 16)]
        yy = coords_v[2, pl.ds(s, 16)]
        zz = coords_v[3, pl.ds(s, 16)]
        lin = ((bb * GRID + xx) * GRID + yy) * GRID + zz
        idx_v[t // 8, pl.ds((t % 8) * 16, 16)] = lin

    plsc.subcore_barrier()

    for r in range(_NIDX):
        pltpu.sync_copy(ones_v, counts_sh.at[idx_v.at[r]], add=True)

    plsc.subcore_barrier()

    pltpu.sync_copy(counts_sh.at[pl.ds(sid * _OCH, _OCH)],
                    cnt_hbm.at[core, pl.ds(sid * _OCH, _OCH)])


def _sc_mask(coords_t):
    mesh = plsc.VectorSubcoreMesh(core_axis_name="c", subcore_axis_name="s")
    k = pl.kernel(
        _sc_mask_body,
        mesh=mesh,
        out_type=jax.ShapeDtypeStruct((_NC, TOTAL), jnp.float32),
        scratch_types=[
            pltpu.VMEM((4, _VPW), jnp.int32),
            pltpu.VMEM((_NIDX, 128), jnp.int32),
            pltpu.VMEM((128,), jnp.float32),
            pltpu.VMEM((_ZCH,), jnp.float32),
            pltpu.VMEM_SHARED((_PTOT,), jnp.float32),
        ],
        compiler_params=pltpu.CompilerParams(needs_layout_passes=False),
    )
    return k(coords_t)



_NXY = TILE // GRID
_NKEEP = 216
_NA = 224
_AXYALL = GRID * GRID


def _tc_prologue(xin_ref, w1_ref, b1_ref, w2_ref, b2_ref,
                 xb_ref, sxy_ref, szf_ref, exy_ref):
    xin = xin_ref[...]
    w1 = w1_ref[...]
    b1 = b1_ref[...]
    w2 = w2_ref[...]
    b2 = b2_ref[...]
    for b in range(B):
        h = jnp.maximum(
            jnp.dot(xin[b], w1, preferred_element_type=jnp.float32) + b1,
            0.0)
        xb = jnp.dot(h, w2, preferred_element_type=jnp.float32) + b2
        xsel = xb.reshape(N_SIDE, N_SIDE, N_SIDE, HID)[2:, 2:, 2:, :]
        xb_ref[b, :_NKEEP] = xsel.reshape(_NKEEP, HID).astype(jnp.bfloat16)
        xb_ref[b, _NKEEP:] = jnp.zeros((_NA - _NKEEP, HID), jnp.bfloat16)

    n = lax.broadcasted_iota(jnp.int32, (_NA, 1), 0)
    step = 100.0 / (N_SIDE - 1)
    pad = n >= _NKEEP
    ai = jnp.where(pad, 0, 2 + n // 36)
    aj = jnp.where(pad, 0, 2 + (n // 6) % 6)
    ak = jnp.where(pad, 0, 2 + n % 6)
    ax = jnp.where(pad, -100.0, _r16(-50.0 + ai.astype(jnp.float32) * step))
    ay = jnp.where(pad, -100.0, _r16(-50.0 + aj.astype(jnp.float32) * step))
    az = jnp.where(pad, -100.0, _r16(-50.0 + ak.astype(jnp.float32) * step))

    j = lax.broadcasted_iota(jnp.int32, (1, _AXYALL), 1)
    cxf = (j // GRID).astype(jnp.float32)
    cyf = (j % GRID).astype(jnp.float32)
    dx = _r16(cxf - ax)
    dy = _r16(cyf - ay)
    sxy_all = _r16(_r16(dx * dx) + _r16(dy * dy))
    for t in range(CELLS // TILE):
        sxy_ref[t] = sxy_all[:, t * _NXY:(t + 1) * _NXY]

    k = lax.broadcasted_iota(jnp.int32, (1, GRID), 1)
    dz = _r16(k.astype(jnp.float32) - az)
    sz = _r16(dz * dz)

    c = lax.broadcasted_iota(jnp.int32, (1, TILE), 1)
    exy_ref[...] = (
        c // GRID == lax.broadcasted_iota(jnp.int32, (_NXY, 1), 0)
    ).astype(jnp.float32)
    ez = (c % GRID == lax.broadcasted_iota(jnp.int32, (GRID, 1), 0)
          ).astype(jnp.float32)
    szf_ref[...] = jnp.dot(sz, ez, preferred_element_type=jnp.float32)


def _tc_body(xin_ref, w1_ref, b1_ref, w2_ref, b2_ref, cnt_ref, out_ref,
             xb_ref, sxy_ref, szf_ref, exy_ref):
    i = pl.program_id(0)

    @pl.when(i == 0)
    def _prologue():
        _tc_prologue(xin_ref, w1_ref, b1_ref, w2_ref, b2_ref,
                     xb_ref, sxy_ref, szf_ref, exy_ref)

    sxy = sxy_ref[i]
    sxy_f = jnp.dot(sxy, exy_ref[...], preferred_element_type=jnp.float32)
    ssum = sxy_f + szf_ref[...]
    dist = ssum * lax.rsqrt(ssum)
    e = jnp.exp(-dist)
    s = jnp.sum(e, axis=0, keepdims=True)
    rs = 1.0 / s

    for b in range(B):
        occ = cnt_ref[b] + cnt_ref[B + b]
        eb = (e * jnp.where(occ > 0.0, rs, 0.0)).astype(jnp.bfloat16)
        out_ref[b] = lax.dot_general(
            eb, xb_ref[b], (((0,), (0,)), ((), ())),
            preferred_element_type=jnp.float32)


def _tc_dense(xin, w1, b1, w2, b2, cnt4):
    grid = (CELLS // TILE,)
    return pl.pallas_call(
        _tc_body,
        grid=grid,
        in_specs=[
            pl.BlockSpec((B, N, 11), lambda i: (0, 0, 0)),
            pl.BlockSpec((11, HID), lambda i: (0, 0)),
            pl.BlockSpec((1, HID), lambda i: (0, 0)),
            pl.BlockSpec((HID, HID), lambda i: (0, 0)),
            pl.BlockSpec((1, HID), lambda i: (0, 0)),
            pl.BlockSpec((_NC * B, TILE), lambda i: (0, i)),
        ],
        out_specs=pl.BlockSpec((B, TILE, HID), lambda i: (0, i, 0)),
        out_shape=jax.ShapeDtypeStruct((B, CELLS, HID), jnp.float32),
        scratch_shapes=[
            pltpu.VMEM((B, _NA, HID), jnp.bfloat16),
            pltpu.VMEM((CELLS // TILE, _NA, _NXY), jnp.float32),
            pltpu.VMEM((_NA, TILE), jnp.float32),
            pltpu.VMEM((_NXY, TILE), jnp.float32),
        ],
    )(xin, w1, b1, w2, b2, cnt4)


def kernel(position, scale, rotation, opacity, voxel_coords, W1, b1, W2, b2):
    xin = jnp.concatenate([position, scale, rotation, opacity], axis=-1)
    pad = jnp.broadcast_to(
        jnp.array([[B, 0, 0, 0]], jnp.int32), (_NVP - NV, 4))
    coords_t = jnp.concatenate([voxel_coords, pad], axis=0).T
    cnt = _sc_mask(coords_t)
    cnt4 = cnt.reshape(_NC * B, CELLS)
    out = _tc_dense(xin, W1, b1.reshape(1, HID), W2, b2.reshape(1, HID), cnt4)
    return out.transpose(0, 2, 1).reshape(B, HID, GRID, GRID, GRID)

# --- scband reference (transcript-rebuilt; emitter-appended) ---
"""Pipeline reference for scband-occupancy-decoder-14499809592081 (READ-ONLY COPY).

The authoritative reference and input builder live on the scoring server;
editing this copy changes nothing except your own understanding.
"""

import jax, jax.numpy as jnp
import numpy as np

B = 2
N = 512
NV = 20000
HID = 128
GRID_MAX = 32


def _forward(position, scale, rotation, opacity, voxel_coords, W1, b1, W2, b2):
    # concat gaussian embed fields -> (B, N, 11)
    x = jnp.concatenate([position, scale, rotation, opacity], axis=-1)
    Bc, Nc, _ = x.shape
    # MLP: Linear(11,128) -> ReLU -> Linear(128,128)
    h = jnp.maximum(jnp.dot(x, W1) + b1, 0.0)
    x = jnp.dot(h, W2) + b2
    # anchor grid (N^(1/3))^3 points in [-50, 50]^3
    n_side = int(round(Nc ** (1.0 / 3.0)))
    anchor_pos = jnp.linspace(-50.0, 50.0, n_side)
    gx, gy, gz = jnp.meshgrid(anchor_pos, anchor_pos, anchor_pos, indexing='ij')
    anchor_grid = jnp.stack([gx, gy, gz], axis=-1).reshape(-1, 3)
    batch_ids = voxel_coords[:, 0]
    xyz = voxel_coords[:, 1:].astype(jnp.float32).astype(jnp.float16)
    anchor_h = anchor_grid.astype(jnp.float16)
    # cdist (Nv, n_anchor) in half precision (mirrors chunked_cdist on .half())
    diff = xyz[:, None, :] - anchor_h[None, :, :]
    dist = jnp.sqrt(jnp.sum(diff * diff, axis=-1))
    # softmax over anchors (mirrors chunked_softmax)
    weight = jax.nn.softmax(-dist, axis=-1)
    # fused features per voxel: einsum('vn,bnd->bvd')
    fused = jnp.einsum('vn,bnd->bvd', weight.astype(jnp.float32), x)
    x_max = GRID_MAX
    y_max = GRID_MAX
    z_max = GRID_MAX
    occ_feat = jnp.zeros((Bc, fused.shape[-1], x_max, y_max, z_max), dtype=jnp.float32)
    # scatter-overwrite: occ_feat[b, :, x, y, z] = fused[b, v]
    v_idx = jnp.arange(voxel_coords.shape[0])
    vals = fused[batch_ids, v_idx]  # (Nv, hidden)
    occ_feat = occ_feat.at[batch_ids, :, voxel_coords[:, 1], voxel_coords[:, 2], voxel_coords[:, 3]].set(vals)
    return occ_feat


def setup_inputs(seed: int = 0) -> dict:
    key = jax.random.key(seed)
    ks = jax.random.split(key, 8)
    position = jax.random.normal(ks[0], (B, N, 3), dtype=jnp.float32)
    scale = jax.random.normal(ks[1], (B, N, 3), dtype=jnp.float32)
    rotation = jax.random.normal(ks[2], (B, N, 4), dtype=jnp.float32)
    opacity = jax.random.normal(ks[3], (B, N, 1), dtype=jnp.float32)
    bcol = jax.random.randint(ks[4], (NV, 1), 0, B, dtype=jnp.int32)
    xyzc = jax.random.randint(ks[5], (NV, 3), 0, GRID_MAX, dtype=jnp.int32)
    voxel_coords = jnp.concatenate([bcol, xyzc], axis=1)
    # ensure the grid extents are deterministic (max coord present)
    voxel_coords = voxel_coords.at[0].set(jnp.array([0, GRID_MAX - 1, GRID_MAX - 1, GRID_MAX - 1], dtype=jnp.int32))
    W1 = jax.random.normal(ks[6], (11, HID), dtype=jnp.float32) * 0.05
    b1 = jnp.zeros((HID,), dtype=jnp.float32)
    W2 = jax.random.normal(ks[7], (HID, HID), dtype=jnp.float32) * 0.05
    b2 = jnp.zeros((HID,), dtype=jnp.float32)
    return {"position": position, "scale": scale, "rotation": rotation, "opacity": opacity,
            "voxel_coords": voxel_coords, "W1": W1, "b1": b1, "W2": W2, "b2": b2}


def reference(position, scale, rotation, opacity, voxel_coords, W1, b1, W2, b2):
    return _forward(position, scale, rotation, opacity, voxel_coords, W1, b1, W2, b2)

if __name__ == "__main__":
    import jax
    _d = setup_inputs()
    print(jax.jit(kernel)(*tuple(_d.values())))

</pallas_src>

<mosaic_0001>
#map = affine_map<(d0, d1) -> (0, 0)>
module attributes {stable_mosaic.version = 14 : i64} {
  func.func @_sc_mask_body(%arg0: i32, %arg1: i32, %arg2: memref<4x20480xi32, #tpu.memory_space<hbm>>, %arg3: memref<2x65536xf32, #tpu.memory_space<hbm>>, %arg4: memref<4x640xi32, #tpu.memory_space<vmem>>, %arg5: memref<5x128xi32, #tpu.memory_space<vmem>>, %arg6: memref<128xf32, #tpu.memory_space<vmem>>, %arg7: memref<4160xf32, #tpu.memory_space<vmem>>, %arg8: memref<66560xf32, #tpu.memory_space<vmem_shared>>) attributes {dimension_semantics = [#tpu.dimension_semantics<core_parallel>, #tpu.dimension_semantics<subcore_parallel>], iteration_bounds = array<i64: 2, 16>, scalar_prefetch = 0 : i64, scratch_operands = 5 : i64, tpu.core_type = #tpu.core_type<sc_vector_subcore>, window_params = [{transform_indices = #map}, {transform_indices = #map}]} {
    %mul3A = arith.constant 2 : i32
    %mul3A_0 = arith.muli %arg1, %mul3A : i32
    %add3A = arith.addi %mul3A_0, %arg0 : i32
    %scan3A = arith.constant 0 : i32
    %scan3A_1 = arith.constant 0 : i32
    %scan3A_2 = arith.constant 260 : i32
    %scan3A_3 = arith.addi %scan3A_1, %scan3A_2 : i32
    %scan3A_4 = arith.constant 1 : i32
    %scan3A_5 = scf.for %scan3A_1305 = %scan3A_1 to %scan3A_3 step %scan3A_4 iter_args(%scan3A_1306 = %scan3A) -> (i32)  : i32 {
      %broadcast_in_dim3A = arith.constant 0.000000e+00 : f32
      %broadcast_in_dim3A_1307 = vector.broadcast %broadcast_in_dim3A : f32 to vector<16xf32>
      %mul3A_1308 = arith.constant 16 : i32
      %mul3A_1309 = arith.muli %scan3A_1305, %mul3A_1308 : i32
      %swap3A_1310 = arith.index_cast %mul3A_1309 : i32 to index
      %swap3A_1311 = tpu.vector_load %arg7[%swap3A_1310] {strides = array<i32>} : memref<4160xf32, #tpu.memory_space<vmem>>, vector<16xf32>,
      tpu.vector_store %arg7[%swap3A_1310], %broadcast_in_dim3A_1307 {strides = array<i32>} : memref<4160xf32, #tpu.memory_space<vmem>>, vector<16xf32>,
      %scan3A_1312 = arith.constant 0 : i32
      scf.yield %scan3A_1312 : i32
    }
    %scan3A_6 = arith.constant 260 : i32
    %mul3A_7 = arith.constant 4160 : i32
    %mul3A_8 = arith.muli %arg1, %mul3A_7 : i32
    "tpu.region"() ({
      %run_scoped3A_1305 = tpu.sem_alloc : memref<!tpu.dma_semaphore, #tpu.memory_space<semaphore_mem>>
      %dma_start3A = tpu.memref_slice %arg8[%mul3A_8] : memref<66560xf32, #tpu.memory_space<vmem_shared>> -> memref<4160xf32, #tpu.memory_space<vmem_shared>>
      %dma_start3A_1306 = tpu.memref_slice %arg8[%mul3A_8] : memref<66560xf32, #tpu.memory_space<vmem_shared>> -> memref<4160xf32, #tpu.memory_space<vmem_shared>>
      tpu.enqueue_dma source(%arg7 : memref<4160xf32, #tpu.memory_space<vmem>>) target(%dma_start3A_1306 : memref<4160xf32, #tpu.memory_space<vmem_shared>>) target_semaphore(%run_scoped3A_1305 : memref<!tpu.dma_semaphore, #tpu.memory_space<semaphore_mem>>)
      %dma_wait3A = tpu.memref_slice %arg8[%mul3A_8] : memref<66560xf32, #tpu.memory_space<vmem_shared>> -> memref<4160xf32, #tpu.memory_space<vmem_shared>>
      %dma_wait3A_1307 = tpu.memref_slice %arg8[%mul3A_8] : memref<66560xf32, #tpu.memory_space<vmem_shared>> -> memref<4160xf32, #tpu.memory_space<vmem_shared>>
      tpu.wait_dma2 semaphore(%run_scoped3A_1305 : memref<!tpu.dma_semaphore, #tpu.memory_space<semaphore_mem>>) src(%arg7 : memref<4160xf32, #tpu.memory_space<vmem>>) dst(%dma_wait3A_1307 : memref<4160xf32, #tpu.memory_space<vmem_shared>>)
      tpu.yield
    }) : () -> ()
    %scan3A_9 = arith.constant 0 : i32
    %scan3A_10 = arith.constant 0 : i32
    %scan3A_11 = arith.constant 8 : i32
    %scan3A_12 = arith.addi %scan3A_10, %scan3A_11 : i32
    %scan3A_13 = arith.constant 1 : i32
    %scan3A_14 = scf.for %scan3A_1305 = %scan3A_10 to %scan3A_12 step %scan3A_13 iter_args(%scan3A_1306 = %scan3A_9) -> (i32)  : i32 {
      %broadcast_in_dim3A = arith.constant 1.000000e+00 : f32
      %broadcast_in_dim3A_1307 = vector.broadcast %broadcast_in_dim3A : f32 to vector<16xf32>
      %mul3A_1308 = arith.constant 16 : i32
      %mul3A_1309 = arith.muli %scan3A_1305, %mul3A_1308 : i32
      %swap3A_1310 = arith.index_cast %mul3A_1309 : i32 to index
      %swap3A_1311 = tpu.vector_load %arg6[%swap3A_1310] {strides = array<i32>} : memref<128xf32, #tpu.memory_space<vmem>>, vector<16xf32>,
      tpu.vector_store %arg6[%swap3A_1310], %broadcast_in_dim3A_1307 {strides = array<i32>} : memref<128xf32, #tpu.memory_space<vmem>>, vector<16xf32>,
      %scan3A_1312 = arith.constant 0 : i32
      scf.yield %scan3A_1312 : i32
    }
    %scan3A_15 = arith.constant 8 : i32
    %mul3A_16 = arith.constant 640 : i32
    %mul3A_17 = arith.muli %add3A, %mul3A_16 : i32
    "tpu.region"() ({
      %run_scoped3A_1305 = tpu.sem_alloc : memref<!tpu.dma_semaphore, #tpu.memory_space<semaphore_mem>>
      %dma_start3A = arith.constant 0 : i32
      %dma_start3A_1306 = tpu.memref_slice %arg2[%dma_start3A, %mul3A_17] : memref<4x20480xi32, #tpu.memory_space<hbm>> -> memref<4x640xi32, #tpu.memory_space<hbm>>
      %dma_start3A_1307 = arith.constant 0 : i32
      %dma_start3A_1308 = tpu.memref_slice %arg2[%dma_start3A_1307, %mul3A_17] : memref<4x20480xi32, #tpu.memory_space<hbm>> -> memref<4x640xi32, #tpu.memory_space<hbm>>
      tpu.enqueue_dma source(%dma_start3A_1308 : memref<4x640xi32, #tpu.memory_space<hbm>>) target(%arg4 : memref<4x640xi32, #tpu.memory_space<vmem>>) target_semaphore(%run_scoped3A_1305 : memref<!tpu.dma_semaphore, #tpu.memory_space<semaphore_mem>>)
      %dma_wait3A = arith.constant 0 : i32
      %dma_wait3A_1309 = tpu.memref_slice %arg2[%dma_wait3A, %mul3A_17] : memref<4x20480xi32, #tpu.memory_space<hbm>> -> memref<4x640xi32, #tpu.memory_space<hbm>>
      %dma_wait3A_1310 = arith.constant 0 : i32
      %dma_wait3A_1311 = tpu.memref_slice %arg2[%dma_wait3A_1310, %mul3A_17] : memref<4x20480xi32, #tpu.memory_space<hbm>> -> memref<4x640xi32, #tpu.memory_space<hbm>>
      tpu.wait_dma2 semaphore(%run_scoped3A_1305 : memref<!tpu.dma_semaphore, #tpu.memory_space<semaphore_mem>>) src(%dma_wait3A_1311 : memref<4x640xi32, #tpu.memory_space<hbm>>) dst(%arg4 : memref<4x640xi32, #tpu.memory_space<vmem>>)
      tpu.yield
    }) : () -> ()
    %get3A = arith.constant 0 : i32
    %get3A_18 = arith.index_cast %get3A : i32 to index
    %get3A_19 = arith.constant 0 : index
    %get3A_20 = tpu.vector_load %arg4[%get3A_18, %get3A_19] {strides = array<i32>} : memref<4x640xi32, #tpu.memory_space<vmem>>, vector<16xi32>,
    %get3A_21 = arith.constant 1 : i32
    %get3A_22 = arith.index_cast %get3A_21 : i32 to index
    %get3A_23 = arith.constant 0 : index
    %get3A_24 = tpu.vector_load %arg4[%get3A_22, %get3A_23] {strides = array<i32>} : memref<4x640xi32, #tpu.memory_space<vmem>>, vector<16xi32>,
    %get3A_25 = arith.constant 2 : i32
    %get3A_26 = arith.index_cast %get3A_25 : i32 to index
    %get3A_27 = arith.constant 0 : index
    %get3A_28 = tpu.vector_load %arg4[%get3A_26, %get3A_27] {strides = array<i32>} : memref<4x640xi32, #tpu.memory_space<vmem>>, vector<16xi32>,
    %get3A_29 = arith.constant 3 : i32
    %get3A_30 = arith.index_cast %get3A_29 : i32 to index
    %get3A_31 = arith.constant 0 : index
    %get3A_32 = tpu.vector_load %arg4[%get3A_30, %get3A_31] {strides = array<i32>} : memref<4x640xi32, #tpu.memory_space<vmem>>, vector<16xi32>,
    %mul3A_33 = arith.constant 32 : i32
    %mul3A_34 = vector.broadcast %mul3A_33 : i32 to vector<16xi32>
    %mul3A_35 = arith.muli %get3A_20, %mul3A_34 : vector<16xi32>
    %add3A_36 = arith.addi %mul3A_35, %get3A_24 : vector<16xi32>
    %mul3A_37 = arith.constant 32 : i32
    %mul3A_38 = vector.broadcast %mul3A_37 : i32 to vector<16xi32>
    %mul3A_39 = arith.muli %add3A_36, %mul3A_38 : vector<16xi32>
    %add3A_40 = arith.addi %mul3A_39, %get3A_28 : vector<16xi32>
    %mul3A_41 = arith.constant 32 : i32
    %mul3A_42 = vector.broadcast %mul3A_41 : i32 to vector<16xi32>
    %mul3A_43 = arith.muli %add3A_40, %mul3A_42 : vector<16xi32>
    %add3A_44 = arith.addi %mul3A_43, %get3A_32 : vector<16xi32>
    %swap3A = arith.constant 0 : i32
    %swap3A_45 = arith.index_cast %swap3A : i32 to index
    %swap3A_46 = arith.constant 0 : index
    %swap3A_47 = tpu.vector_load %arg5[%swap3A_45, %swap3A_46] {strides = array<i32>} : memref<5x128xi32, #tpu.memory_space<vmem>>, vector<16xi32>,
    tpu.vector_store %arg5[%swap3A_45, %swap3A_46], %add3A_44 {strides = array<i32>} : memref<5x128xi32, #tpu.memory_space<vmem>>, vector<16xi32>,
    %get3A_48 = arith.constant 0 : i32
    %get3A_49 = arith.index_cast %get3A_48 : i32 to index
    %get3A_50 = arith.constant 16 : index
    %get3A_51 = tpu.vector_load %arg4[%get3A_49, %get3A_50] {strides = array<i32>} : memref<4x640xi32, #tpu.memory_space<vmem>>, vector<16xi32>,
    %get3A_52 = arith.constant 1 : i32
    %get3A_53 = arith.index_cast %get3A_52 : i32 to index
    %get3A_54 = arith.constant 16 : index
    %get3A_55 = tpu.vector_load %arg4[%get3A_53, %get3A_54] {strides = array<i32>} : memref<4x640xi32, #tpu.memory_space<vmem>>, vector<16xi32>,
    %get3A_56 = arith.constant 2 : i32
    %get3A_57 = arith.index_cast %get3A_56 : i32 to index
    %get3A_58 = arith.constant 16 : index
    %get3A_59 = tpu.vector_load %arg4[%get3A_57, %get3A_58] {strides = array<i32>} : memref<4x640xi32, #tpu.memory_space<vmem>>, vector<16xi32>,
    %get3A_60 = arith.constant 3 : i32
    %get3A_61 = arith.index_cast %get3A_60 : i32 to index
    %get3A_62 = arith.constant 16 : index
    %get3A_63 = tpu.vector_load %arg4[%get3A_61, %get3A_62] {strides = array<i32>} : memref<4x640xi32, #tpu.memory_space<vmem>>, vector<16xi32>,
    %mul3A_64 = arith.constant 32 : i32
    %mul3A_65 = vector.broadcast %mul3A_64 : i32 to vector<16xi32>
    %mul3A_66 = arith.muli %get3A_51, %mul3A_65 : vector<16xi32>
    %add3A_67 = arith.addi %mul3A_66, %get3A_55 : vector<16xi32>
    %mul3A_68 = arith.constant 32 : i32
    %mul3A_69 = vector.broadcast %mul3A_68 : i32 to vector<16xi32>
    %mul3A_70 = arith.muli %add3A_67, %mul3A_69 : vector<16xi32>
    %add3A_71 = arith.addi %mul3A_70, %get3A_59 : vector<16xi32>
    %mul3A_72 = arith.constant 32 : i32
    %mul3A_73 = vector.broadcast %mul3A_72 : i32 to vector<16xi32>
    %mul3A_74 = arith.muli %add3A_71, %mul3A_73 : vector<16xi32>
    %add3A_75 = arith.addi %mul3A_74, %get3A_63 : vector<16xi32>
    %swap3A_76 = arith.constant 0 : i32
    %swap3A_77 = arith.index_cast %swap3A_76 : i32 to index
    %swap3A_78 = arith.constant 16 : index
    %swap3A_79 = tpu.vector_load %arg5[%swap3A_77, %swap3A_78] {strides = array<i32>} : memref<5x128xi32, #tpu.memory_space<vmem>>, vector<16xi32>,
    tpu.vector_store %arg5[%swap3A_77, %swap3A_78], %add3A_75 {strides = array<i32>} : memref<5x128xi32, #tpu.memory_space<vmem>>, vector<16xi32>,
    %get3A_80 = arith.constant 0 : i32
    %get3A_81 = arith.index_cast %get3A_80 : i32 to index
    %get3A_82 = arith.constant 32 : index
    %get3A_83 = tpu.vector_load %arg4[%get3A_81, %get3A_82] {strides = array<i32>} : memref<4x640xi32, #tpu.memory_space<vmem>>, vector<16xi32>,
    %get3A_84 = arith.constant 1 : i32
    %get3A_85 = arith.index_cast %get3A_84 : i32 to index
    %get3A_86 = arith.constant 32 : index
    %get3A_87 = tpu.vector_load %arg4[%get3A_85, %get3A_86] {strides = array<i32>} : memref<4x640xi32, #tpu.memory_space<vmem>>, vector<16xi32>,
    %get3A_88 = arith.constant 2 : i32
    %get3A_89 = arith.index_cast %get3A_88 : i32 to index
    %get3A_90 = arith.constant 32 : index
    %get3A_91 = tpu.vector_load %arg4[%get3A_89, %get3A_90] {strides = array<i32>} : memref<4x640xi32, #tpu.memory_space<vmem>>, vector<16xi32>,
    %get3A_92 = arith.constant 3 : i32
    %get3A_93 = arith.index_cast %get3A_92 : i32 to index
    %get3A_94 = arith.constant 32 : index
    %get3A_95 = tpu.vector_load %arg4[%get3A_93, %get3A_94] {strides = array<i32>} : memref<4x640xi32, #tpu.memory_space<vmem>>, vector<16xi32>,
    %mul3A_96 = arith.constant 32 : i32
    %mul3A_97 = vector.broadcast %mul3A_96 : i32 to vector<16xi32>
    %mul3A_98 = arith.muli %get3A_83, %mul3A_97 : vector<16xi32>
    %add3A_99 = arith.addi %mul3A_98, %get3A_87 : vector<16xi32>
    %mul3A_100 = arith.constant 32 : i32
    %mul3A_101 = vector.broadcast %mul3A_100 : i32 to vector<16xi32>
    %mul3A_102 = arith.muli %add3A_99, %mul3A_101 : vector<16xi32>
    %add3A_103 = arith.addi %mul3A_102, %get3A_91 : vector<16xi32>
    %mul3A_104 = arith.constant 32 : i32
    %mul3A_105 = vector.broadcast %mul3A_104 : i32 to vector<16xi32>
    %mul3A_106 = arith.muli %add3A_103, %mul3A_105 : vector<16xi32>
    %add3A_107 = arith.addi %mul3A_106, %get3A_95 : vector<16xi32>
    %swap3A_108 = arith.constant 0 : i32
    %swap3A_109 = arith.index_cast %swap3A_108 : i32 to index
    %swap3A_110 = arith.constant 32 : index
    %swap3A_111 = tpu.vector_load %arg5[%swap3A_109, %swap3A_110] {strides = array<i32>} : memref<5x128xi32, #tpu.memory_space<vmem>>, vector<16xi32>,
    tpu.vector_store %arg5[%swap3A_109, %swap3A_110], %add3A_107 {strides = array<i32>} : memref<5x128xi32, #tpu.memory_space<vmem>>, vector<16xi32>,
    %get3A_112 = arith.constant 0 : i32
    %get3A_113 = arith.index_cast %get3A_112 : i32 to index
    %get3A_114 = arith.constant 48 : index
    %get3A_115 = tpu.vector_load %arg4[%get3A_113, %get3A_114] {strides = array<i32>} : memref<4x640xi32, #tpu.memory_space<vmem>>, vector<16xi32>,
    %get3A_116 = arith.constant 1 : i32
    %get3A_117 = arith.index_cast %get3A_116 : i32 to index
    %get3A_118 = arith.constant 48 : index
    %get3A_119 = tpu.vector_load %arg4[%get3A_117, %get3A_118] {strides = array<i32>} : memref<4x640xi32, #tpu.memory_space<vmem>>, vector<16xi32>,
    %get3A_120 = arith.constant 2 : i32
    %get3A_121 = arith.index_cast %get3A_120 : i32 to index
    %get3A_122 = arith.constant 48 : index
    %get3A_123 = tpu.vector_load %arg4[%get3A_121, %get3A_122] {strides = array<i32>} : memref<4x640xi32, #tpu.memory_space<vmem>>, vector<16xi32>,
    %get3A_124 = arith.constant 3 : i32
    %get3A_125 = arith.index_cast %get3A_124 : i32 to index
    %get3A_126 = arith.constant 48 : index
    %get3A_127 = tpu.vector_load %arg4[%get3A_125, %get3A_126] {strides = array<i32>} : memref<4x640xi32, #tpu.memory_space<vmem>>, vector<16xi32>,
    %mul3A_128 = arith.constant 32 : i32
    %mul3A_129 = vector.broadcast %mul3A_128 : i32 to vector<16xi32>
    %mul3A_130 = arith.muli %get3A_115, %mul3A_129 : vector<16xi32>
    %add3A_131 = arith.addi %mul3A_130, %get3A_119 : vector<16xi32>
    %mul3A_132 = arith.constant 32 : i32
    %mul3A_133 = vector.broadcast %mul3A_132 : i32 to vector<16xi32>
    %mul3A_134 = arith.muli %add3A_131, %mul3A_133 : vector<16xi32>
    %add3A_135 = arith.addi %mul3A_134, %get3A_123 : vector<16xi32>
    %mul3A_136 = arith.constant 32 : i32
    %mul3A_137 = vector.broadcast %mul3A_136 : i32 to vector<16xi32>
    %mul3A_138 = arith.muli %add3A_135, %mul3A_137 : vector<16xi32>
    %add3A_139 = arith.addi %mul3A_138, %get3A_127 : vector<16xi32>
    %swap3A_140 = arith.constant 0 : i32
    %swap3A_141 = arith.index_cast %swap3A_140 : i32 to index
    %swap3A_142 = arith.constant 48 : index
    %swap3A_143 = tpu.vector_load %arg5[%swap3A_141, %swap3A_142] {strides = array<i32>} : memref<5x128xi32, #tpu.memory_space<vmem>>, vector<16xi32>,
    tpu.vector_store %arg5[%swap3A_141, %swap3A_142], %add3A_139 {strides = array<i32>} : memref<5x128xi32, #tpu.memory_space<vmem>>, vector<16xi32>,
    %get3A_144 = arith.constant 0 : i32
    %get3A_145 = arith.index_cast %get3A_144 : i32 to index
    %get3A_146 = arith.constant 64 : index
    %get3A_147 = tpu.vector_load %arg4[%get3A_145, %get3A_146] {strides = array<i32>} : memref<4x640xi32, #tpu.memory_space<vmem>>, vector<16xi32>,
    %get3A_148 = arith.constant 1 : i32
    %get3A_149 = arith.index_cast %get3A_148 : i32 to index
    %get3A_150 = arith.constant 64 : index
    %get3A_151 = tpu.vector_load %arg4[%get3A_149, %get3A_150] {strides = array<i32>} : memref<4x640xi32, #tpu.memory_space<vmem>>, vector<16xi32>,
    %get3A_152 = arith.constant 2 : i32
    %get3A_153 = arith.index_cast %get3A_152 : i32 to index
    %get3A_154 = arith.constant 64 : index
    %get3A_155 = tpu.vector_load %arg4[%get3A_153, %get3A_154] {strides = array<i32>} : memref<4x640xi32, #tpu.memory_space<vmem>>, vector<16xi32>,
    %get3A_156 = arith.constant 3 : i32
    %get3A_157 = arith.index_cast %get3A_156 : i32 to index
    %get3A_158 = arith.constant 64 : index
    %get3A_159 = tpu.vector_load %arg4[%get3A_157, %get3A_158] {strides = array<i32>} : memref<4x640xi32, #tpu.memory_space<vmem>>, vector<16xi32>,
    %mul3A_160 = arith.constant 32 : i32
    %mul3A_161 = vector.broadcast %mul3A_160 : i32 to vector<16xi32>
    %mul3A_162 = arith.muli %get3A_147, %mul3A_161 : vector<16xi32>
    %add3A_163 = arith.addi %mul3A_162, %get3A_151 : vector<16xi32>
    %mul3A_164 = arith.constant 32 : i32
    %mul3A_165 = vector.broadcast %mul3A_164 : i32 to vector<16xi32>
    %mul3A_166 = arith.muli %add3A_163, %mul3A_165 : vector<16xi32>
    %add3A_167 = arith.addi %mul3A_166, %get3A_155 : vector<16xi32>
    %mul3A_168 = arith.constant 32 : i32
    %mul3A_169 = vector.broadcast %mul3A_168 : i32 to vector<16xi32>
    %mul3A_170 = arith.muli %add3A_167, %mul3A_169 : vector<16xi32>
    %add3A_171 = arith.addi %mul3A_170, %get3A_159 : vector<16xi32>
    %swap3A_172 = arith.constant 0 : i32
    %swap3A_173 = arith.index_cast %swap3A_172 : i32 to index
    %swap3A_174 = arith.constant 64 : index
    %swap3A_175 = tpu.vector_load %arg5[%swap3A_173, %swap3A_174] {strides = array<i32>} : memref<5x128xi32, #tpu.memory_space<vmem>>, vector<16xi32>,
    tpu.vector_store %arg5[%swap3A_173, %swap3A_174], %add3A_171 {strides = array<i32>} : memref<5x128xi32, #tpu.memory_space<vmem>>, vector<16xi32>,
    %get3A_176 = arith.constant 0 : i32
    %get3A_177 = arith.index_cast %get3A_176 : i32 to index
    %get3A_178 = arith.constant 80 : index
    %get3A_179 = tpu.vector_load %arg4[%get3A_177, %get3A_178] {strides = array<i32>} : memref<4x640xi32, #tpu.memory_space<vmem>>, vector<16xi32>,
    %get3A_180 = arith.constant 1 : i32
    %get3A_181 = arith.index_cast %get3A_180 : i32 to index
    %get3A_182 = arith.constant 80 : index
    %get3A_183 = tpu.vector_load %arg4[%get3A_181, %get3A_182] {strides = array<i32>} : memref<4x640xi32, #tpu.memory_space<vmem>>, vector<16xi32>,
    %get3A_184 = arith.constant 2 : i32
    %get3A_185 = arith.index_cast %get3A_184 : i32 to index
    %get3A_186 = arith.constant 80 : index
    %get3A_187 = tpu.vector_load %arg4[%get3A_185, %get3A_186] {strides = array<i32>} : memref<4x640xi32, #tpu.memory_space<vmem>>, vector<16xi32>,
    %get3A_188 = arith.constant 3 : i32
    %get3A_189 = arith.index_cast %get3A_188 : i32 to index
    %get3A_190 = arith.constant 80 : index
    %get3A_191 = tpu.vector_load %arg4[%get3A_189, %get3A_190] {strides = array<i32>} : memref<4x640xi32, #tpu.memory_space<vmem>>, vector<16xi32>,
    %mul3A_192 = arith.constant 32 : i32
    %mul3A_193 = vector.broadcast %mul3A_192 : i32 to vector<16xi32>
    %mul3A_194 = arith.muli %get3A_179, %mul3A_193 : vector<16xi32>
    %add3A_195 = arith.addi %mul3A_194, %get3A_183 : vector<16xi32>
    %mul3A_196 = arith.constant 32 : i32
    %mul3A_197 = vector.broadcast %mul3A_196 : i32 to vector<16xi32>
    %mul3A_198 = arith.muli %add3A_195, %mul3A_197 : vector<16xi32>
    %add3A_199 = arith.addi %mul3A_198, %get3A_187 : vector<16xi32>
    %mul3A_200 = arith.constant 32 : i32
    %mul3A_201 = vector.broadcast %mul3A_200 : i32 to vector<16xi32>
    %mul3A_202 = arith.muli %add3A_199, %mul3A_201 : vector<16xi32>
    %add3A_203 = arith.addi %mul3A_202, %get3A_191 : vector<16xi32>
    %swap3A_204 = arith.constant 0 : i32
    %swap3A_205 = arith.index_cast %swap3A_204 : i32 to index
    %swap3A_206 = arith.constant 80 : index
    %swap3A_207 = tpu.vector_load %arg5[%swap3A_205, %swap3A_206] {strides = array<i32>} : memref<5x128xi32, #tpu.memory_space<vmem>>, vector<16xi32>,
    tpu.vector_store %arg5[%swap3A_205, %swap3A_206], %add3A_203 {strides = array<i32>} : memref<5x128xi32, #tpu.memory_space<vmem>>, vector<16xi32>,
    %get3A_208 = arith.constant 0 : i32
    %get3A_209 = arith.index_cast %get3A_208 : i32 to index
    %get3A_210 = arith.constant 96 : index
    %get3A_211 = tpu.vector_load %arg4[%get3A_209, %get3A_210] {strides = array<i32>} : memref<4x640xi32, #tpu.memory_space<vmem>>, vector<16xi32>,
    %get3A_212 = arith.constant 1 : i32
    %get3A_213 = arith.index_cast %get3A_212 : i32 to index
    %get3A_214 = arith.constant 96 : index
    %get3A_215 = tpu.vector_load %arg4[%get3A_213, %get3A_214] {strides = array<i32>} : memref<4x640xi32, #tpu.memory_space<vmem>>, vector<16xi32>,
    %get3A_216 = arith.constant 2 : i32
    %get3A_217 = arith.index_cast %get3A_216 : i32 to index
    %get3A_218 = arith.constant 96 : index
    %get3A_219 = tpu.vector_load %arg4[%get3A_217, %get3A_218] {strides = array<i32>} : memref<4x640xi32, #tpu.memory_space<vmem>>, vector<16xi32>,
    %get3A_220 = arith.constant 3 : i32
    %get3A_221 = arith.index_cast %get3A_220 : i32 to index
    %get3A_222 = arith.constant 96 : index
    %get3A_223 = tpu.vector_load %arg4[%get3A_221, %get3A_222] {strides = array<i32>} : memref<4x640xi32, #tpu.memory_space<vmem>>, vector<16xi32>,
    %mul3A_224 = arith.constant 32 : i32
    %mul3A_225 = vector.broadcast %mul3A_224 : i32 to vector<16xi32>
    %mul3A_226 = arith.muli %get3A_211, %mul3A_225 : vector<16xi32>
    %add3A_227 = arith.addi %mul3A_226, %get3A_215 : vector<16xi32>
    %mul3A_228 = arith.constant 32 : i32
    %mul3A_229 = vector.broadcast %mul3A_228 : i32 to vector<16xi32>
    %mul3A_230 = arith.muli %add3A_227, %mul3A_229 : vector<16xi32>
    %add3A_231 = arith.addi %mul3A_230, %get3A_219 : vector<16xi32>
    %mul3A_232 = arith.constant 32 : i32
    %mul3A_233 = vector.broadcast %mul3A_232 : i32 to vector<16xi32>
    %mul3A_234 = arith.muli %add3A_231, %mul3A_233 : vector<16xi32>
    %add3A_235 = arith.addi %mul3A_234, %get3A_223 : vector<16xi32>
    %swap3A_236 = arith.constant 0 : i32
    %swap3A_237 = arith.index_cast %swap3A_236 : i32 to index
    %swap3A_238 = arith.constant 96 : index
    %swap3A_239 = tpu.vector_load %arg5[%swap3A_237, %swap3A_238] {strides = array<i32>} : memref<5x128xi32, #tpu.memory_space<vmem>>, vector<16xi32>,
    tpu.vector_store %arg5[%swap3A_237, %swap3A_238], %add3A_235 {strides = array<i32>} : memref<5x128xi32, #tpu.memory_space<vmem>>, vector<16xi32>,
    %get3A_240 = arith.constant 0 : i32
    %get3A_241 = arith.index_cast %get3A_240 : i32 to index
    %get3A_242 = arith.constant 112 : index
    %get3A_243 = tpu.vector_load %arg4[%get3A_241, %get3A_242] {strides = array<i32>} : memref<4x640xi32, #tpu.memory_space<vmem>>, vector<16xi32>,
    %get3A_244 = arith.constant 1 : i32
    %get3A_245 = arith.index_cast %get3A_244 : i32 to index
    %get3A_246 = arith.constant 112 : index
    %get3A_247 = tpu.vector_load %arg4[%get3A_245, %get3A_246] {strides = array<i32>} : memref<4x640xi32, #tpu.memory_space<vmem>>, vector<16xi32>,
    %get3A_248 = arith.constant 2 : i32
    %get3A_249 = arith.index_cast %get3A_248 : i32 to index
    %get3A_250 = arith.constant 112 : index
    %get3A_251 = tpu.vector_load %arg4[%get3A_249, %get3A_250] {strides = array<i32>} : memref<4x640xi32, #tpu.memory_space<vmem>>, vector<16xi32>,
    %get3A_252 = arith.constant 3 : i32
    %get3A_253 = arith.index_cast %get3A_252 : i32 to index
    %get3A_254 = arith.constant 112 : index
    %get3A_255 = tpu.vector_load %arg4[%get3A_253, %get3A_254] {strides = array<i32>} : memref<4x640xi32, #tpu.memory_space<vmem>>, vector<16xi32>,
    %mul3A_256 = arith.constant 32 : i32
    %mul3A_257 = vector.broadcast %mul3A_256 : i32 to vector<16xi32>
    %mul3A_258 = arith.muli %get3A_243, %mul3A_257 : vector<16xi32>
    %add3A_259 = arith.addi %mul3A_258, %get3A_247 : vector<16xi32>
    %mul3A_260 = arith.constant 32 : i32
    %mul3A_261 = vector.broadcast %mul3A_260 : i32 to vector<16xi32>
    %mul3A_262 = arith.muli %add3A_259, %mul3A_261 : vector<16xi32>
    %add3A_263 = arith.addi %mul3A_262, %get3A_251 : vector<16xi32>
    %mul3A_264 = arith.constant 32 : i32
    %mul3A_265 = vector.broadcast %mul3A_264 : i32 to vector<16xi32>
    %mul3A_266 = arith.muli %add3A_263, %mul3A_265 : vector<16xi32>
    %add3A_267 = arith.addi %mul3A_266, %get3A_255 : vector<16xi32>
    %swap3A_268 = arith.constant 0 : i32
    %swap3A_269 = arith.index_cast %swap3A_268 : i32 to index
    %swap3A_270 = arith.constant 112 : index
    %swap3A_271 = tpu.vector_load %arg5[%swap3A_269, %swap3A_270] {strides = array<i32>} : memref<5x128xi32, #tpu.memory_space<vmem>>, vector<16xi32>,
    tpu.vector_store %arg5[%swap3A_269, %swap3A_270], %add3A_267 {strides = array<i32>} : memref<5x128xi32, #tpu.memory_space<vmem>>, vector<16xi32>,
    %get3A_272 = arith.constant 0 : i32
    %get3A_273 = arith.index_cast %get3A_272 : i32 to index
    %get3A_274 = arith.constant 128 : index
    %get3A_275 = tpu.vector_load %arg4[%get3A_273, %get3A_274] {strides = array<i32>} : memref<4x640xi32, #tpu.memory_space<vmem>>, vector<16xi32>,
    %get3A_276 = arith.constant 1 : i32
    %get3A_277 = arith.index_cast %get3A_276 : i32 to index
    %get3A_278 = arith.constant 128 : index
    %get3A_279 = tpu.vector_load %arg4[%get3A_277, %get3A_278] {strides = array<i32>} : memref<4x640xi32, #tpu.memory_space<vmem>>, vector<16xi32>,
    %get3A_280 = arith.constant 2 : i32
    %get3A_281 = arith.index_cast %get3A_280 : i32 to index
    %get3A_282 = arith.constant 128 : index
    %get3A_283 = tpu.vector_load %arg4[%get3A_281, %get3A_282] {strides = array<i32>} : memref<4x640xi32, #tpu.memory_space<vmem>>, vector<16xi32>,
    %get3A_284 = arith.constant 3 : i32
    %get3A_285 = arith.index_cast %get3A_284 : i32 to index
    %get3A_286 = arith.constant 128 : index
    %get3A_287 = tpu.vector_load %arg4[%get3A_285, %get3A_286] {strides = array<i32>} : memref<4x640xi32, #tpu.memory_space<vmem>>, vector<16xi32>,
    %mul3A_288 = arith.constant 32 : i32
    %mul3A_289 = vector.broadcast %mul3A_288 : i32 to vector<16xi32>
    %mul3A_290 = arith.muli %get3A_275, %mul3A_289 : vector<16xi32>
    %add3A_291 = arith.addi %mul3A_290, %get3A_279 : vector<16xi32>
    %mul3A_292 = arith.constant 32 : i32
    %mul3A_293 = vector.broadcast %mul3A_292 : i32 to vector<16xi32>
    %mul3A_294 = arith.muli %add3A_291, %mul3A_293 : vector<16xi32>
    %add3A_295 = arith.addi %mul3A_294, %get3A_283 : vector<16xi32>
    %mul3A_296 = arith.constant 32 : i32
    %mul3A_297 = vector.broadcast %mul3A_296 : i32 to vector<16xi32>
    %mul3A_298 = arith.muli %add3A_295, %mul3A_297 : vector<16xi32>
    %add3A_299 = arith.addi %mul3A_298, %get3A_287 : vector<16xi32>
    %swap3A_300 = arith.constant 1 : i32
    %swap3A_301 = arith.index_cast %swap3A_300 : i32 to index
    %swap3A_302 = arith.constant 0 : index
    %swap3A_303 = tpu.vector_load %arg5[%swap3A_301, %swap3A_302] {strides = array<i32>} : memref<5x128xi32, #tpu.memory_space<vmem>>, vector<16xi32>,
    tpu.vector_store %arg5[%swap3A_301, %swap3A_302], %add3A_299 {strides = array<i32>} : memref<5x128xi32, #tpu.memory_space<vmem>>, vector<16xi32>,
    %get3A_304 = arith.constant 0 : i32
    %get3A_305 = arith.index_cast %get3A_304 : i32 to index
    %get3A_306 = arith.constant 144 : index
    %get3A_307 = tpu.vector_load %arg4[%get3A_305, %get3A_306] {strides = array<i32>} : memref<4x640xi32, #tpu.memory_space<vmem>>, vector<16xi32>,
    %get3A_308 = arith.constant 1 : i32
    %get3A_309 = arith.index_cast %get3A_308 : i32 to index
    %get3A_310 = arith.constant 144 : index
    %get3A_311 = tpu.vector_load %arg4[%get3A_309, %get3A_310] {strides = array<i32>} : memref<4x640xi32, #tpu.memory_space<vmem>>, vector<16xi32>,
    %get3A_312 = arith.constant 2 : i32
    %get3A_313 = arith.index_cast %get3A_312 : i32 to index
    %get3A_314 = arith.constant 144 : index
    %get3A_315 = tpu.vector_load %arg4[%get3A_313, %get3A_314] {strides = array<i32>} : memref<4x640xi32, #tpu.memory_space<vmem>>, vector<16xi32>,
    %get3A_316 = arith.constant 3 : i32
    %get3A_317 = arith.index_cast %get3A_316 : i32 to index
    %get3A_318 = arith.constant 144 : index
    %get3A_319 = tpu.vector_load %arg4[%get3A_317, %get3A_318] {strides = array<i32>} : memref<4x640xi32, #tpu.memory_space<vmem>>, vector<16xi32>,
    %mul3A_320 = arith.constant 32 : i32
    %mul3A_321 = vector.broadcast %mul3A_320 : i32 to vector<16xi32>
    %mul3A_322 = arith.muli %get3A_307, %mul3A_321 : vector<16xi32>
    %add3A_323 = arith.addi %mul3A_322, %get3A_311 : vector<16xi32>
    %mul3A_324 = arith.constant 32 : i32
    %mul3A_325 = vector.broadcast %mul3A_324 : i32 to vector<16xi32>
    %mul3A_326 = arith.muli %add3A_323, %mul3A_325 : vector<16xi32>
    %add3A_327 = arith.addi %mul3A_326, %get3A_315 : vector<16xi32>
    %mul3A_328 = arith.constant 32 : i32
    %mul3A_329 = vector.broadcast %mul3A_328 : i32 to vector<16xi32>
    %mul3A_330 = arith.muli %add3A_327, %mul3A_329 : vector<16xi32>
    %add3A_331 = arith.addi %mul3A_330, %get3A_319 : vector<16xi32>
    %swap3A_332 = arith.constant 1 : i32
    %swap3A_333 = arith.index_cast %swap3A_332 : i32 to index
    %swap3A_334 = arith.constant 16 : index
    %swap3A_335 = tpu.vector_load %arg5[%swap3A_333, %swap3A_334] {strides = array<i32>} : memref<5x128xi32, #tpu.memory_space<vmem>>, vector<16xi32>,
    tpu.vector_store %arg5[%swap3A_333, %swap3A_334], %add3A_331 {strides = array<i32>} : memref<5x128xi32, #tpu.memory_space<vmem>>, vector<16xi32>,
    %get3A_336 = arith.constant 0 : i32
    %get3A_337 = arith.index_cast %get3A_336 : i32 to index
    %get3A_338 = arith.constant 160 : index
    %get3A_339 = tpu.vector_load %arg4[%get3A_337, %get3A_338] {strides = array<i32>} : memref<4x640xi32, #tpu.memory_space<vmem>>, vector<16xi32>,
    %get3A_340 = arith.constant 1 : i32
    %get3A_341 = arith.index_cast %get3A_340 : i32 to index
    %get3A_342 = arith.constant 160 : index
    %get3A_343 = tpu.vector_load %arg4[%get3A_341, %get3A_342] {strides = array<i32>} : memref<4x640xi32, #tpu.memory_space<vmem>>, vector<16xi32>,
    %get3A_344 = arith.constant 2 : i32
    %get3A_345 = arith.index_cast %get3A_344 : i32 to index
    %get3A_346 = arith.constant 160 : index
    %get3A_347 = tpu.vector_load %arg4[%get3A_345, %get3A_346] {strides = array<i32>} : memref<4x640xi32, #tpu.memory_space<vmem>>, vector<16xi32>,
    %get3A_348 = arith.constant 3 : i32
    %get3A_349 = arith.index_cast %get3A_348 : i32 to index
    %get3A_350 = arith.constant 160 : index
    %get3A_351 = tpu.vector_load %arg4[%get3A_349, %get3A_350] {strides = array<i32>} : memref<4x640xi32, #tpu.memory_space<vmem>>, vector<16xi32>,
    %mul3A_352 = arith.constant 32 : i32
    %mul3A_353 = vector.broadcast %mul3A_352 : i32 to vector<16xi32>
    %mul3A_354 = arith.muli %get3A_339, %mul3A_353 : vector<16xi32>
    %add3A_355 = arith.addi %mul3A_354, %get3A_343 : vector<16xi32>
    %mul3A_356 = arith.constant 32 : i32
    %mul3A_357 = vector.broadcast %mul3A_356 : i32 to vector<16xi32>
    %mul3A_358 = arith.muli %add3A_355, %mul3A_357 : vector<16xi32>
    %add3A_359 = arith.addi %mul3A_358, %get3A_347 : vector<16xi32>
    %mul3A_360 = arith.constant 32 : i32
    %mul3A_361 = vector.broadcast %mul3A_360 : i32 to vector<16xi32>
    %mul3A_362 = arith.muli %add3A_359, %mul3A_361 : vector<16xi32>
    %add3A_363 = arith.addi %mul3A_362, %get3A_351 : vector<16xi32>
    %swap3A_364 = arith.constant 1 : i32
    %swap3A_365 = arith.index_cast %swap3A_364 : i32 to index
    %swap3A_366 = arith.constant 32 : index
    %swap3A_367 = tpu.vector_load %arg5[%swap3A_365, %swap3A_366] {strides = array<i32>} : memref<5x128xi32, #tpu.memory_space<vmem>>, vector<16xi32>,
    tpu.vector_store %arg5[%swap3A_365, %swap3A_366], %add3A_363 {strides = array<i32>} : memref<5x128xi32, #tpu.memory_space<vmem>>, vector<16xi32>,
    %get3A_368 = arith.constant 0 : i32
    %get3A_369 = arith.index_cast %get3A_368 : i32 to index
    %get3A_370 = arith.constant 176 : index
    %get3A_371 = tpu.vector_load %arg4[%get3A_369, %get3A_370] {strides = array<i32>} : memref<4x640xi32, #tpu.memory_space<vmem>>, vector<16xi32>,
    %get3A_372 = arith.constant 1 : i32
    %get3A_373 = arith.index_cast %get3A_372 : i32 to index
    %get3A_374 = arith.constant 176 : index
    %get3A_375 = tpu.vector_load %arg4[%get3A_373, %get3A_374] {strides = array<i32>} : memref<4x640xi32, #tpu.memory_space<vmem>>, vector<16xi32>,
    %get3A_376 = arith.constant 2 : i32
    %get3A_377 = arith.index_cast %get3A_376 : i32 to index
    %get3A_378 = arith.constant 176 : index
    %get3A_379 = tpu.vector_load %arg4[%get3A_377, %get3A_378] {strides = array<i32>} : memref<4x640xi32, #tpu.memory_space<vmem>>, vector<16xi32>,
    %get3A_380 = arith.constant 3 : i32
    %get3A_381 = arith.index_cast %get3A_380 : i32 to index
    %get3A_382 = arith.constant 176 : index
    %get3A_383 = tpu.vector_load %arg4[%get3A_381, %get3A_382] {strides = array<i32>} : memref<4x640xi32, #tpu.memory_space<vmem>>, vector<16xi32>,
    %mul3A_384 = arith.constant 32 : i32
    %mul3A_385 = vector.broadcast %mul3A_384 : i32 to vector<16xi32>
    %mul3A_386 = arith.muli %get3A_371, %mul3A_385 : vector<16xi32>
    %add3A_387 = arith.addi %mul3A_386, %get3A_375 : vector<16xi32>
    %mul3A_388 = arith.constant 32 : i32
    %mul3A_389 = vector.broadcast %mul3A_388 : i32 to vector<16xi32>
    %mul3A_390 = arith.muli %add3A_387, %mul3A_389 : vector<16xi32>
    %add3A_391 = arith.addi %mul3A_390, %get3A_379 : vector<16xi32>
    %mul3A_392 = arith.constant 32 : i32
    %mul3A_393 = vector.broadcast %mul3A_392 : i32 to vector<16xi32>
    %mul3A_394 = arith.muli %add3A_391, %mul3A_393 : vector<16xi32>
    %add3A_395 = arith.addi %mul3A_394, %get3A_383 : vector<16xi32>
    %swap3A_396 = arith.constant 1 : i32
    %swap3A_397 = arith.index_cast %swap3A_396 : i32 to index
    %swap3A_398 = arith.constant 48 : index
    %swap3A_399 = tpu.vector_load %arg5[%swap3A_397, %swap3A_398] {strides = array<i32>} : memref<5x128xi32, #tpu.memory_space<vmem>>, vector<16xi32>,
    tpu.vector_store %arg5[%swap3A_397, %swap3A_398], %add3A_395 {strides = array<i32>} : memref<5x128xi32, #tpu.memory_space<vmem>>, vector<16xi32>,
    %get3A_400 = arith.constant 0 : i32
    %get3A_401 = arith.index_cast %get3A_400 : i32 to index
    %get3A_402 = arith.constant 192 : index
    %get3A_403 = tpu.vector_load %arg4[%get3A_401, %get3A_402] {strides = array<i32>} : memref<4x640xi32, #tpu.memory_space<vmem>>, vector<16xi32>,
    %get3A_404 = arith.constant 1 : i32
    %get3A_405 = arith.index_cast %get3A_404 : i32 to index
    %get3A_406 = arith.constant 192 : index
    %get3A_407 = tpu.vector_load %arg4[%get3A_405, %get3A_406] {strides = array<i32>} : memref<4x640xi32, #tpu.memory_space<vmem>>, vector<16xi32>,
    %get3A_408 = arith.constant 2 : i32
    %get3A_409 = arith.index_cast %get3A_408 : i32 to index
    %get3A_410 = arith.constant 192 : index
    %get3A_411 = tpu.vector_load %arg4[%get3A_409, %get3A_410] {strides = array<i32>} : memref<4x640xi32, #tpu.memory_space<vmem>>, vector<16xi32>,
    %get3A_412 = arith.constant 3 : i32
    %get3A_413 = arith.index_cast %get3A_412 : i32 to index
    %get3A_414 = arith.constant 192 : index
    %get3A_415 = tpu.vector_load %arg4[%get3A_413, %get3A_414] {strides = array<i32>} : memref<4x640xi32, #tpu.memory_space<vmem>>, vector<16xi32>,
    %mul3A_416 = arith.constant 32 : i32
    %mul3A_417 = vector.broadcast %mul3A_416 : i32 to vector<16xi32>
    %mul3A_418 = arith.muli %get3A_403, %mul3A_417 : vector<16xi32>
    %add3A_419 = arith.addi %mul3A_418, %get3A_407 : vector<16xi32>
    %mul3A_420 = arith.constant 32 : i32
    %mul3A_421 = vector.broadcast %mul3A_420 : i32 to vector<16xi32>
    %mul3A_422 = arith.muli %add3A_419, %mul3A_421 : vector<16xi32>
    %add3A_423 = arith.addi %mul3A_422, %get3A_411 : vector<16xi32>
    %mul3A_424 = arith.constant 32 : i32
    %mul3A_425 = vector.broadcast %mul3A_424 : i32 to vector<16xi32>
    %mul3A_426 = arith.muli %add3A_423, %mul3A_425 : vector<16xi32>
    %add3A_427 = arith.addi %mul3A_426, %get3A_415 : vector<16xi32>
    %swap3A_428 = arith.constant 1 : i32
    %swap3A_429 = arith.index_cast %swap3A_428 : i32 to index
    %swap3A_430 = arith.constant 64 : index
    %swap3A_431 = tpu.vector_load %arg5[%swap3A_429, %swap3A_430] {strides = array<i32>} : memref<5x128xi32, #tpu.memory_space<vmem>>, vector<16xi32>,
    tpu.vector_store %arg5[%swap3A_429, %swap3A_430], %add3A_427 {strides = array<i32>} : memref<5x128xi32, #tpu.memory_space<vmem>>, vector<16xi32>,
    %get3A_432 = arith.constant 0 : i32
    %get3A_433 = arith.index_cast %get3A_432 : i32 to index
    %get3A_434 = arith.constant 208 : index
    %get3A_435 = tpu.vector_load %arg4[%get3A_433, %get3A_434] {strides = array<i32>} : memref<4x640xi32, #tpu.memory_space<vmem>>, vector<16xi32>,
    %get3A_436 = arith.constant 1 : i32
    %get3A_437 = arith.index_cast %get3A_436 : i32 to index
    %get3A_438 = arith.constant 208 : index
    %get3A_439 = tpu.vector_load %arg4[%get3A_437, %get3A_438] {strides = array<i32>} : memref<4x640xi32, #tpu.memory_space<vmem>>, vector<16xi32>,
    %get3A_440 = arith.constant 2 : i32
    %get3A_441 = arith.index_cast %get3A_440 : i32 to index
    %get3A_442 = arith.constant 208 : index
    %get3A_443 = tpu.vector_load %arg4[%get3A_441, %get3A_442] {strides = array<i32>} : memref<4x640xi32, #tpu.memory_space<vmem>>, vector<16xi32>,
    %get3A_444 = arith.constant 3 : i32
    %get3A_445 = arith.index_cast %get3A_444 : i32 to index
    %get3A_446 = arith.constant 208 : index
    %get3A_447 = tpu.vector_load %arg4[%get3A_445, %get3A_446] {strides = array<i32>} : memref<4x640xi32, #tpu.memory_space<vmem>>, vector<16xi32>,
    %mul3A_448 = arith.constant 32 : i32
    %mul3A_449 = vector.broadcast %mul3A_448 : i32 to vector<16xi32>
    %mul3A_450 = arith.muli %get3A_435, %mul3A_449 : vector<16xi32>
    %add3A_451 = arith.addi %mul3A_450, %get3A_439 : vector<16xi32>
    %mul3A_452 = arith.constant 32 : i32
    %mul3A_453 = vector.broadcast %mul3A_452 : i32 to vector<16xi32>
    %mul3A_454 = arith.muli %add3A_451, %mul3A_453 : vector<16xi32>
    %add3A_455 = arith.addi %mul3A_454, %get3A_443 : vector<16xi32>
    %mul3A_456 = arith.constant 32 : i32
    %mul3A_457 = vector.broadcast %mul3A_456 : i32 to vector<16xi32>
    %mul3A_458 = arith.muli %add3A_455, %mul3A_457 : vector<16xi32>
    %add3A_459 = arith.addi %mul3A_458, %get3A_447 : vector<16xi32>
    %swap3A_460 = arith.constant 1 : i32
    %swap3A_461 = arith.index_cast %swap3A_460 : i32 to index
    %swap3A_462 = arith.constant 80 : index
    %swap3A_463 = tpu.vector_load %arg5[%swap3A_461, %swap3A_462] {strides = array<i32>} : memref<5x128xi32, #tpu.memory_space<vmem>>, vector<16xi32>,
    tpu.vector_store %arg5[%swap3A_461, %swap3A_462], %add3A_459 {strides = array<i32>} : memref<5x128xi32, #tpu.memory_space<vmem>>, vector<16xi32>,
    %get3A_464 = arith.constant 0 : i32
    %get3A_465 = arith.index_cast %get3A_464 : i32 to index
    %get3A_466 = arith.constant 224 : index
    %get3A_467 = tpu.vector_load %arg4[%get3A_465, %get3A_466] {strides = array<i32>} : memref<4x640xi32, #tpu.memory_space<vmem>>, vector<16xi32>,
    %get3A_468 = arith.constant 1 : i32
    %get3A_469 = arith.index_cast %get3A_468 : i32 to index
    %get3A_470 = arith.constant 224 : index
    %get3A_471 = tpu.vector_load %arg4[%get3A_469, %get3A_470] {strides = array<i32>} : memref<4x640xi32, #tpu.memory_space<vmem>>, vector<16xi32>,
    %get3A_472 = arith.constant 2 : i32
    %get3A_473 = arith.index_cast %get3A_472 : i32 to index
    %get3A_474 = arith.constant 224 : index
    %get3A_475 = tpu.vector_load %arg4[%get3A_473, %get3A_474] {strides = array<i32>} : memref<4x640xi32, #tpu.memory_space<vmem>>, vector<16xi32>,
    %get3A_476 = arith.constant 3 : i32
    %get3A_477 = arith.index_cast %get3A_476 : i32 to index
    %get3A_478 = arith.constant 224 : index
    %get3A_479 = tpu.vector_load %arg4[%get3A_477, %get3A_478] {strides = array<i32>} : memref<4x640xi32, #tpu.memory_space<vmem>>, vector<16xi32>,
    %mul3A_480 = arith.constant 32 : i32
    %mul3A_481 = vector.broadcast %mul3A_480 : i32 to vector<16xi32>
    %mul3A_482 = arith.muli %get3A_467, %mul3A_481 : vector<16xi32>
    %add3A_483 = arith.addi %mul3A_482, %get3A_471 : vector<16xi32>
    %mul3A_484 = arith.constant 32 : i32
    %mul3A_485 = vector.broadcast %mul3A_484 : i32 to vector<16xi32>
    %mul3A_486 = arith.muli %add3A_483, %mul3A_485 : vector<16xi32>
    %add3A_487 = arith.addi %mul3A_486, %get3A_475 : vector<16xi32>
    %mul3A_488 = arith.constant 32 : i32
    %mul3A_489 = vector.broadcast %mul3A_488 : i32 to vector<16xi32>
    %mul3A_490 = arith.muli %add3A_487, %mul3A_489 : vector<16xi32>
    %add3A_491 = arith.addi %mul3A_490, %get3A_479 : vector<16xi32>
    %swap3A_492 = arith.constant 1 : i32
    %swap3A_493 = arith.index_cast %swap3A_492 : i32 to index
    %swap3A_494 = arith.constant 96 : index
    %swap3A_495 = tpu.vector_load %arg5[%swap3A_493, %swap3A_494] {strides = array<i32>} : memref<5x128xi32, #tpu.memory_space<vmem>>, vector<16xi32>,
    tpu.vector_store %arg5[%swap3A_493, %swap3A_494], %add3A_491 {strides = array<i32>} : memref<5x128xi32, #tpu.memory_space<vmem>>, vector<16xi32>,
    %get3A_496 = arith.constant 0 : i32
    %get3A_497 = arith.index_cast %get3A_496 : i32 to index
    %get3A_498 = arith.constant 240 : index
    %get3A_499 = tpu.vector_load %arg4[%get3A_497, %get3A_498] {strides = array<i32>} : memref<4x640xi32, #tpu.memory_space<vmem>>, vector<16xi32>,
    %get3A_500 = arith.constant 1 : i32
    %get3A_501 = arith.index_cast %get3A_500 : i32 to index
    %get3A_502 = arith.constant 240 : index
    %get3A_503 = tpu.vector_load %arg4[%get3A_501, %get3A_502] {strides = array<i32>} : memref<4x640xi32, #tpu.memory_space<vmem>>, vector<16xi32>,
    %get3A_504 = arith.constant 2 : i32
    %get3A_505 = arith.index_cast %get3A_504 : i32 to index
    %get3A_506 = arith.constant 240 : index
    %get3A_507 = tpu.vector_load %arg4[%get3A_505, %get3A_506] {strides = array<i32>} : memref<4x640xi32, #tpu.memory_space<vmem>>, vector<16xi32>,
    %get3A_508 = arith.constant 3 : i32
    %get3A_509 = arith.index_cast %get3A_508 : i32 to index
    %get3A_510 = arith.constant 240 : index
    %get3A_511 = tpu.vector_load %arg4[%get3A_509, %get3A_510] {strides = array<i32>} : memref<4x640xi32, #tpu.memory_space<vmem>>, vector<16xi32>,
    %mul3A_512 = arith.constant 32 : i32
    %mul3A_513 = vector.broadcast %mul3A_512 : i32 to vector<16xi32>
    %mul3A_514 = arith.muli %get3A_499, %mul3A_513 : vector<16xi32>
    %add3A_515 = arith.addi %mul3A_514, %get3A_503 : vector<16xi32>
    %mul3A_516 = arith.constant 32 : i32
    %mul3A_517 = vector.broadcast %mul3A_516 : i32 to vector<16xi32>
    %mul3A_518 = arith.muli %add3A_515, %mul3A_517 : vector<16xi32>
    %add3A_519 = arith.addi %mul3A_518, %get3A_507 : vector<16xi32>
    %mul3A_520 = arith.constant 32 : i32
    %mul3A_521 = vector.broadcast %mul3A_520 : i32 to vector<16xi32>
    %mul3A_522 = arith.muli %add3A_519, %mul3A_521 : vector<16xi32>
    %add3A_523 = arith.addi %mul3A_522, %get3A_511 : vector<16xi32>
    %swap3A_524 = arith.constant 1 : i32
    %swap3A_525 = arith.index_cast %swap3A_524 : i32 to index
    %swap3A_526 = arith.constant 112 : index
    %swap3A_527 = tpu.vector_load %arg5[%swap3A_525, %swap3A_526] {strides = array<i32>} : memref<5x128xi32, #tpu.memory_space<vmem>>, vector<16xi32>,
    tpu.vector_store %arg5[%swap3A_525, %swap3A_526], %add3A_523 {strides = array<i32>} : memref<5x128xi32, #tpu.memory_space<vmem>>, vector<16xi32>,
    %get3A_528 = arith.constant 0 : i32
    %get3A_529 = arith.index_cast %get3A_528 : i32 to index
    %get3A_530 = arith.constant 256 : index
    %get3A_531 = tpu.vector_load %arg4[%get3A_529, %get3A_530] {strides = array<i32>} : memref<4x640xi32, #tpu.memory_space<vmem>>, vector<16xi32>,
    %get3A_532 = arith.constant 1 : i32
    %get3A_533 = arith.index_cast %get3A_532 : i32 to index
    %get3A_534 = arith.constant 256 : index
    %get3A_535 = tpu.vector_load %arg4[%get3A_533, %get3A_534] {strides = array<i32>} : memref<4x640xi32, #tpu.memory_space<vmem>>, vector<16xi32>,
    %get3A_536 = arith.constant 2 : i32
    %get3A_537 = arith.index_cast %get3A_536 : i32 to index
    %get3A_538 = arith.constant 256 : index
    %get3A_539 = tpu.vector_load %arg4[%get3A_537, %get3A_538] {strides = array<i32>} : memref<4x640xi32, #tpu.memory_space<vmem>>, vector<16xi32>,
    %get3A_540 = arith.constant 3 : i32
    %get3A_541 = arith.index_cast %get3A_540 : i32 to index
    %get3A_542 = arith.constant 256 : index
    %get3A_543 = tpu.vector_load %arg4[%get3A_541, %get3A_542] {strides = array<i32>} : memref<4x640xi32, #tpu.memory_space<vmem>>, vector<16xi32>,
    %mul3A_544 = arith.constant 32 : i32
    %mul3A_545 = vector.broadcast %mul3A_544 : i32 to vector<16xi32>
    %mul3A_546 = arith.muli %get3A_531, %mul3A_545 : vector<16xi32>
    %add3A_547 = arith.addi %mul3A_546, %get3A_535 : vector<16xi32>
    %mul3A_548 = arith.constant 32 : i32
    %mul3A_549 = vector.broadcast %mul3A_548 : i32 to vector<16xi32>
    %mul3A_550 = arith.muli %add3A_547, %mul3A_549 : vector<16xi32>
    %add3A_551 = arith.addi %mul3A_550, %get3A_539 : vector<16xi32>
    %mul3A_552 = arith.constant 32 : i32
    %mul3A_553 = vector.broadcast %mul3A_552 : i32 to vector<16xi32>
    %mul3A_554 = arith.muli %add3A_551, %mul3A_553 : vector<16xi32>
    %add3A_555 = arith.addi %mul3A_554, %get3A_543 : vector<16xi32>
    %swap3A_556 = arith.constant 2 : i32
    %swap3A_557 = arith.index_cast %swap3A_556 : i32 to index
    %swap3A_558 = arith.constant 0 : index
    %swap3A_559 = tpu.vector_load %arg5[%swap3A_557, %swap3A_558] {strides = array<i32>} : memref<5x128xi32, #tpu.memory_space<vmem>>, vector<16xi32>,
    tpu.vector_store %arg5[%swap3A_557, %swap3A_558], %add3A_555 {strides = array<i32>} : memref<5x128xi32, #tpu.memory_space<vmem>>, vector<16xi32>,
    %get3A_560 = arith.constant 0 : i32
    %get3A_561 = arith.index_cast %get3A_560 : i32 to index
    %get3A_562 = arith.constant 272 : index
    %get3A_563 = tpu.vector_load %arg4[%get3A_561, %get3A_562] {strides = array<i32>} : memref<4x640xi32, #tpu.memory_space<vmem>>, vector<16xi32>,
    %get3A_564 = arith.constant 1 : i32
    %get3A_565 = arith.index_cast %get3A_564 : i32 to index
    %get3A_566 = arith.constant 272 : index
    %get3A_567 = tpu.vector_load %arg4[%get3A_565, %get3A_566] {strides = array<i32>} : memref<4x640xi32, #tpu.memory_space<vmem>>, vector<16xi32>,
    %get3A_568 = arith.constant 2 : i32
    %get3A_569 = arith.index_cast %get3A_568 : i32 to index
    %get3A_570 = arith.constant 272 : index
    %get3A_571 = tpu.vector_load %arg4[%get3A_569, %get3A_570] {strides = array<i32>} : memref<4x640xi32, #tpu.memory_space<vmem>>, vector<16xi32>,
    %get3A_572 = arith.constant 3 : i32
    %get3A_573 = arith.index_cast %get3A_572 : i32 to index
    %get3A_574 = arith.constant 272 : index
    %get3A_575 = tpu.vector_load %arg4[%get3A_573, %get3A_574] {strides = array<i32>} : memref<4x640xi32, #tpu.memory_space<vmem>>, vector<16xi32>,
    %mul3A_576 = arith.constant 32 : i32
    %mul3A_577 = vector.broadcast %mul3A_576 : i32 to vector<16xi32>
    %mul3A_578 = arith.muli %get3A_563, %mul3A_577 : vector<16xi32>
    %add3A_579 = arith.addi %mul3A_578, %get3A_567 : vector<16xi32>
    %mul3A_580 = arith.constant 32 : i32
    %mul3A_581 = vector.broadcast %mul3A_580 : i32 to vector<16xi32>
    %mul3A_582 = arith.muli %add3A_579, %mul3A_581 : vector<16xi32>
    %add3A_583 = arith.addi %mul3A_582, %get3A_571 : vector<16xi32>
    %mul3A_584 = arith.constant 32 : i32
    %mul3A_585 = vector.broadcast %mul3A_584 : i32 to vector<16xi32>
    %mul3A_586 = arith.muli %add3A_583, %mul3A_585 : vector<16xi32>
    %add3A_587 = arith.addi %mul3A_586, %get3A_575 : vector<16xi32>
    %swap3A_588 = arith.constant 2 : i32
    %swap3A_589 = arith.index_cast %swap3A_588 : i32 to index
    %swap3A_590 = arith.constant 16 : index
    %swap3A_591 = tpu.vector_load %arg5[%swap3A_589, %swap3A_590] {strides = array<i32>} : memref<5x128xi32, #tpu.memory_space<vmem>>, vector<16xi32>,
    tpu.vector_store %arg5[%swap3A_589, %swap3A_590], %add3A_587 {strides = array<i32>} : memref<5x128xi32, #tpu.memory_space<vmem>>, vector<16xi32>,
    %get3A_592 = arith.constant 0 : i32
    %get3A_593 = arith.index_cast %get3A_592 : i32 to index
    %get3A_594 = arith.constant 288 : index
    %get3A_595 = tpu.vector_load %arg4[%get3A_593, %get3A_594] {strides = array<i32>} : memref<4x640xi32, #tpu.memory_space<vmem>>, vector<16xi32>,
    %get3A_596 = arith.constant 1 : i32
    %get3A_597 = arith.index_cast %get3A_596 : i32 to index
    %get3A_598 = arith.constant 288 : index
    %get3A_599 = tpu.vector_load %arg4[%get3A_597, %get3A_598] {strides = array<i32>} : memref<4x640xi32, #tpu.memory_space<vmem>>, vector<16xi32>,
    %get3A_600 = arith.constant 2 : i32
    %get3A_601 = arith.index_cast %get3A_600 : i32 to index
    %get3A_602 = arith.constant 288 : index
    %get3A_603 = tpu.vector_load %arg4[%get3A_601, %get3A_602] {strides = array<i32>} : memref<4x640xi32, #tpu.memory_space<vmem>>, vector<16xi32>,
    %get3A_604 = arith.constant 3 : i32
    %get3A_605 = arith.index_cast %get3A_604 : i32 to index
    %get3A_606 = arith.constant 288 : index
    %get3A_607 = tpu.vector_load %arg4[%get3A_605, %get3A_606] {strides = array<i32>} : memref<4x640xi32, #tpu.memory_space<vmem>>, vector<16xi32>,
    %mul3A_608 = arith.constant 32 : i32
    %mul3A_609 = vector.broadcast %mul3A_608 : i32 to vector<16xi32>
    %mul3A_610 = arith.muli %get3A_595, %mul3A_609 : vector<16xi32>
    %add3A_611 = arith.addi %mul3A_610, %get3A_599 : vector<16xi32>
    %mul3A_612 = arith.constant 32 : i32
    %mul3A_613 = vector.broadcast %mul3A_612 : i32 to vector<16xi32>
    %mul3A_614 = arith.muli %add3A_611, %mul3A_613 : vector<16xi32>
    %add3A_615 = arith.addi %mul3A_614, %get3A_603 : vector<16xi32>
    %mul3A_616 = arith.constant 32 : i32
    %mul3A_617 = vector.broadcast %mul3A_616 : i32 to vector<16xi32>
    %mul3A_618 = arith.muli %add3A_615, %mul3A_617 : vector<16xi32>
    %add3A_619 = arith.addi %mul3A_618, %get3A_607 : vector<16xi32>
    %swap3A_620 = arith.constant 2 : i32
    %swap3A_621 = arith.index_cast %swap3A_620 : i32 to index
    %swap3A_622 = arith.constant 32 : index
    %swap3A_623 = tpu.vector_load %arg5[%swap3A_621, %swap3A_622] {strides = array<i32>} : memref<5x128xi32, #tpu.memory_space<vmem>>, vector<16xi32>,
    tpu.vector_store %arg5[%swap3A_621, %swap3A_622], %add3A_619 {strides = array<i32>} : memref<5x128xi32, #tpu.memory_space<vmem>>, vector<16xi32>,
    %get3A_624 = arith.constant 0 : i32
    %get3A_625 = arith.index_cast %get3A_624 : i32 to index
    %get3A_626 = arith.constant 304 : index
    %get3A_627 = tpu.vector_load %arg4[%get3A_625, %get3A_626] {strides = array<i32>} : memref<4x640xi32, #tpu.memory_space<vmem>>, vector<16xi32>,
    %get3A_628 = arith.constant 1 : i32
    %get3A_629 = arith.index_cast %get3A_628 : i32 to index
    %get3A_630 = arith.constant 304 : index
    %get3A_631 = tpu.vector_load %arg4[%get3A_629, %get3A_630] {strides = array<i32>} : memref<4x640xi32, #tpu.memory_space<vmem>>, vector<16xi32>,
    %get3A_632 = arith.constant 2 : i32
    %get3A_633 = arith.index_cast %get3A_632 : i32 to index
    %get3A_634 = arith.constant 304 : index
    %get3A_635 = tpu.vector_load %arg4[%get3A_633, %get3A_634] {strides = array<i32>} : memref<4x640xi32, #tpu.memory_space<vmem>>, vector<16xi32>,
    %get3A_636 = arith.constant 3 : i32
    %get3A_637 = arith.index_cast %get3A_636 : i32 to index
    %get3A_638 = arith.constant 304 : index
    %get3A_639 = tpu.vector_load %arg4[%get3A_637, %get3A_638] {strides = array<i32>} : memref<4x640xi32, #tpu.memory_space<vmem>>, vector<16xi32>,
    %mul3A_640 = arith.constant 32 : i32
    %mul3A_641 = vector.broadcast %mul3A_640 : i32 to vector<16xi32>
    %mul3A_642 = arith.muli %get3A_627, %mul3A_641 : vector<16xi32>
    %add3A_643 = arith.addi %mul3A_642, %get3A_631 : vector<16xi32>
    %mul3A_644 = arith.constant 32 : i32
    %mul3A_645 = vector.broadcast %mul3A_644 : i32 to vector<16xi32>
    %mul3A_646 = arith.muli %add3A_643, %mul3A_645 : vector<16xi32>
    %add3A_647 = arith.addi %mul3A_646, %get3A_635 : vector<16xi32>
    %mul3A_648 = arith.constant 32 : i32
    %mul3A_649 = vector.broadcast %mul3A_648 : i32 to vector<16xi32>
    %mul3A_650 = arith.muli %add3A_647, %mul3A_649 : vector<16xi32>
    %add3A_651 = arith.addi %mul3A_650, %get3A_639 : vector<16xi32>
    %swap3A_652 = arith.constant 2 : i32
    %swap3A_653 = arith.index_cast %swap3A_652 : i32 to index
    %swap3A_654 = arith.constant 48 : index
    %swap3A_655 = tpu.vector_load %arg5[%swap3A_653, %swap3A_654] {strides = array<i32>} : memref<5x128xi32, #tpu.memory_space<vmem>>, vector<16xi32>,
    tpu.vector_store %arg5[%swap3A_653, %swap3A_654], %add3A_651 {strides = array<i32>} : memref<5x128xi32, #tpu.memory_space<vmem>>, vector<16xi32>,
    %get3A_656 = arith.constant 0 : i32
    %get3A_657 = arith.index_cast %get3A_656 : i32 to index
    %get3A_658 = arith.constant 320 : index
    %get3A_659 = tpu.vector_load %arg4[%get3A_657, %get3A_658] {strides = array<i32>} : memref<4x640xi32, #tpu.memory_space<vmem>>, vector<16xi32>,
    %get3A_660 = arith.constant 1 : i32
    %get3A_661 = arith.index_cast %get3A_660 : i32 to index
    %get3A_662 = arith.constant 320 : index
    %get3A_663 = tpu.vector_load %arg4[%get3A_661, %get3A_662] {strides = array<i32>} : memref<4x640xi32, #tpu.memory_space<vmem>>, vector<16xi32>,
    %get3A_664 = arith.constant 2 : i32
    %get3A_665 = arith.index_cast %get3A_664 : i32 to index
    %get3A_666 = arith.constant 320 : index
    %get3A_667 = tpu.vector_load %arg4[%get3A_665, %get3A_666] {strides = array<i32>} : memref<4x640xi32, #tpu.memory_space<vmem>>, vector<16xi32>,
    %get3A_668 = arith.constant 3 : i32
    %get3A_669 = arith.index_cast %get3A_668 : i32 to index
    %get3A_670 = arith.constant 320 : index
    %get3A_671 = tpu.vector_load %arg4[%get3A_669, %get3A_670] {strides = array<i32>} : memref<4x640xi32, #tpu.memory_space<vmem>>, vector<16xi32>,
    %mul3A_672 = arith.constant 32 : i32
    %mul3A_673 = vector.broadcast %mul3A_672 : i32 to vector<16xi32>
    %mul3A_674 = arith.muli %get3A_659, %mul3A_673 : vector<16xi32>
    %add3A_675 = arith.addi %mul3A_674, %get3A_663 : vector<16xi32>
    %mul3A_676 = arith.constant 32 : i32
    %mul3A_677 = vector.broadcast %mul3A_676 : i32 to vector<16xi32>
    %mul3A_678 = arith.muli %add3A_675, %mul3A_677 : vector<16xi32>
    %add3A_679 = arith.addi %mul3A_678, %get3A_667 : vector<16xi32>
    %mul3A_680 = arith.constant 32 : i32
    %mul3A_681 = vector.broadcast %mul3A_680 : i32 to vector<16xi32>
    %mul3A_682 = arith.muli %add3A_679, %mul3A_681 : vector<16xi32>
    %add3A_683 = arith.addi %mul3A_682, %get3A_671 : vector<16xi32>
    %swap3A_684 = arith.constant 2 : i32
    %swap3A_685 = arith.index_cast %swap3A_684 : i32 to index
    %swap3A_686 = arith.constant 64 : index
    %swap3A_687 = tpu.vector_load %arg5[%swap3A_685, %swap3A_686] {strides = array<i32>} : memref<5x128xi32, #tpu.memory_space<vmem>>, vector<16xi32>,
    tpu.vector_store %arg5[%swap3A_685, %swap3A_686], %add3A_683 {strides = array<i32>} : memref<5x128xi32, #tpu.memory_space<vmem>>, vector<16xi32>,
    %get3A_688 = arith.constant 0 : i32
    %get3A_689 = arith.index_cast %get3A_688 : i32 to index
    %get3A_690 = arith.constant 336 : index
    %get3A_691 = tpu.vector_load %arg4[%get3A_689, %get3A_690] {strides = array<i32>} : memref<4x640xi32, #tpu.memory_space<vmem>>, vector<16xi32>,
    %get3A_692 = arith.constant 1 : i32
    %get3A_693 = arith.index_cast %get3A_692 : i32 to index
    %get3A_694 = arith.constant 336 : index
    %get3A_695 = tpu.vector_load %arg4[%get3A_693, %get3A_694] {strides = array<i32>} : memref<4x640xi32, #tpu.memory_space<vmem>>, vector<16xi32>,
    %get3A_696 = arith.constant 2 : i32
    %get3A_697 = arith.index_cast %get3A_696 : i32 to index
    %get3A_698 = arith.constant 336 : index
    %get3A_699 = tpu.vector_load %arg4[%get3A_697, %get3A_698] {strides = array<i32>} : memref<4x640xi32, #tpu.memory_space<vmem>>, vector<16xi32>,
    %get3A_700 = arith.constant 3 : i32
    %get3A_701 = arith.index_cast %get3A_700 : i32 to index
    %get3A_702 = arith.constant 336 : index
    %get3A_703 = tpu.vector_load %arg4[%get3A_701, %get3A_702] {strides = array<i32>} : memref<4x640xi32, #tpu.memory_space<vmem>>, vector<16xi32>,
    %mul3A_704 = arith.constant 32 : i32
    %mul3A_705 = vector.broadcast %mul3A_704 : i32 to vector<16xi32>
    %mul3A_706 = arith.muli %get3A_691, %mul3A_705 : vector<16xi32>
    %add3A_707 = arith.addi %mul3A_706, %get3A_695 : vector<16xi32>
    %mul3A_708 = arith.constant 32 : i32
    %mul3A_709 = vector.broadcast %mul3A_708 : i32 to vector<16xi32>
    %mul3A_710 = arith.muli %add3A_707, %mul3A_709 : vector<16xi32>
    %add3A_711 = arith.addi %mul3A_710, %get3A_699 : vector<16xi32>
    %mul3A_712 = arith.constant 32 : i32
    %mul3A_713 = vector.broadcast %mul3A_712 : i32 to vector<16xi32>
    %mul3A_714 = arith.muli %add3A_711, %mul3A_713 : vector<16xi32>
    %add3A_715 = arith.addi %mul3A_714, %get3A_703 : vector<16xi32>
    %swap3A_716 = arith.constant 2 : i32
    %swap3A_717 = arith.index_cast %swap3A_716 : i32 to index
    %swap3A_718 = arith.constant 80 : index
    %swap3A_719 = tpu.vector_load %arg5[%swap3A_717, %swap3A_718] {strides = array<i32>} : memref<5x128xi32, #tpu.memory_space<vmem>>, vector<16xi32>,
    tpu.vector_store %arg5[%swap3A_717, %swap3A_718], %add3A_715 {strides = array<i32>} : memref<5x128xi32, #tpu.memory_space<vmem>>, vector<16xi32>,
    %get3A_720 = arith.constant 0 : i32
    %get3A_721 = arith.index_cast %get3A_720 : i32 to index
    %get3A_722 = arith.constant 352 : index
    %get3A_723 = tpu.vector_load %arg4[%get3A_721, %get3A_722] {strides = array<i32>} : memref<4x640xi32, #tpu.memory_space<vmem>>, vector<16xi32>,
    %get3A_724 = arith.constant 1 : i32
    %get3A_725 = arith.index_cast %get3A_724 : i32 to index
    %get3A_726 = arith.constant 352 : index
    %get3A_727 = tpu.vector_load %arg4[%get3A_725, %get3A_726] {strides = array<i32>} : memref<4x640xi32, #tpu.memory_space<vmem>>, vector<16xi32>,
    %get3A_728 = arith.constant 2 : i32
    %get3A_729 = arith.index_cast %get3A_728 : i32 to index
    %get3A_730 = arith.constant 352 : index
    %get3A_731 = tpu.vector_load %arg4[%get3A_729, %get3A_730] {strides = array<i32>} : memref<4x640xi32, #tpu.memory_space<vmem>>, vector<16xi32>,
    %get3A_732 = arith.constant 3 : i32
    %get3A_733 = arith.index_cast %get3A_732 : i32 to index
    %get3A_734 = arith.constant 352 : index
    %get3A_735 = tpu.vector_load %arg4[%get3A_733, %get3A_734] {strides = array<i32>} : memref<4x640xi32, #tpu.memory_space<vmem>>, vector<16xi32>,
    %mul3A_736 = arith.constant 32 : i32
    %mul3A_737 = vector.broadcast %mul3A_736 : i32 to vector<16xi32>
    %mul3A_738 = arith.muli %get3A_723, %mul3A_737 : vector<16xi32>
    %add3A_739 = arith.addi %mul3A_738, %get3A_727 : vector<16xi32>
    %mul3A_740 = arith.constant 32 : i32
    %mul3A_741 = vector.broadcast %mul3A_740 : i32 to vector<16xi32>
    %mul3A_742 = arith.muli %add3A_739, %mul3A_741 : vector<16xi32>
    %add3A_743 = arith.addi %mul3A_742, %get3A_731 : vector<16xi32>
    %mul3A_744 = arith.constant 32 : i32
    %mul3A_745 = vector.broadcast %mul3A_744 : i32 to vector<16xi32>
    %mul3A_746 = arith.muli %add3A_743, %mul3A_745 : vector<16xi32>
    %add3A_747 = arith.addi %mul3A_746, %get3A_735 : vector<16xi32>
    %swap3A_748 = arith.constant 2 : i32
    %swap3A_749 = arith.index_cast %swap3A_748 : i32 to index
    %swap3A_750 = arith.constant 96 : index
    %swap3A_751 = tpu.vector_load %arg5[%swap3A_749, %swap3A_750] {strides = array<i32>} : memref<5x128xi32, #tpu.memory_space<vmem>>, vector<16xi32>,
    tpu.vector_store %arg5[%swap3A_749, %swap3A_750], %add3A_747 {strides = array<i32>} : memref<5x128xi32, #tpu.memory_space<vmem>>, vector<16xi32>,
    %get3A_752 = arith.constant 0 : i32
    %get3A_753 = arith.index_cast %get3A_752 : i32 to index
    %get3A_754 = arith.constant 368 : index
    %get3A_755 = tpu.vector_load %arg4[%get3A_753, %get3A_754] {strides = array<i32>} : memref<4x640xi32, #tpu.memory_space<vmem>>, vector<16xi32>,
    %get3A_756 = arith.constant 1 : i32
    %get3A_757 = arith.index_cast %get3A_756 : i32 to index
    %get3A_758 = arith.constant 368 : index
    %get3A_759 = tpu.vector_load %arg4[%get3A_757, %get3A_758] {strides = array<i32>} : memref<4x640xi32, #tpu.memory_space<vmem>>, vector<16xi32>,
    %get3A_760 = arith.constant 2 : i32
    %get3A_761 = arith.index_cast %get3A_760 : i32 to index
    %get3A_762 = arith.constant 368 : index
    %get3A_763 = tpu.vector_load %arg4[%get3A_761, %get3A_762] {strides = array<i32>} : memref<4x640xi32, #tpu.memory_space<vmem>>, vector<16xi32>,
    %get3A_764 = arith.constant 3 : i32
    %get3A_765 = arith.index_cast %get3A_764 : i32 to index
    %get3A_766 = arith.constant 368 : index
    %get3A_767 = tpu.vector_load %arg4[%get3A_765, %get3A_766] {strides = array<i32>} : memref<4x640xi32, #tpu.memory_space<vmem>>, vector<16xi32>,
    %mul3A_768 = arith.constant 32 : i32
    %mul3A_769 = vector.broadcast %mul3A_768 : i32 to vector<16xi32>
    %mul3A_770 = arith.muli %get3A_755, %mul3A_769 : vector<16xi32>
    %add3A_771 = arith.addi %mul3A_770, %get3A_759 : vector<16xi32>
    %mul3A_772 = arith.constant 32 : i32
    %mul3A_773 = vector.broadcast %mul3A_772 : i32 to vector<16xi32>
    %mul3A_774 = arith.muli %add3A_771, %mul3A_773 : vector<16xi32>
    %add3A_775 = arith.addi %mul3A_774, %get3A_763 : vector<16xi32>
    %mul3A_776 = arith.constant 32 : i32
    %mul3A_777 = vector.broadcast %mul3A_776 : i32 to vector<16xi32>
    %mul3A_778 = arith.muli %add3A_775, %mul3A_777 : vector<16xi32>
    %add3A_779 = arith.addi %mul3A_778, %get3A_767 : vector<16xi32>
    %swap3A_780 = arith.constant 2 : i32
    %swap3A_781 = arith.index_cast %swap3A_780 : i32 to index
    %swap3A_782 = arith.constant 112 : index
    %swap3A_783 = tpu.vector_load %arg5[%swap3A_781, %swap3A_782] {strides = array<i32>} : memref<5x128xi32, #tpu.memory_space<vmem>>, vector<16xi32>,
    tpu.vector_store %arg5[%swap3A_781, %swap3A_782], %add3A_779 {strides = array<i32>} : memref<5x128xi32, #tpu.memory_space<vmem>>, vector<16xi32>,
    %get3A_784 = arith.constant 0 : i32
    %get3A_785 = arith.index_cast %get3A_784 : i32 to index
    %get3A_786 = arith.constant 384 : index
    %get3A_787 = tpu.vector_load %arg4[%get3A_785, %get3A_786] {strides = array<i32>} : memref<4x640xi32, #tpu.memory_space<vmem>>, vector<16xi32>,
    %get3A_788 = arith.constant 1 : i32
    %get3A_789 = arith.index_cast %get3A_788 : i32 to index
    %get3A_790 = arith.constant 384 : index
    %get3A_791 = tpu.vector_load %arg4[%get3A_789, %get3A_790] {strides = array<i32>} : memref<4x640xi32, #tpu.memory_space<vmem>>, vector<16xi32>,
    %get3A_792 = arith.constant 2 : i32
    %get3A_793 = arith.index_cast %get3A_792 : i32 to index
    %get3A_794 = arith.constant 384 : index
    %get3A_795 = tpu.vector_load %arg4[%get3A_793, %get3A_794] {strides = array<i32>} : memref<4x640xi32, #tpu.memory_space<vmem>>, vector<16xi32>,
    %get3A_796 = arith.constant 3 : i32
    %get3A_797 = arith.index_cast %get3A_796 : i32 to index
    %get3A_798 = arith.constant 384 : index
    %get3A_799 = tpu.vector_load %arg4[%get3A_797, %get3A_798] {strides = array<i32>} : memref<4x640xi32, #tpu.memory_space<vmem>>, vector<16xi32>,
    %mul3A_800 = arith.constant 32 : i32
    %mul3A_801 = vector.broadcast %mul3A_800 : i32 to vector<16xi32>
    %mul3A_802 = arith.muli %get3A_787, %mul3A_801 : vector<16xi32>
    %add3A_803 = arith.addi %mul3A_802, %get3A_791 : vector<16xi32>
    %mul3A_804 = arith.constant 32 : i32
    %mul3A_805 = vector.broadcast %mul3A_804 : i32 to vector<16xi32>
    %mul3A_806 = arith.muli %add3A_803, %mul3A_805 : vector<16xi32>
    %add3A_807 = arith.addi %mul3A_806, %get3A_795 : vector<16xi32>
    %mul3A_808 = arith.constant 32 : i32
    %mul3A_809 = vector.broadcast %mul3A_808 : i32 to vector<16xi32>
    %mul3A_810 = arith.muli %add3A_807, %mul3A_809 : vector<16xi32>
    %add3A_811 = arith.addi %mul3A_810, %get3A_799 : vector<16xi32>
    %swap3A_812 = arith.constant 3 : i32
    %swap3A_813 = arith.index_cast %swap3A_812 : i32 to index
    %swap3A_814 = arith.constant 0 : index
    %swap3A_815 = tpu.vector_load %arg5[%swap3A_813, %swap3A_814] {strides = array<i32>} : memref<5x128xi32, #tpu.memory_space<vmem>>, vector<16xi32>,
    tpu.vector_store %arg5[%swap3A_813, %swap3A_814], %add3A_811 {strides = array<i32>} : memref<5x128xi32, #tpu.memory_space<vmem>>, vector<16xi32>,
    %get3A_816 = arith.constant 0 : i32
    %get3A_817 = arith.index_cast %get3A_816 : i32 to index
    %get3A_818 = arith.constant 400 : index
    %get3A_819 = tpu.vector_load %arg4[%get3A_817, %get3A_818] {strides = array<i32>} : memref<4x640xi32, #tpu.memory_space<vmem>>, vector<16xi32>,
    %get3A_820 = arith.constant 1 : i32
    %get3A_821 = arith.index_cast %get3A_820 : i32 to index
    %get3A_822 = arith.constant 400 : index
    %get3A_823 = tpu.vector_load %arg4[%get3A_821, %get3A_822] {strides = array<i32>} : memref<4x640xi32, #tpu.memory_space<vmem>>, vector<16xi32>,
    %get3A_824 = arith.constant 2 : i32
    %get3A_825 = arith.index_cast %get3A_824 : i32 to index
    %get3A_826 = arith.constant 400 : index
    %get3A_827 = tpu.vector_load %arg4[%get3A_825, %get3A_826] {strides = array<i32>} : memref<4x640xi32, #tpu.memory_space<vmem>>, vector<16xi32>,
    %get3A_828 = arith.constant 3 : i32
    %get3A_829 = arith.index_cast %get3A_828 : i32 to index
    %get3A_830 = arith.constant 400 : index
    %get3A_831 = tpu.vector_load %arg4[%get3A_829, %get3A_830] {strides = array<i32>} : memref<4x640xi32, #tpu.memory_space<vmem>>, vector<16xi32>,
    %mul3A_832 = arith.constant 32 : i32
    %mul3A_833 = vector.broadcast %mul3A_832 : i32 to vector<16xi32>
    %mul3A_834 = arith.muli %get3A_819, %mul3A_833 : vector<16xi32>
    %add3A_835 = arith.addi %mul3A_834, %get3A_823 : vector<16xi32>
    %mul3A_836 = arith.constant 32 : i32
    %mul3A_837 = vector.broadcast %mul3A_836 : i32 to vector<16xi32>
    %mul3A_838 = arith.muli %add3A_835, %mul3A_837 : vector<16xi32>
    %add3A_839 = arith.addi %mul3A_838, %get3A_827 : vector<16xi32>
    %mul3A_840 = arith.constant 32 : i32
    %mul3A_841 = vector.broadcast %mul3A_840 : i32 to vector<16xi32>
    %mul3A_842 = arith.muli %add3A_839, %mul3A_841 : vector<16xi32>
    %add3A_843 = arith.addi %mul3A_842, %get3A_831 : vector<16xi32>
    %swap3A_844 = arith.constant 3 : i32
    %swap3A_845 = arith.index_cast %swap3A_844 : i32 to index
    %swap3A_846 = arith.constant 16 : index
    %swap3A_847 = tpu.vector_load %arg5[%swap3A_845, %swap3A_846] {strides = array<i32>} : memref<5x128xi32, #tpu.memory_space<vmem>>, vector<16xi32>,
    tpu.vector_store %arg5[%swap3A_845, %swap3A_846], %add3A_843 {strides = array<i32>} : memref<5x128xi32, #tpu.memory_space<vmem>>, vector<16xi32>,
    %get3A_848 = arith.constant 0 : i32
    %get3A_849 = arith.index_cast %get3A_848 : i32 to index
    %get3A_850 = arith.constant 416 : index
    %get3A_851 = tpu.vector_load %arg4[%get3A_849, %get3A_850] {strides = array<i32>} : memref<4x640xi32, #tpu.memory_space<vmem>>, vector<16xi32>,
    %get3A_852 = arith.constant 1 : i32
    %get3A_853 = arith.index_cast %get3A_852 : i32 to index
    %get3A_854 = arith.constant 416 : index
    %get3A_855 = tpu.vector_load %arg4[%get3A_853, %get3A_854] {strides = array<i32>} : memref<4x640xi32, #tpu.memory_space<vmem>>, vector<16xi32>,
    %get3A_856 = arith.constant 2 : i32
    %get3A_857 = arith.index_cast %get3A_856 : i32 to index
    %get3A_858 = arith.constant 416 : index
    %get3A_859 = tpu.vector_load %arg4[%get3A_857, %get3A_858] {strides = array<i32>} : memref<4x640xi32, #tpu.memory_space<vmem>>, vector<16xi32>,
    %get3A_860 = arith.constant 3 : i32
    %get3A_861 = arith.index_cast %get3A_860 : i32 to index
    %get3A_862 = arith.constant 416 : index
    %get3A_863 = tpu.vector_load %arg4[%get3A_861, %get3A_862] {strides = array<i32>} : memref<4x640xi32, #tpu.memory_space<vmem>>, vector<16xi32>,
    %mul3A_864 = arith.constant 32 : i32
    %mul3A_865 = vector.broadcast %mul3A_864 : i32 to vector<16xi32>
    %mul3A_866 = arith.muli %get3A_851, %mul3A_865 : vector<16xi32>
    %add3A_867 = arith.addi %mul3A_866, %get3A_855 : vector<16xi32>
    %mul3A_868 = arith.constant 32 : i32
    %mul3A_869 = vector.broadcast %mul3A_868 : i32 to vector<16xi32>
    %mul3A_870 = arith.muli %add3A_867, %mul3A_869 : vector<16xi32>
    %add3A_871 = arith.addi %mul3A_870, %get3A_859 : vector<16xi32>
    %mul3A_872 = arith.constant 32 : i32
    %mul3A_873 = vector.broadcast %mul3A_872 : i32 to vector<16xi32>
    %mul3A_874 = arith.muli %add3A_871, %mul3A_873 : vector<16xi32>
    %add3A_875 = arith.addi %mul3A_874, %get3A_863 : vector<16xi32>
    %swap3A_876 = arith.constant 3 : i32
    %swap3A_877 = arith.index_cast %swap3A_876 : i32 to index
    %swap3A_878 = arith.constant 32 : index
    %swap3A_879 = tpu.vector_load %arg5[%swap3A_877, %swap3A_878] {strides = array<i32>} : memref<5x128xi32, #tpu.memory_space<vmem>>, vector<16xi32>,
    tpu.vector_store %arg5[%swap3A_877, %swap3A_878], %add3A_875 {strides = array<i32>} : memref<5x128xi32, #tpu.memory_space<vmem>>, vector<16xi32>,
    %get3A_880 = arith.constant 0 : i32
    %get3A_881 = arith.index_cast %get3A_880 : i32 to index
    %get3A_882 = arith.constant 432 : index
    %get3A_883 = tpu.vector_load %arg4[%get3A_881, %get3A_882] {strides = array<i32>} : memref<4x640xi32, #tpu.memory_space<vmem>>, vector<16xi32>,
    %get3A_884 = arith.constant 1 : i32
    %get3A_885 = arith.index_cast %get3A_884 : i32 to index
    %get3A_886 = arith.constant 432 : index
    %get3A_887 = tpu.vector_load %arg4[%get3A_885, %get3A_886] {strides = array<i32>} : memref<4x640xi32, #tpu.memory_space<vmem>>, vector<16xi32>,
    %get3A_888 = arith.constant 2 : i32
    %get3A_889 = arith.index_cast %get3A_888 : i32 to index
    %get3A_890 = arith.constant 432 : index
    %get3A_891 = tpu.vector_load %arg4[%get3A_889, %get3A_890] {strides = array<i32>} : memref<4x640xi32, #tpu.memory_space<vmem>>, vector<16xi32>,
    %get3A_892 = arith.constant 3 : i32
    %get3A_893 = arith.index_cast %get3A_892 : i32 to index
    %get3A_894 = arith.constant 432 : index
    %get3A_895 = tpu.vector_load %arg4[%get3A_893, %get3A_894] {strides = array<i32>} : memref<4x640xi32, #tpu.memory_space<vmem>>, vector<16xi32>,
    %mul3A_896 = arith.constant 32 : i32
    %mul3A_897 = vector.broadcast %mul3A_896 : i32 to vector<16xi32>
    %mul3A_898 = arith.muli %get3A_883, %mul3A_897 : vector<16xi32>
    %add3A_899 = arith.addi %mul3A_898, %get3A_887 : vector<16xi32>
    %mul3A_900 = arith.constant 32 : i32
    %mul3A_901 = vector.broadcast %mul3A_900 : i32 to vector<16xi32>
    %mul3A_902 = arith.muli %add3A_899, %mul3A_901 : vector<16xi32>
    %add3A_903 = arith.addi %mul3A_902, %get3A_891 : vector<16xi32>
    %mul3A_904 = arith.constant 32 : i32
    %mul3A_905 = vector.broadcast %mul3A_904 : i32 to vector<16xi32>
    %mul3A_906 = arith.muli %add3A_903, %mul3A_905 : vector<16xi32>
    %add3A_907 = arith.addi %mul3A_906, %get3A_895 : vector<16xi32>
    %swap3A_908 = arith.constant 3 : i32
    %swap3A_909 = arith.index_cast %swap3A_908 : i32 to index
    %swap3A_910 = arith.constant 48 : index
    %swap3A_911 = tpu.vector_load %arg5[%swap3A_909, %swap3A_910] {strides = array<i32>} : memref<5x128xi32, #tpu.memory_space<vmem>>, vector<16xi32>,
    tpu.vector_store %arg5[%swap3A_909, %swap3A_910], %add3A_907 {strides = array<i32>} : memref<5x128xi32, #tpu.memory_space<vmem>>, vector<16xi32>,
    %get3A_912 = arith.constant 0 : i32
    %get3A_913 = arith.index_cast %get3A_912 : i32 to index
    %get3A_914 = arith.constant 448 : index
    %get3A_915 = tpu.vector_load %arg4[%get3A_913, %get3A_914] {strides = array<i32>} : memref<4x640xi32, #tpu.memory_space<vmem>>, vector<16xi32>,
    %get3A_916 = arith.constant 1 : i32
    %get3A_917 = arith.index_cast %get3A_916 : i32 to index
    %get3A_918 = arith.constant 448 : index
    %get3A_919 = tpu.vector_load %arg4[%get3A_917, %get3A_918] {strides = array<i32>} : memref<4x640xi32, #tpu.memory_space<vmem>>, vector<16xi32>,
    %get3A_920 = arith.constant 2 : i32
    %get3A_921 = arith.index_cast %get3A_920 : i32 to index
    %get3A_922 = arith.constant 448 : index
    %get3A_923 = tpu.vector_load %arg4[%get3A_921, %get3A_922] {strides = array<i32>} : memref<4x640xi32, #tpu.memory_space<vmem>>, vector<16xi32>,
    %get3A_924 = arith.constant 3 : i32
    %get3A_925 = arith.index_cast %get3A_924 : i32 to index
    %get3A_926 = arith.constant 448 : index
    %get3A_927 = tpu.vector_load %arg4[%get3A_925, %get3A_926] {strides = array<i32>} : memref<4x640xi32, #tpu.memory_space<vmem>>, vector<16xi32>,
    %mul3A_928 = arith.constant 32 : i32
    %mul3A_929 = vector.broadcast %mul3A_928 : i32 to vector<16xi32>
    %mul3A_930 = arith.muli %get3A_915, %mul3A_929 : vector<16xi32>
    %add3A_931 = arith.addi %mul3A_930, %get3A_919 : vector<16xi32>
    %mul3A_932 = arith.constant 32 : i32
    %mul3A_933 = vector.broadcast %mul3A_932 : i32 to vector<16xi32>
    %mul3A_934 = arith.muli %add3A_931, %mul3A_933 : vector<16xi32>
    %add3A_935 = arith.addi %mul3A_934, %get3A_923 : vector<16xi32>
    %mul3A_936 = arith.constant 32 : i32
    %mul3A_937 = vector.broadcast %mul3A_936 : i32 to vector<16xi32>
    %mul3A_938 = arith.muli %add3A_935, %mul3A_937 : vector<16xi32>
    %add3A_939 = arith.addi %mul3A_938, %get3A_927 : vector<16xi32>
    %swap3A_940 = arith.constant 3 : i32
    %swap3A_941 = arith.index_cast %swap3A_940 : i32 to index
    %swap3A_942 = arith.constant 64 : index
    %swap3A_943 = tpu.vector_load %arg5[%swap3A_941, %swap3A_942] {strides = array<i32>} : memref<5x128xi32, #tpu.memory_space<vmem>>, vector<16xi32>,
    tpu.vector_store %arg5[%swap3A_941, %swap3A_942], %add3A_939 {strides = array<i32>} : memref<5x128xi32, #tpu.memory_space<vmem>>, vector<16xi32>,
    %get3A_944 = arith.constant 0 : i32
    %get3A_945 = arith.index_cast %get3A_944 : i32 to index
    %get3A_946 = arith.constant 464 : index
    %get3A_947 = tpu.vector_load %arg4[%get3A_945, %get3A_946] {strides = array<i32>} : memref<4x640xi32, #tpu.memory_space<vmem>>, vector<16xi32>,
    %get3A_948 = arith.constant 1 : i32
    %get3A_949 = arith.index_cast %get3A_948 : i32 to index
    %get3A_950 = arith.constant 464 : index
    %get3A_951 = tpu.vector_load %arg4[%get3A_949, %get3A_950] {strides = array<i32>} : memref<4x640xi32, #tpu.memory_space<vmem>>, vector<16xi32>,
    %get3A_952 = arith.constant 2 : i32
    %get3A_953 = arith.index_cast %get3A_952 : i32 to index
    %get3A_954 = arith.constant 464 : index
    %get3A_955 = tpu.vector_load %arg4[%get3A_953, %get3A_954] {strides = array<i32>} : memref<4x640xi32, #tpu.memory_space<vmem>>, vector<16xi32>,
    %get3A_956 = arith.constant 3 : i32
    %get3A_957 = arith.index_cast %get3A_956 : i32 to index
    %get3A_958 = arith.constant 464 : index
    %get3A_959 = tpu.vector_load %arg4[%get3A_957, %get3A_958] {strides = array<i32>} : memref<4x640xi32, #tpu.memory_space<vmem>>, vector<16xi32>,
    %mul3A_960 = arith.constant 32 : i32
    %mul3A_961 = vector.broadcast %mul3A_960 : i32 to vector<16xi32>
    %mul3A_962 = arith.muli %get3A_947, %mul3A_961 : vector<16xi32>
    %add3A_963 = arith.addi %mul3A_962, %get3A_951 : vector<16xi32>
    %mul3A_964 = arith.constant 32 : i32
    %mul3A_965 = vector.broadcast %mul3A_964 : i32 to vector<16xi32>
    %mul3A_966 = arith.muli %add3A_963, %mul3A_965 : vector<16xi32>
    %add3A_967 = arith.addi %mul3A_966, %get3A_955 : vector<16xi32>
    %mul3A_968 = arith.constant 32 : i32
    %mul3A_969 = vector.broadcast %mul3A_968 : i32 to vector<16xi32>
    %mul3A_970 = arith.muli %add3A_967, %mul3A_969 : vector<16xi32>
    %add3A_971 = arith.addi %mul3A_970, %get3A_959 : vector<16xi32>
    %swap3A_972 = arith.constant 3 : i32
    %swap3A_973 = arith.index_cast %swap3A_972 : i32 to index
    %swap3A_974 = arith.constant 80 : index
    %swap3A_975 = tpu.vector_load %arg5[%swap3A_973, %swap3A_974] {strides = array<i32>} : memref<5x128xi32, #tpu.memory_space<vmem>>, vector<16xi32>,
    tpu.vector_store %arg5[%swap3A_973, %swap3A_974], %add3A_971 {strides = array<i32>} : memref<5x128xi32, #tpu.memory_space<vmem>>, vector<16xi32>,
    %get3A_976 = arith.constant 0 : i32
    %get3A_977 = arith.index_cast %get3A_976 : i32 to index
    %get3A_978 = arith.constant 480 : index
    %get3A_979 = tpu.vector_load %arg4[%get3A_977, %get3A_978] {strides = array<i32>} : memref<4x640xi32, #tpu.memory_space<vmem>>, vector<16xi32>,
    %get3A_980 = arith.constant 1 : i32
    %get3A_981 = arith.index_cast %get3A_980 : i32 to index
    %get3A_982 = arith.constant 480 : index
    %get3A_983 = tpu.vector_load %arg4[%get3A_981, %get3A_982] {strides = array<i32>} : memref<4x640xi32, #tpu.memory_space<vmem>>, vector<16xi32>,
    %get3A_984 = arith.constant 2 : i32
    %get3A_985 = arith.index_cast %get3A_984 : i32 to index
    %get3A_986 = arith.constant 480 : index
    %get3A_987 = tpu.vector_load %arg4[%get3A_985, %get3A_986] {strides = array<i32>} : memref<4x640xi32, #tpu.memory_space<vmem>>, vector<16xi32>,
    %get3A_988 = arith.constant 3 : i32
    %get3A_989 = arith.index_cast %get3A_988 : i32 to index
    %get3A_990 = arith.constant 480 : index
    %get3A_991 = tpu.vector_load %arg4[%get3A_989, %get3A_990] {strides = array<i32>} : memref<4x640xi32, #tpu.memory_space<vmem>>, vector<16xi32>,
    %mul3A_992 = arith.constant 32 : i32
    %mul3A_993 = vector.broadcast %mul3A_992 : i32 to vector<16xi32>
    %mul3A_994 = arith.muli %get3A_979, %mul3A_993 : vector<16xi32>
    %add3A_995 = arith.addi %mul3A_994, %get3A_983 : vector<16xi32>
    %mul3A_996 = arith.constant 32 : i32
    %mul3A_997 = vector.broadcast %mul3A_996 : i32 to vector<16xi32>
    %mul3A_998 = arith.muli %add3A_995, %mul3A_997 : vector<16xi32>
    %add3A_999 = arith.addi %mul3A_998, %get3A_987 : vector<16xi32>
    %mul3A_1000 = arith.constant 32 : i32
    %mul3A_1001 = vector.broadcast %mul3A_1000 : i32 to vector<16xi32>
    %mul3A_1002 = arith.muli %add3A_999, %mul3A_1001 : vector<16xi32>
    %add3A_1003 = arith.addi %mul3A_1002, %get3A_991 : vector<16xi32>
    %swap3A_1004 = arith.constant 3 : i32
    %swap3A_1005 = arith.index_cast %swap3A_1004 : i32 to index
    %swap3A_1006 = arith.constant 96 : index
    %swap3A_1007 = tpu.vector_load %arg5[%swap3A_1005, %swap3A_1006] {strides = array<i32>} : memref<5x128xi32, #tpu.memory_space<vmem>>, vector<16xi32>,
    tpu.vector_store %arg5[%swap3A_1005, %swap3A_1006], %add3A_1003 {strides = array<i32>} : memref<5x128xi32, #tpu.memory_space<vmem>>, vector<16xi32>,
    %get3A_1008 = arith.constant 0 : i32
    %get3A_1009 = arith.index_cast %get3A_1008 : i32 to index
    %get3A_1010 = arith.constant 496 : index
    %get3A_1011 = tpu.vector_load %arg4[%get3A_1009, %get3A_1010] {strides = array<i32>} : memref<4x640xi32, #tpu.memory_space<vmem>>, vector<16xi32>,
    %get3A_1012 = arith.constant 1 : i32
    %get3A_1013 = arith.index_cast %get3A_1012 : i32 to index
    %get3A_1014 = arith.constant 496 : index
    %get3A_1015 = tpu.vector_load %arg4[%get3A_1013, %get3A_1014] {strides = array<i32>} : memref<4x640xi32, #tpu.memory_space<vmem>>, vector<16xi32>,
    %get3A_1016 = arith.constant 2 : i32
    %get3A_1017 = arith.index_cast %get3A_1016 : i32 to index
    %get3A_1018 = arith.constant 496 : index
    %get3A_1019 = tpu.vector_load %arg4[%get3A_1017, %get3A_1018] {strides = array<i32>} : memref<4x640xi32, #tpu.memory_space<vmem>>, vector<16xi32>,
    %get3A_1020 = arith.constant 3 : i32
    %get3A_1021 = arith.index_cast %get3A_1020 : i32 to index
    %get3A_1022 = arith.constant 496 : index
    %get3A_1023 = tpu.vector_load %arg4[%get3A_1021, %get3A_1022] {strides = array<i32>} : memref<4x640xi32, #tpu.memory_space<vmem>>, vector<16xi32>,
    %mul3A_1024 = arith.constant 32 : i32
    %mul3A_1025 = vector.broadcast %mul3A_1024 : i32 to vector<16xi32>
    %mul3A_1026 = arith.muli %get3A_1011, %mul3A_1025 : vector<16xi32>
    %add3A_1027 = arith.addi %mul3A_1026, %get3A_1015 : vector<16xi32>
    %mul3A_1028 = arith.constant 32 : i32
    %mul3A_1029 = vector.broadcast %mul3A_1028 : i32 to vector<16xi32>
    %mul3A_1030 = arith.muli %add3A_1027, %mul3A_1029 : vector<16xi32>
    %add3A_1031 = arith.addi %mul3A_1030, %get3A_1019 : vector<16xi32>
    %mul3A_1032 = arith.constant 32 : i32
    %mul3A_1033 = vector.broadcast %mul3A_1032 : i32 to vector<16xi32>
    %mul3A_1034 = arith.muli %add3A_1031, %mul3A_1033 : vector<16xi32>
    %add3A_1035 = arith.addi %mul3A_1034, %get3A_1023 : vector<16xi32>
    %swap3A_1036 = arith.constant 3 : i32
    %swap3A_1037 = arith.index_cast %swap3A_1036 : i32 to index
    %swap3A_1038 = arith.constant 112 : index
    %swap3A_1039 = tpu.vector_load %arg5[%swap3A_1037, %swap3A_1038] {strides = array<i32>} : memref<5x128xi32, #tpu.memory_space<vmem>>, vector<16xi32>,
    tpu.vector_store %arg5[%swap3A_1037, %swap3A_1038], %add3A_1035 {strides = array<i32>} : memref<5x128xi32, #tpu.memory_space<vmem>>, vector<16xi32>,
    %get3A_1040 = arith.constant 0 : i32
    %get3A_1041 = arith.index_cast %get3A_1040 : i32 to index
    %get3A_1042 = arith.constant 512 : index
    %get3A_1043 = tpu.vector_load %arg4[%get3A_1041, %get3A_1042] {strides = array<i32>} : memref<4x640xi32, #tpu.memory_space<vmem>>, vector<16xi32>,
    %get3A_1044 = arith.constant 1 : i32
    %get3A_1045 = arith.index_cast %get3A_1044 : i32 to index
    %get3A_1046 = arith.constant 512 : index
    %get3A_1047 = tpu.vector_load %arg4[%get3A_1045, %get3A_1046] {strides = array<i32>} : memref<4x640xi32, #tpu.memory_space<vmem>>, vector<16xi32>,
    %get3A_1048 = arith.constant 2 : i32
    %get3A_1049 = arith.index_cast %get3A_1048 : i32 to index
    %get3A_1050 = arith.constant 512 : index
    %get3A_1051 = tpu.vector_load %arg4[%get3A_1049, %get3A_1050] {strides = array<i32>} : memref<4x640xi32, #tpu.memory_space<vmem>>, vector<16xi32>,
    %get3A_1052 = arith.constant 3 : i32
    %get3A_1053 = arith.index_cast %get3A_1052 : i32 to index
    %get3A_1054 = arith.constant 512 : index
    %get3A_1055 = tpu.vector_load %arg4[%get3A_1053, %get3A_1054] {strides = array<i32>} : memref<4x640xi32, #tpu.memory_space<vmem>>, vector<16xi32>,
    %mul3A_1056 = arith.constant 32 : i32
    %mul3A_1057 = vector.broadcast %mul3A_1056 : i32 to vector<16xi32>
    %mul3A_1058 = arith.muli %get3A_1043, %mul3A_1057 : vector<16xi32>
    %add3A_1059 = arith.addi %mul3A_1058, %get3A_1047 : vector<16xi32>
    %mul3A_1060 = arith.constant 32 : i32
    %mul3A_1061 = vector.broadcast %mul3A_1060 : i32 to vector<16xi32>
    %mul3A_1062 = arith.muli %add3A_1059, %mul3A_1061 : vector<16xi32>
    %add3A_1063 = arith.addi %mul3A_1062, %get3A_1051 : vector<16xi32>
    %mul3A_1064 = arith.constant 32 : i32
    %mul3A_1065 = vector.broadcast %mul3A_1064 : i32 to vector<16xi32>
    %mul3A_1066 = arith.muli %add3A_1063, %mul3A_1065 : vector<16xi32>
    %add3A_1067 = arith.addi %mul3A_1066, %get3A_1055 : vector<16xi32>
    %swap3A_1068 = arith.constant 4 : i32
    %swap3A_1069 = arith.index_cast %swap3A_1068 : i32 to index
    %swap3A_1070 = arith.constant 0 : index
    %swap3A_1071 = tpu.vector_load %arg5[%swap3A_1069, %swap3A_1070] {strides = array<i32>} : memref<5x128xi32, #tpu.memory_space<vmem>>, vector<16xi32>,
    tpu.vector_store %arg5[%swap3A_1069, %swap3A_1070], %add3A_1067 {strides = array<i32>} : memref<5x128xi32, #tpu.memory_space<vmem>>, vector<16xi32>,
    %get3A_1072 = arith.constant 0 : i32
    %get3A_1073 = arith.index_cast %get3A_1072 : i32 to index
    %get3A_1074 = arith.constant 528 : index
    %get3A_1075 = tpu.vector_load %arg4[%get3A_1073, %get3A_1074] {strides = array<i32>} : memref<4x640xi32, #tpu.memory_space<vmem>>, vector<16xi32>,
    %get3A_1076 = arith.constant 1 : i32
    %get3A_1077 = arith.index_cast %get3A_1076 : i32 to index
    %get3A_1078 = arith.constant 528 : index
    %get3A_1079 = tpu.vector_load %arg4[%get3A_1077, %get3A_1078] {strides = array<i32>} : memref<4x640xi32, #tpu.memory_space<vmem>>, vector<16xi32>,
    %get3A_1080 = arith.constant 2 : i32
    %get3A_1081 = arith.index_cast %get3A_1080 : i32 to index
    %get3A_1082 = arith.constant 528 : index
    %get3A_1083 = tpu.vector_load %arg4[%get3A_1081, %get3A_1082] {strides = array<i32>} : memref<4x640xi32, #tpu.memory_space<vmem>>, vector<16xi32>,
    %get3A_1084 = arith.constant 3 : i32
    %get3A_1085 = arith.index_cast %get3A_1084 : i32 to index
    %get3A_1086 = arith.constant 528 : index
    %get3A_1087 = tpu.vector_load %arg4[%get3A_1085, %get3A_1086] {strides = array<i32>} : memref<4x640xi32, #tpu.memory_space<vmem>>, vector<16xi32>,
    %mul3A_1088 = arith.constant 32 : i32
    %mul3A_1089 = vector.broadcast %mul3A_1088 : i32 to vector<16xi32>
    %mul3A_1090 = arith.muli %get3A_1075, %mul3A_1089 : vector<16xi32>
    %add3A_1091 = arith.addi %mul3A_1090, %get3A_1079 : vector<16xi32>
    %mul3A_1092 = arith.constant 32 : i32
    %mul3A_1093 = vector.broadcast %mul3A_1092 : i32 to vector<16xi32>
    %mul3A_1094 = arith.muli %add3A_1091, %mul3A_1093 : vector<16xi32>
    %add3A_1095 = arith.addi %mul3A_1094, %get3A_1083 : vector<16xi32>
    %mul3A_1096 = arith.constant 32 : i32
    %mul3A_1097 = vector.broadcast %mul3A_1096 : i32 to vector<16xi32>
    %mul3A_1098 = arith.muli %add3A_1095, %mul3A_1097 : vector<16xi32>
    %add3A_1099 = arith.addi %mul3A_1098, %get3A_1087 : vector<16xi32>
    %swap3A_1100 = arith.constant 4 : i32
    %swap3A_1101 = arith.index_cast %swap3A_1100 : i32 to index
    %swap3A_1102 = arith.constant 16 : index
    %swap3A_1103 = tpu.vector_load %arg5[%swap3A_1101, %swap3A_1102] {strides = array<i32>} : memref<5x128xi32, #tpu.memory_space<vmem>>, vector<16xi32>,
    tpu.vector_store %arg5[%swap3A_1101, %swap3A_1102], %add3A_1099 {strides = array<i32>} : memref<5x128xi32, #tpu.memory_space<vmem>>, vector<16xi32>,
    %get3A_1104 = arith.constant 0 : i32
    %get3A_1105 = arith.index_cast %get3A_1104 : i32 to index
    %get3A_1106 = arith.constant 544 : index
    %get3A_1107 = tpu.vector_load %arg4[%get3A_1105, %get3A_1106] {strides = array<i32>} : memref<4x640xi32, #tpu.memory_space<vmem>>, vector<16xi32>,
    %get3A_1108 = arith.constant 1 : i32
    %get3A_1109 = arith.index_cast %get3A_1108 : i32 to index
    %get3A_1110 = arith.constant 544 : index
    %get3A_1111 = tpu.vector_load %arg4[%get3A_1109, %get3A_1110] {strides = array<i32>} : memref<4x640xi32, #tpu.memory_space<vmem>>, vector<16xi32>,
    %get3A_1112 = arith.constant 2 : i32
    %get3A_1113 = arith.index_cast %get3A_1112 : i32 to index
    %get3A_1114 = arith.constant 544 : index
    %get3A_1115 = tpu.vector_load %arg4[%get3A_1113, %get3A_1114] {strides = array<i32>} : memref<4x640xi32, #tpu.memory_space<vmem>>, vector<16xi32>,
    %get3A_1116 = arith.constant 3 : i32
    %get3A_1117 = arith.index_cast %get3A_1116 : i32 to index
    %get3A_1118 = arith.constant 544 : index
    %get3A_1119 = tpu.vector_load %arg4[%get3A_1117, %get3A_1118] {strides = array<i32>} : memref<4x640xi32, #tpu.memory_space<vmem>>, vector<16xi32>,
    %mul3A_1120 = arith.constant 32 : i32
    %mul3A_1121 = vector.broadcast %mul3A_1120 : i32 to vector<16xi32>
    %mul3A_1122 = arith.muli %get3A_1107, %mul3A_1121 : vector<16xi32>
    %add3A_1123 = arith.addi %mul3A_1122, %get3A_1111 : vector<16xi32>
    %mul3A_1124 = arith.constant 32 : i32
    %mul3A_1125 = vector.broadcast %mul3A_1124 : i32 to vector<16xi32>
    %mul3A_1126 = arith.muli %add3A_1123, %mul3A_1125 : vector<16xi32>
    %add3A_1127 = arith.addi %mul3A_1126, %get3A_1115 : vector<16xi32>
    %mul3A_1128 = arith.constant 32 : i32
    %mul3A_1129 = vector.broadcast %mul3A_1128 : i32 to vector<16xi32>
    %mul3A_1130 = arith.muli %add3A_1127, %mul3A_1129 : vector<16xi32>
    %add3A_1131 = arith.addi %mul3A_1130, %get3A_1119 : vector<16xi32>
    %swap3A_1132 = arith.constant 4 : i32
    %swap3A_1133 = arith.index_cast %swap3A_1132 : i32 to index
    %swap3A_1134 = arith.constant 32 : index
    %swap3A_1135 = tpu.vector_load %arg5[%swap3A_1133, %swap3A_1134] {strides = array<i32>} : memref<5x128xi32, #tpu.memory_space<vmem>>, vector<16xi32>,
    tpu.vector_store %arg5[%swap3A_1133, %swap3A_1134], %add3A_1131 {strides = array<i32>} : memref<5x128xi32, #tpu.memory_space<vmem>>, vector<16xi32>,
    %get3A_1136 = arith.constant 0 : i32
    %get3A_1137 = arith.index_cast %get3A_1136 : i32 to index
    %get3A_1138 = arith.constant 560 : index
    %get3A_1139 = tpu.vector_load %arg4[%get3A_1137, %get3A_1138] {strides = array<i32>} : memref<4x640xi32, #tpu.memory_space<vmem>>, vector<16xi32>,
    %get3A_1140 = arith.constant 1 : i32
    %get3A_1141 = arith.index_cast %get3A_1140 : i32 to index
    %get3A_1142 = arith.constant 560 : index
    %get3A_1143 = tpu.vector_load %arg4[%get3A_1141, %get3A_1142] {strides = array<i32>} : memref<4x640xi32, #tpu.memory_space<vmem>>, vector<16xi32>,
    %get3A_1144 = arith.constant 2 : i32
    %get3A_1145 = arith.index_cast %get3A_1144 : i32 to index
    %get3A_1146 = arith.constant 560 : index
    %get3A_1147 = tpu.vector_load %arg4[%get3A_1145, %get3A_1146] {strides = array<i32>} : memref<4x640xi32, #tpu.memory_space<vmem>>, vector<16xi32>,
    %get3A_1148 = arith.constant 3 : i32
    %get3A_1149 = arith.index_cast %get3A_1148 : i32 to index
    %get3A_1150 = arith.constant 560 : index
    %get3A_1151 = tpu.vector_load %arg4[%get3A_1149, %get3A_1150] {strides = array<i32>} : memref<4x640xi32, #tpu.memory_space<vmem>>, vector<16xi32>,
    %mul3A_1152 = arith.constant 32 : i32
    %mul3A_1153 = vector.broadcast %mul3A_1152 : i32 to vector<16xi32>
    %mul3A_1154 = arith.muli %get3A_1139, %mul3A_1153 : vector<16xi32>
    %add3A_1155 = arith.addi %mul3A_1154, %get3A_1143 : vector<16xi32>
    %mul3A_1156 = arith.constant 32 : i32
    %mul3A_1157 = vector.broadcast %mul3A_1156 : i32 to vector<16xi32>
    %mul3A_1158 = arith.muli %add3A_1155, %mul3A_1157 : vector<16xi32>
    %add3A_1159 = arith.addi %mul3A_1158, %get3A_1147 : vector<16xi32>
    %mul3A_1160 = arith.constant 32 : i32
    %mul3A_1161 = vector.broadcast %mul3A_1160 : i32 to vector<16xi32>
    %mul3A_1162 = arith.muli %add3A_1159, %mul3A_1161 : vector<16xi32>
    %add3A_1163 = arith.addi %mul3A_1162, %get3A_1151 : vector<16xi32>
    %swap3A_1164 = arith.constant 4 : i32
    %swap3A_1165 = arith.index_cast %swap3A_1164 : i32 to index
    %swap3A_1166 = arith.constant 48 : index
    %swap3A_1167 = tpu.vector_load %arg5[%swap3A_1165, %swap3A_1166] {strides = array<i32>} : memref<5x128xi32, #tpu.memory_space<vmem>>, vector<16xi32>,
    tpu.vector_store %arg5[%swap3A_1165, %swap3A_1166], %add3A_1163 {strides = array<i32>} : memref<5x128xi32, #tpu.memory_space<vmem>>, vector<16xi32>,
    %get3A_1168 = arith.constant 0 : i32
    %get3A_1169 = arith.index_cast %get3A_1168 : i32 to index
    %get3A_1170 = arith.constant 576 : index
    %get3A_1171 = tpu.vector_load %arg4[%get3A_1169, %get3A_1170] {strides = array<i32>} : memref<4x640xi32, #tpu.memory_space<vmem>>, vector<16xi32>,
    %get3A_1172 = arith.constant 1 : i32
    %get3A_1173 = arith.index_cast %get3A_1172 : i32 to index
    %get3A_1174 = arith.constant 576 : index
    %get3A_1175 = tpu.vector_load %arg4[%get3A_1173, %get3A_1174] {strides = array<i32>} : memref<4x640xi32, #tpu.memory_space<vmem>>, vector<16xi32>,
    %get3A_1176 = arith.constant 2 : i32
    %get3A_1177 = arith.index_cast %get3A_1176 : i32 to index
    %get3A_1178 = arith.constant 576 : index
    %get3A_1179 = tpu.vector_load %arg4[%get3A_1177, %get3A_1178] {strides = array<i32>} : memref<4x640xi32, #tpu.memory_space<vmem>>, vector<16xi32>,
    %get3A_1180 = arith.constant 3 : i32
    %get3A_1181 = arith.index_cast %get3A_1180 : i32 to index
    %get3A_1182 = arith.constant 576 : index
    %get3A_1183 = tpu.vector_load %arg4[%get3A_1181, %get3A_1182] {strides = array<i32>} : memref<4x640xi32, #tpu.memory_space<vmem>>, vector<16xi32>,
    %mul3A_1184 = arith.constant 32 : i32
    %mul3A_1185 = vector.broadcast %mul3A_1184 : i32 to vector<16xi32>
    %mul3A_1186 = arith.muli %get3A_1171, %mul3A_1185 : vector<16xi32>
    %add3A_1187 = arith.addi %mul3A_1186, %get3A_1175 : vector<16xi32>
    %mul3A_1188 = arith.constant 32 : i32
    %mul3A_1189 = vector.broadcast %mul3A_1188 : i32 to vector<16xi32>
    %mul3A_1190 = arith.muli %add3A_1187, %mul3A_1189 : vector<16xi32>
    %add3A_1191 = arith.addi %mul3A_1190, %get3A_1179 : vector<16xi32>
    %mul3A_1192 = arith.constant 32 : i32
    %mul3A_1193 = vector.broadcast %mul3A_1192 : i32 to vector<16xi32>
    %mul3A_1194 = arith.muli %add3A_1191, %mul3A_1193 : vector<16xi32>
    %add3A_1195 = arith.addi %mul3A_1194, %get3A_1183 : vector<16xi32>
    %swap3A_1196 = arith.constant 4 : i32
    %swap3A_1197 = arith.index_cast %swap3A_1196 : i32 to index
    %swap3A_1198 = arith.constant 64 : index
    %swap3A_1199 = tpu.vector_load %arg5[%swap3A_1197, %swap3A_1198] {strides = array<i32>} : memref<5x128xi32, #tpu.memory_space<vmem>>, vector<16xi32>,
    tpu.vector_store %arg5[%swap3A_1197, %swap3A_1198], %add3A_1195 {strides = array<i32>} : memref<5x128xi32, #tpu.memory_space<vmem>>, vector<16xi32>,
    %get3A_1200 = arith.constant 0 : i32
    %get3A_1201 = arith.index_cast %get3A_1200 : i32 to index
    %get3A_1202 = arith.constant 592 : index
    %get3A_1203 = tpu.vector_load %arg4[%get3A_1201, %get3A_1202] {strides = array<i32>} : memref<4x640xi32, #tpu.memory_space<vmem>>, vector<16xi32>,
    %get3A_1204 = arith.constant 1 : i32
    %get3A_1205 = arith.index_cast %get3A_1204 : i32 to index
    %get3A_1206 = arith.constant 592 : index
    %get3A_1207 = tpu.vector_load %arg4[%get3A_1205, %get3A_1206] {strides = array<i32>} : memref<4x640xi32, #tpu.memory_space<vmem>>, vector<16xi32>,
    %get3A_1208 = arith.constant 2 : i32
    %get3A_1209 = arith.index_cast %get3A_1208 : i32 to index
    %get3A_1210 = arith.constant 592 : index
    %get3A_1211 = tpu.vector_load %arg4[%get3A_1209, %get3A_1210] {strides = array<i32>} : memref<4x640xi32, #tpu.memory_space<vmem>>, vector<16xi32>,
    %get3A_1212 = arith.constant 3 : i32
    %get3A_1213 = arith.index_cast %get3A_1212 : i32 to index
    %get3A_1214 = arith.constant 592 : index
    %get3A_1215 = tpu.vector_load %arg4[%get3A_1213, %get3A_1214] {strides = array<i32>} : memref<4x640xi32, #tpu.memory_space<vmem>>, vector<16xi32>,
    %mul3A_1216 = arith.constant 32 : i32
    %mul3A_1217 = vector.broadcast %mul3A_1216 : i32 to vector<16xi32>
    %mul3A_1218 = arith.muli %get3A_1203, %mul3A_1217 : vector<16xi32>
    %add3A_1219 = arith.addi %mul3A_1218, %get3A_1207 : vector<16xi32>
    %mul3A_1220 = arith.constant 32 : i32
    %mul3A_1221 = vector.broadcast %mul3A_1220 : i32 to vector<16xi32>
    %mul3A_1222 = arith.muli %add3A_1219, %mul3A_1221 : vector<16xi32>
    %add3A_1223 = arith.addi %mul3A_1222, %get3A_1211 : vector<16xi32>
    %mul3A_1224 = arith.constant 32 : i32
    %mul3A_1225 = vector.broadcast %mul3A_1224 : i32 to vector<16xi32>
    %mul3A_1226 = arith.muli %add3A_1223, %mul3A_1225 : vector<16xi32>
    %add3A_1227 = arith.addi %mul3A_1226, %get3A_1215 : vector<16xi32>
    %swap3A_1228 = arith.constant 4 : i32
    %swap3A_1229 = arith.index_cast %swap3A_1228 : i32 to index
    %swap3A_1230 = arith.constant 80 : index
    %swap3A_1231 = tpu.vector_load %arg5[%swap3A_1229, %swap3A_1230] {strides = array<i32>} : memref<5x128xi32, #tpu.memory_space<vmem>>, vector<16xi32>,
    tpu.vector_store %arg5[%swap3A_1229, %swap3A_1230], %add3A_1227 {strides = array<i32>} : memref<5x128xi32, #tpu.memory_space<vmem>>, vector<16xi32>,
    %get3A_1232 = arith.constant 0 : i32
    %get3A_1233 = arith.index_cast %get3A_1232 : i32 to index
    %get3A_1234 = arith.constant 608 : index
    %get3A_1235 = tpu.vector_load %arg4[%get3A_1233, %get3A_1234] {strides = array<i32>} : memref<4x640xi32, #tpu.memory_space<vmem>>, vector<16xi32>,
    %get3A_1236 = arith.constant 1 : i32
    %get3A_1237 = arith.index_cast %get3A_1236 : i32 to index
    %get3A_1238 = arith.constant 608 : index
    %get3A_1239 = tpu.vector_load %arg4[%get3A_1237, %get3A_1238] {strides = array<i32>} : memref<4x640xi32, #tpu.memory_space<vmem>>, vector<16xi32>,
    %get3A_1240 = arith.constant 2 : i32
    %get3A_1241 = arith.index_cast %get3A_1240 : i32 to index
    %get3A_1242 = arith.constant 608 : index
    %get3A_1243 = tpu.vector_load %arg4[%get3A_1241, %get3A_1242] {strides = array<i32>} : memref<4x640xi32, #tpu.memory_space<vmem>>, vector<16xi32>,
    %get3A_1244 = arith.constant 3 : i32
    %get3A_1245 = arith.index_cast %get3A_1244 : i32 to index
    %get3A_1246 = arith.constant 608 : index
    %get3A_1247 = tpu.vector_load %arg4[%get3A_1245, %get3A_1246] {strides = array<i32>} : memref<4x640xi32, #tpu.memory_space<vmem>>, vector<16xi32>,
    %mul3A_1248 = arith.constant 32 : i32
    %mul3A_1249 = vector.broadcast %mul3A_1248 : i32 to vector<16xi32>
    %mul3A_1250 = arith.muli %get3A_1235, %mul3A_1249 : vector<16xi32>
    %add3A_1251 = arith.addi %mul3A_1250, %get3A_1239 : vector<16xi32>
    %mul3A_1252 = arith.constant 32 : i32
    %mul3A_1253 = vector.broadcast %mul3A_1252 : i32 to vector<16xi32>
    %mul3A_1254 = arith.muli %add3A_1251, %mul3A_1253 : vector<16xi32>
    %add3A_1255 = arith.addi %mul3A_1254, %get3A_1243 : vector<16xi32>
    %mul3A_1256 = arith.constant 32 : i32
    %mul3A_1257 = vector.broadcast %mul3A_1256 : i32 to vector<16xi32>
    %mul3A_1258 = arith.muli %add3A_1255, %mul3A_1257 : vector<16xi32>
    %add3A_1259 = arith.addi %mul3A_1258, %get3A_1247 : vector<16xi32>
    %swap3A_1260 = arith.constant 4 : i32
    %swap3A_1261 = arith.index_cast %swap3A_1260 : i32 to index
    %swap3A_1262 = arith.constant 96 : index
    %swap3A_1263 = tpu.vector_load %arg5[%swap3A_1261, %swap3A_1262] {strides = array<i32>} : memref<5x128xi32, #tpu.memory_space<vmem>>, vector<16xi32>,
    tpu.vector_store %arg5[%swap3A_1261, %swap3A_1262], %add3A_1259 {strides = array<i32>} : memref<5x128xi32, #tpu.memory_space<vmem>>, vector<16xi32>,
    %get3A_1264 = arith.constant 0 : i32
    %get3A_1265 = arith.index_cast %get3A_1264 : i32 to index
    %get3A_1266 = arith.constant 624 : index
    %get3A_1267 = tpu.vector_load %arg4[%get3A_1265, %get3A_1266] {strides = array<i32>} : memref<4x640xi32, #tpu.memory_space<vmem>>, vector<16xi32>,
    %get3A_1268 = arith.constant 1 : i32
    %get3A_1269 = arith.index_cast %get3A_1268 : i32 to index
    %get3A_1270 = arith.constant 624 : index
    %get3A_1271 = tpu.vector_load %arg4[%get3A_1269, %get3A_1270] {strides = array<i32>} : memref<4x640xi32, #tpu.memory_space<vmem>>, vector<16xi32>,
    %get3A_1272 = arith.constant 2 : i32
    %get3A_1273 = arith.index_cast %get3A_1272 : i32 to index
    %get3A_1274 = arith.constant 624 : index
    %get3A_1275 = tpu.vector_load %arg4[%get3A_1273, %get3A_1274] {strides = array<i32>} : memref<4x640xi32, #tpu.memory_space<vmem>>, vector<16xi32>,
    %get3A_1276 = arith.constant 3 : i32
    %get3A_1277 = arith.index_cast %get3A_1276 : i32 to index
    %get3A_1278 = arith.constant 624 : index
    %get3A_1279 = tpu.vector_load %arg4[%get3A_1277, %get3A_1278] {strides = array<i32>} : memref<4x640xi32, #tpu.memory_space<vmem>>, vector<16xi32>,
    %mul3A_1280 = arith.constant 32 : i32
    %mul3A_1281 = vector.broadcast %mul3A_1280 : i32 to vector<16xi32>
    %mul3A_1282 = arith.muli %get3A_1267, %mul3A_1281 : vector<16xi32>
    %add3A_1283 = arith.addi %mul3A_1282, %get3A_1271 : vector<16xi32>
    %mul3A_1284 = arith.constant 32 : i32
    %mul3A_1285 = vector.broadcast %mul3A_1284 : i32 to vector<16xi32>
    %mul3A_1286 = arith.muli %add3A_1283, %mul3A_1285 : vector<16xi32>
    %add3A_1287 = arith.addi %mul3A_1286, %get3A_1275 : vector<16xi32>
    %mul3A_1288 = arith.constant 32 : i32
    %mul3A_1289 = vector.broadcast %mul3A_1288 : i32 to vector<16xi32>
    %mul3A_1290 = arith.muli %add3A_1287, %mul3A_1289 : vector<16xi32>
    %add3A_1291 = arith.addi %mul3A_1290, %get3A_1279 : vector<16xi32>
    %swap3A_1292 = arith.constant 4 : i32
    %swap3A_1293 = arith.index_cast %swap3A_1292 : i32 to index
    %swap3A_1294 = arith.constant 112 : index
    %swap3A_1295 = tpu.vector_load %arg5[%swap3A_1293, %swap3A_1294] {strides = array<i32>} : memref<5x128xi32, #tpu.memory_space<vmem>>, vector<16xi32>,
    tpu.vector_store %arg5[%swap3A_1293, %swap3A_1294], %add3A_1291 {strides = array<i32>} : memref<5x128xi32, #tpu.memory_space<vmem>>, vector<16xi32>,
    %barrier3A = arith.constant 0 : index
    tpu.barrier barrier_id(%barrier3A)
    %run_scoped3A = arith.constant 0 : i32
    "tpu.region"() ({
      %run_scoped3A_1305 = tpu.sem_alloc : memref<!tpu.dma_semaphore, #tpu.memory_space<semaphore_mem>>
      %dma_start3A = arith.constant 0 : i32
      %dma_start3A_1306 = tpu.memref_slice %arg5[%run_scoped3A, %dma_start3A] : memref<5x128xi32, #tpu.memory_space<vmem>> -> memref<1x128xi32, #tpu.memory_space<vmem>>
      %dma_start3A_1307 = tpu.memref_squeeze %dma_start3A_1306 : memref<1x128xi32, #tpu.memory_space<vmem>> -> memref<128xi32, #tpu.memory_space<vmem>>
      %dma_start3A_1308 = arith.constant 0 : i32
      %dma_start3A_1309 = tpu.memref_slice %arg8[%dma_start3A_1308] : memref<66560xf32, #tpu.memory_space<vmem_shared>> -> memref<66560xf32, #tpu.memory_space<vmem_shared>>
      tpu.enqueue_indirect_dma source(%arg6 : memref<128xf32, #tpu.memory_space<vmem>>) target(%dma_start3A_1309 : memref<66560xf32, #tpu.memory_space<vmem_shared>>) offsets(%dma_start3A_1307 : memref<128xi32, #tpu.memory_space<vmem>>) semaphore(%run_scoped3A_1305 : memref<!tpu.dma_semaphore, #tpu.memory_space<semaphore_mem>>) {add = true}
      %dma_wait3A = arith.constant 0 : i32
      %dma_wait3A_1310 = tpu.memref_slice %arg5[%run_scoped3A, %dma_wait3A] : memref<5x128xi32, #tpu.memory_space<vmem>> -> memref<1x128xi32, #tpu.memory_space<vmem>>
      %dma_wait3A_1311 = tpu.memref_squeeze %dma_wait3A_1310 : memref<1x128xi32, #tpu.memory_space<vmem>> -> memref<128xi32, #tpu.memory_space<vmem>>
      %dma_wait3A_1312 = arith.constant 0 : i32
      %dma_wait3A_1313 = tpu.memref_slice %arg8[%dma_wait3A_1312] : memref<66560xf32, #tpu.memory_space<vmem_shared>> -> memref<66560xf32, #tpu.memory_space<vmem_shared>>
      tpu.wait_indirect_dma semaphore(%run_scoped3A_1305 : memref<!tpu.dma_semaphore, #tpu.memory_space<semaphore_mem>>) src(%arg6 : memref<128xf32, #tpu.memory_space<vmem>>) dst(%dma_wait3A_1313 : memref<66560xf32, #tpu.memory_space<vmem_shared>>)
      tpu.yield
    }) : () -> ()
    %run_scoped3A_1296 = arith.constant 1 : i32
    "tpu.region"() ({
      %run_scoped3A_1305 = tpu.sem_alloc : memref<!tpu.dma_semaphore, #tpu.memory_space<semaphore_mem>>
      %dma_start3A = arith.constant 0 : i32
      %dma_start3A_1306 = tpu.memref_slice %arg5[%run_scoped3A_1296, %dma_start3A] : memref<5x128xi32, #tpu.memory_space<vmem>> -> memref<1x128xi32, #tpu.memory_space<vmem>>
      %dma_start3A_1307 = tpu.memref_squeeze %dma_start3A_1306 : memref<1x128xi32, #tpu.memory_space<vmem>> -> memref<128xi32, #tpu.memory_space<vmem>>
      %dma_start3A_1308 = arith.constant 0 : i32
      %dma_start3A_1309 = tpu.memref_slice %arg8[%dma_start3A_1308] : memref<66560xf32, #tpu.memory_space<vmem_shared>> -> memref<66560xf32, #tpu.memory_space<vmem_shared>>
      tpu.enqueue_indirect_dma source(%arg6 : memref<128xf32, #tpu.memory_space<vmem>>) target(%dma_start3A_1309 : memref<66560xf32, #tpu.memory_space<vmem_shared>>) offsets(%dma_start3A_1307 : memref<128xi32, #tpu.memory_space<vmem>>) semaphore(%run_scoped3A_1305 : memref<!tpu.dma_semaphore, #tpu.memory_space<semaphore_mem>>) {add = true}
      %dma_wait3A = arith.constant 0 : i32
      %dma_wait3A_1310 = tpu.memref_slice %arg5[%run_scoped3A_1296, %dma_wait3A] : memref<5x128xi32, #tpu.memory_space<vmem>> -> memref<1x128xi32, #tpu.memory_space<vmem>>
      %dma_wait3A_1311 = tpu.memref_squeeze %dma_wait3A_1310 : memref<1x128xi32, #tpu.memory_space<vmem>> -> memref<128xi32, #tpu.memory_space<vmem>>
      %dma_wait3A_1312 = arith.constant 0 : i32
      %dma_wait3A_1313 = tpu.memref_slice %arg8[%dma_wait3A_1312] : memref<66560xf32, #tpu.memory_space<vmem_shared>> -> memref<66560xf32, #tpu.memory_space<vmem_shared>>
      tpu.wait_indirect_dma semaphore(%run_scoped3A_1305 : memref<!tpu.dma_semaphore, #tpu.memory_space<semaphore_mem>>) src(%arg6 : memref<128xf32, #tpu.memory_space<vmem>>) dst(%dma_wait3A_1313 : memref<66560xf32, #tpu.memory_space<vmem_shared>>)
      tpu.yield
    }) : () -> ()
    %run_scoped3A_1297 = arith.constant 2 : i32
    "tpu.region"() ({
      %run_scoped3A_1305 = tpu.sem_alloc : memref<!tpu.dma_semaphore, #tpu.memory_space<semaphore_mem>>
      %dma_start3A = arith.constant 0 : i32
      %dma_start3A_1306 = tpu.memref_slice %arg5[%run_scoped3A_1297, %dma_start3A] : memref<5x128xi32, #tpu.memory_space<vmem>> -> memref<1x128xi32, #tpu.memory_space<vmem>>
      %dma_start3A_1307 = tpu.memref_squeeze %dma_start3A_1306 : memref<1x128xi32, #tpu.memory_space<vmem>> -> memref<128xi32, #tpu.memory_space<vmem>>
      %dma_start3A_1308 = arith.constant 0 : i32
      %dma_start3A_1309 = tpu.memref_slice %arg8[%dma_start3A_1308] : memref<66560xf32, #tpu.memory_space<vmem_shared>> -> memref<66560xf32, #tpu.memory_space<vmem_shared>>
      tpu.enqueue_indirect_dma source(%arg6 : memref<128xf32, #tpu.memory_space<vmem>>) target(%dma_start3A_1309 : memref<66560xf32, #tpu.memory_space<vmem_shared>>) offsets(%dma_start3A_1307 : memref<128xi32, #tpu.memory_space<vmem>>) semaphore(%run_scoped3A_1305 : memref<!tpu.dma_semaphore, #tpu.memory_space<semaphore_mem>>) {add = true}
      %dma_wait3A = arith.constant 0 : i32
      %dma_wait3A_1310 = tpu.memref_slice %arg5[%run_scoped3A_1297, %dma_wait3A] : memref<5x128xi32, #tpu.memory_space<vmem>> -> memref<1x128xi32, #tpu.memory_space<vmem>>
      %dma_wait3A_1311 = tpu.memref_squeeze %dma_wait3A_1310 : memref<1x128xi32, #tpu.memory_space<vmem>> -> memref<128xi32, #tpu.memory_space<vmem>>
      %dma_wait3A_1312 = arith.constant 0 : i32
      %dma_wait3A_1313 = tpu.memref_slice %arg8[%dma_wait3A_1312] : memref<66560xf32, #tpu.memory_space<vmem_shared>> -> memref<66560xf32, #tpu.memory_space<vmem_shared>>
      tpu.wait_indirect_dma semaphore(%run_scoped3A_1305 : memref<!tpu.dma_semaphore, #tpu.memory_space<semaphore_mem>>) src(%arg6 : memref<128xf32, #tpu.memory_space<vmem>>) dst(%dma_wait3A_1313 : memref<66560xf32, #tpu.memory_space<vmem_shared>>)
      tpu.yield
    }) : () -> ()
    %run_scoped3A_1298 = arith.constant 3 : i32
    "tpu.region"() ({
      %run_scoped3A_1305 = tpu.sem_alloc : memref<!tpu.dma_semaphore, #tpu.memory_space<semaphore_mem>>
      %dma_start3A = arith.constant 0 : i32
      %dma_start3A_1306 = tpu.memref_slice %arg5[%run_scoped3A_1298, %dma_start3A] : memref<5x128xi32, #tpu.memory_space<vmem>> -> memref<1x128xi32, #tpu.memory_space<vmem>>
      %dma_start3A_1307 = tpu.memref_squeeze %dma_start3A_1306 : memref<1x128xi32, #tpu.memory_space<vmem>> -> memref<128xi32, #tpu.memory_space<vmem>>
      %dma_start3A_1308 = arith.constant 0 : i32
      %dma_start3A_1309 = tpu.memref_slice %arg8[%dma_start3A_1308] : memref<66560xf32, #tpu.memory_space<vmem_shared>> -> memref<66560xf32, #tpu.memory_space<vmem_shared>>
      tpu.enqueue_indirect_dma source(%arg6 : memref<128xf32, #tpu.memory_space<vmem>>) target(%dma_start3A_1309 : memref<66560xf32, #tpu.memory_space<vmem_shared>>) offsets(%dma_start3A_1307 : memref<128xi32, #tpu.memory_space<vmem>>) semaphore(%run_scoped3A_1305 : memref<!tpu.dma_semaphore, #tpu.memory_space<semaphore_mem>>) {add = true}
      %dma_wait3A = arith.constant 0 : i32
      %dma_wait3A_1310 = tpu.memref_slice %arg5[%run_scoped3A_1298, %dma_wait3A] : memref<5x128xi32, #tpu.memory_space<vmem>> -> memref<1x128xi32, #tpu.memory_space<vmem>>
      %dma_wait3A_1311 = tpu.memref_squeeze %dma_wait3A_1310 : memref<1x128xi32, #tpu.memory_space<vmem>> -> memref<128xi32, #tpu.memory_space<vmem>>
      %dma_wait3A_1312 = arith.constant 0 : i32
      %dma_wait3A_1313 = tpu.memref_slice %arg8[%dma_wait3A_1312] : memref<66560xf32, #tpu.memory_space<vmem_shared>> -> memref<66560xf32, #tpu.memory_space<vmem_shared>>
      tpu.wait_indirect_dma semaphore(%run_scoped3A_1305 : memref<!tpu.dma_semaphore, #tpu.memory_space<semaphore_mem>>) src(%arg6 : memref<128xf32, #tpu.memory_space<vmem>>) dst(%dma_wait3A_1313 : memref<66560xf32, #tpu.memory_space<vmem_shared>>)
      tpu.yield
    }) : () -> ()
    %run_scoped3A_1299 = arith.constant 4 : i32
    "tpu.region"() ({
      %run_scoped3A_1305 = tpu.sem_alloc : memref<!tpu.dma_semaphore, #tpu.memory_space<semaphore_mem>>
      %dma_start3A = arith.constant 0 : i32
      %dma_start3A_1306 = tpu.memref_slice %arg5[%run_scoped3A_1299, %dma_start3A] : memref<5x128xi32, #tpu.memory_space<vmem>> -> memref<1x128xi32, #tpu.memory_space<vmem>>
      %dma_start3A_1307 = tpu.memref_squeeze %dma_start3A_1306 : memref<1x128xi32, #tpu.memory_space<vmem>> -> memref<128xi32, #tpu.memory_space<vmem>>
      %dma_start3A_1308 = arith.constant 0 : i32
      %dma_start3A_1309 = tpu.memref_slice %arg8[%dma_start3A_1308] : memref<66560xf32, #tpu.memory_space<vmem_shared>> -> memref<66560xf32, #tpu.memory_space<vmem_shared>>
      tpu.enqueue_indirect_dma source(%arg6 : memref<128xf32, #tpu.memory_space<vmem>>) target(%dma_start3A_1309 : memref<66560xf32, #tpu.memory_space<vmem_shared>>) offsets(%dma_start3A_1307 : memref<128xi32, #tpu.memory_space<vmem>>) semaphore(%run_scoped3A_1305 : memref<!tpu.dma_semaphore, #tpu.memory_space<semaphore_mem>>) {add = true}
      %dma_wait3A = arith.constant 0 : i32
      %dma_wait3A_1310 = tpu.memref_slice %arg5[%run_scoped3A_1299, %dma_wait3A] : memref<5x128xi32, #tpu.memory_space<vmem>> -> memref<1x128xi32, #tpu.memory_space<vmem>>
      %dma_wait3A_1311 = tpu.memref_squeeze %dma_wait3A_1310 : memref<1x128xi32, #tpu.memory_space<vmem>> -> memref<128xi32, #tpu.memory_space<vmem>>
      %dma_wait3A_1312 = arith.constant 0 : i32
      %dma_wait3A_1313 = tpu.memref_slice %arg8[%dma_wait3A_1312] : memref<66560xf32, #tpu.memory_space<vmem_shared>> -> memref<66560xf32, #tpu.memory_space<vmem_shared>>
      tpu.wait_indirect_dma semaphore(%run_scoped3A_1305 : memref<!tpu.dma_semaphore, #tpu.memory_space<semaphore_mem>>) src(%arg6 : memref<128xf32, #tpu.memory_space<vmem>>) dst(%dma_wait3A_1313 : memref<66560xf32, #tpu.memory_space<vmem_shared>>)
      tpu.yield
    }) : () -> ()
    %barrier3A_1300 = arith.constant 0 : index
    tpu.barrier barrier_id(%barrier3A_1300)
    %mul3A_1301 = arith.constant 4096 : i32
    %mul3A_1302 = arith.muli %arg1, %mul3A_1301 : i32
    %mul3A_1303 = arith.constant 4096 : i32
    %mul3A_1304 = arith.muli %arg1, %mul3A_1303 : i32
    "tpu.region"() ({
      %run_scoped3A_1305 = tpu.sem_alloc : memref<!tpu.dma_semaphore, #tpu.memory_space<semaphore_mem>>
      %dma_start3A = tpu.memref_slice %arg3[%arg0, %mul3A_1304] : memref<2x65536xf32, #tpu.memory_space<hbm>> -> memref<1x4096xf32, #tpu.memory_space<hbm>>
      %dma_start3A_1306 = tpu.memref_squeeze %dma_start3A : memref<1x4096xf32, #tpu.memory_space<hbm>> -> memref<4096xf32, #tpu.memory_space<hbm>>
      %dma_start3A_1307 = tpu.memref_slice %arg8[%mul3A_1302] : memref<66560xf32, #tpu.memory_space<vmem_shared>> -> memref<4096xf32, #tpu.memory_space<vmem_shared>>
      tpu.enqueue_dma source(%dma_start3A_1307 : memref<4096xf32, #tpu.memory_space<vmem_shared>>) target(%dma_start3A_1306 : memref<4096xf32, #tpu.memory_space<hbm>>) target_semaphore(%run_scoped3A_1305 : memref<!tpu.dma_semaphore, #tpu.memory_space<semaphore_mem>>)
      %dma_wait3A = tpu.memref_slice %arg3[%arg0, %mul3A_1304] : memref<2x65536xf32, #tpu.memory_space<hbm>> -> memref<1x4096xf32, #tpu.memory_space<hbm>>
      %dma_wait3A_1308 = tpu.memref_squeeze %dma_wait3A : memref<1x4096xf32, #tpu.memory_space<hbm>> -> memref<4096xf32, #tpu.memory_space<hbm>>
      %dma_wait3A_1309 = tpu.memref_slice %arg8[%mul3A_1302] : memref<66560xf32, #tpu.memory_space<vmem_shared>> -> memref<4096xf32, #tpu.memory_space<vmem_shared>>
      tpu.wait_dma2 semaphore(%run_scoped3A_1305 : memref<!tpu.dma_semaphore, #tpu.memory_space<semaphore_mem>>) src(%dma_wait3A_1309 : memref<4096xf32, #tpu.memory_space<vmem_shared>>) dst(%dma_wait3A_1308 : memref<4096xf32, #tpu.memory_space<hbm>>)
      tpu.yield
    }) : () -> ()
    return
  }
}

module attributes {stable_mosaic.version = 14 : i64} {
  func.func @_tc_body(%arg0: i32, %arg1: memref<2x512x11xf32, #tpu.memory_space<vmem>>, %arg2: memref<11x128xf32, #tpu.memory_space<vmem>>, %arg3: memref<1x128xf32, #tpu.memory_space<vmem>>, %arg4: memref<128x128xf32, #tpu.memory_space<vmem>>, %arg5: memref<1x128xf32, #tpu.memory_space<vmem>>, %arg6: memref<4x4096xf32, #tpu.memory_space<vmem>>, %arg7: memref<2x4096x128xf32, #tpu.memory_space<vmem>>, %arg8: memref<2x224x128xbf16, #tpu.memory_space<vmem>>, %arg9: memref<8x224x128xf32, #tpu.memory_space<vmem>>, %arg10: memref<224x4096xf32, #tpu.memory_space<vmem>>, %arg11: memref<128x4096xf32, #tpu.memory_space<vmem>>) attributes {dimension_semantics = [#tpu.dimension_semantics<arbitrary>], iteration_bounds = array<i64: 8>, scalar_prefetch = 0 : i64, scratch_operands = 4 : i64, tpu.core_type = #tpu.core_type<tc>, window_params = [{pipeline_mode = #tpu.pipeline_mode<synchronous>, transform_indices = @transform_0, window_bounds = array<i64: 2, 512, 11>}, {pipeline_mode = #tpu.pipeline_mode<synchronous>, transform_indices = @transform_1, window_bounds = array<i64: 11, 128>}, {pipeline_mode = #tpu.pipeline_mode<synchronous>, transform_indices = @transform_2, window_bounds = array<i64: 1, 128>}, {pipeline_mode = #tpu.pipeline_mode<synchronous>, transform_indices = @transform_3, window_bounds = array<i64: 128, 128>}, {pipeline_mode = #tpu.pipeline_mode<synchronous>, transform_indices = @transform_4, window_bounds = array<i64: 1, 128>}, {transform_indices = @transform_5, window_bounds = array<i64: 4, 4096>}, {transform_indices = @transform_6, window_bounds = array<i64: 2, 4096, 128>}]} {
    %eq3A = arith.constant 0 : i32
    %eq3A_0 = arith.cmpi eq, %arg0, %eq3A : i32
    %convert_element_type3A = arith.extui %eq3A_0 : i1 to i32
    %cond3A = arith.constant 0 : i32
    %cond3A_1 = arith.cmpi ne, %convert_element_type3A, %cond3A : i32
    scf.if %cond3A_1 {
      %get3A_78 = arith.constant 0 : index
      %get3A_79 = arith.constant 0 : index
      %get3A_80 = arith.constant 0 : index
      %get3A_81 = vector.load %arg1[%get3A_78, %get3A_79, %get3A_80] : memref<2x512x11xf32, #tpu.memory_space<vmem>>, vector<2x512x11xf32>
      %get3A_82 = arith.constant 0 : index
      %get3A_83 = arith.constant 0 : index
      %get3A_84 = vector.load %arg2[%get3A_82, %get3A_83] : memref<11x128xf32, #tpu.memory_space<vmem>>, vector<11x128xf32>
      %get3A_85 = arith.constant 0 : index
      %get3A_86 = arith.constant 0 : index
      %get3A_87 = vector.load %arg3[%get3A_85, %get3A_86] : memref<1x128xf32, #tpu.memory_space<vmem>>, vector<1x128xf32>
      %get3A_88 = arith.constant 0 : index
      %get3A_89 = arith.constant 0 : index
      %get3A_90 = vector.load %arg4[%get3A_88, %get3A_89] : memref<128x128xf32, #tpu.memory_space<vmem>>, vector<128x128xf32>
      %get3A_91 = arith.constant 0 : index
      %get3A_92 = arith.constant 0 : index
      %get3A_93 = vector.load %arg5[%get3A_91, %get3A_92] : memref<1x128xf32, #tpu.memory_space<vmem>>, vector<1x128xf32>
      %slice3A = vector.extract_strided_slice %get3A_81 {offsets = [0, 0, 0], sizes = [1, 512, 11], strides = [1, 1, 1]} : vector<2x512x11xf32> to vector<1x512x11xf32>
      %squeeze3A = vector.shape_cast %slice3A : vector<1x512x11xf32> to vector<512x11xf32>
      %dot_general3A_94 = arith.constant dense<0.000000e+00> : vector<512x128xf32>
      %dot_general3A_95 = tpu.matmul %squeeze3A, %get3A_84, %dot_general3A_94 {dimension_numbers = #tpu.dot_dimension_numbers<[1], [0], [0], [1], [0, 0, 1, 1], [], []>, transpose_lhs_hint = false} : vector<512x11xf32>, vector<11x128xf32>, vector<512x128xf32> -> vector<512x128xf32>
      %add3A_96 = vector.broadcast %get3A_87 : vector<1x128xf32> to vector<512x128xf32>
      %add3A_97 = arith.addf %dot_general3A_95, %add3A_96 : vector<512x128xf32>
      %max3A = arith.constant 0.000000e+00 : f32
      %max3A_98 = vector.broadcast %max3A : f32 to vector<512x128xf32>
      %max3A_99 = arith.maximumf %add3A_97, %max3A_98 : vector<512x128xf32>
      %dot_general3A_100 = arith.constant dense<0.000000e+00> : vector<512x128xf32>
      %dot_general3A_101 = tpu.matmul %max3A_99, %get3A_90, %dot_general3A_100 {dimension_numbers = #tpu.dot_dimension_numbers<[1], [0], [0], [1], [0, 0, 1, 1], [], []>, transpose_lhs_hint = false} : vector<512x128xf32>, vector<128x128xf32>, vector<512x128xf32> -> vector<512x128xf32>
      %add3A_102 = vector.broadcast %get3A_93 : vector<1x128xf32> to vector<512x128xf32>
      %add3A_103 = arith.addf %dot_general3A_101, %add3A_102 : vector<512x128xf32>
      %reshape3A = vector.shape_cast %add3A_103 : vector<512x128xf32> to vector<8x8x8x128xf32>
      %slice3A_104 = vector.extract_strided_slice %reshape3A {offsets = [2, 2, 2, 0], sizes = [6, 6, 6, 128], strides = [1, 1, 1, 1]} : vector<8x8x8x128xf32> to vector<6x6x6x128xf32>
      %reshape3A_105 = vector.shape_cast %slice3A_104 : vector<6x6x6x128xf32> to vector<216x128xf32>
      %convert_element_type3A_106 = arith.truncf %reshape3A_105 : vector<216x128xf32> to vector<216x128xbf16>
      %swap3A_107 = arith.constant 0 : index
      %swap3A_108 = arith.constant 0 : index
      %swap3A_109 = arith.constant 0 : index
      %swap3A_110 = vector.load %arg8[%swap3A_107, %swap3A_108, %swap3A_109] : memref<2x224x128xbf16, #tpu.memory_space<vmem>>, vector<1x216x128xbf16>
      %swap3A_111 = vector.shape_cast %swap3A_110 : vector<1x216x128xbf16> to vector<216x128xbf16>
      %swap3A_112 = vector.shape_cast %convert_element_type3A_106 : vector<216x128xbf16> to vector<1x216x128xbf16>
      tpu.vector_store %arg8[%swap3A_107, %swap3A_108, %swap3A_109], %swap3A_112 {strides = array<i32>} : memref<2x224x128xbf16, #tpu.memory_space<vmem>>, vector<1x216x128xbf16>,
      %broadcast_in_dim3A_113 = arith.constant 0.000000e+00 : bf16
      %broadcast_in_dim3A_114 = vector.broadcast %broadcast_in_dim3A_113 : bf16 to vector<8x128xbf16>
      %swap3A_115 = arith.constant 0 : index
      %swap3A_116 = arith.constant 216 : index
      %swap3A_117 = arith.constant 0 : index
      %swap3A_118 = vector.load %arg8[%swap3A_115, %swap3A_116, %swap3A_117] : memref<2x224x128xbf16, #tpu.memory_space<vmem>>, vector<1x8x128xbf16>
      %swap3A_119 = vector.shape_cast %swap3A_118 : vector<1x8x128xbf16> to vector<8x128xbf16>
      %swap3A_120 = vector.shape_cast %broadcast_in_dim3A_114 : vector<8x128xbf16> to vector<1x8x128xbf16>
      tpu.vector_store %arg8[%swap3A_115, %swap3A_116, %swap3A_117], %swap3A_120 {strides = array<i32>} : memref<2x224x128xbf16, #tpu.memory_space<vmem>>, vector<1x8x128xbf16>,
      %slice3A_121 = vector.extract_strided_slice %get3A_81 {offsets = [1, 0, 0], sizes = [1, 512, 11], strides = [1, 1, 1]} : vector<2x512x11xf32> to vector<1x512x11xf32>
      %squeeze3A_122 = vector.shape_cast %slice3A_121 : vector<1x512x11xf32> to vector<512x11xf32>
      %dot_general3A_123 = arith.constant dense<0.000000e+00> : vector<512x128xf32>
      %dot_general3A_124 = tpu.matmul %squeeze3A_122, %get3A_84, %dot_general3A_123 {dimension_numbers = #tpu.dot_dimension_numbers<[1], [0], [0], [1], [0, 0, 1, 1], [], []>, transpose_lhs_hint = false} : vector<512x11xf32>, vector<11x128xf32>, vector<512x128xf32> -> vector<512x128xf32>
      %add3A_125 = vector.broadcast %get3A_87 : vector<1x128xf32> to vector<512x128xf32>
      %add3A_126 = arith.addf %dot_general3A_124, %add3A_125 : vector<512x128xf32>
      %max3A_127 = arith.constant 0.000000e+00 : f32
      %max3A_128 = vector.broadcast %max3A_127 : f32 to vector<512x128xf32>
      %max3A_129 = arith.maximumf %add3A_126, %max3A_128 : vector<512x128xf32>
      %dot_general3A_130 = arith.constant dense<0.000000e+00> : vector<512x128xf32>
      %dot_general3A_131 = tpu.matmul %max3A_129, %get3A_90, %dot_general3A_130 {dimension_numbers = #tpu.dot_dimension_numbers<[1], [0], [0], [1], [0, 0, 1, 1], [], []>, transpose_lhs_hint = false} : vector<512x128xf32>, vector<128x128xf32>, vector<512x128xf32> -> vector<512x128xf32>
      %add3A_132 = vector.broadcast %get3A_93 : vector<1x128xf32> to vector<512x128xf32>
      %add3A_133 = arith.addf %dot_general3A_131, %add3A_132 : vector<512x128xf32>
      %reshape3A_134 = vector.shape_cast %add3A_133 : vector<512x128xf32> to vector<8x8x8x128xf32>
      %slice3A_135 = vector.extract_strided_slice %reshape3A_134 {offsets = [2, 2, 2, 0], sizes = [6, 6, 6, 128], strides = [1, 1, 1, 1]} : vector<8x8x8x128xf32> to vector<6x6x6x128xf32>
      %reshape3A_136 = vector.shape_cast %slice3A_135 : vector<6x6x6x128xf32> to vector<216x128xf32>
      %convert_element_type3A_137 = arith.truncf %reshape3A_136 : vector<216x128xf32> to vector<216x128xbf16>
      %swap3A_138 = arith.constant 1 : index
      %swap3A_139 = arith.constant 0 : index
      %swap3A_140 = arith.constant 0 : index
      %swap3A_141 = vector.load %arg8[%swap3A_138, %swap3A_139, %swap3A_140] : memref<2x224x128xbf16, #tpu.memory_space<vmem>>, vector<1x216x128xbf16>
      %swap3A_142 = vector.shape_cast %swap3A_141 : vector<1x216x128xbf16> to vector<216x128xbf16>
      %swap3A_143 = vector.shape_cast %convert_element_type3A_137 : vector<216x128xbf16> to vector<1x216x128xbf16>
      tpu.vector_store %arg8[%swap3A_138, %swap3A_139, %swap3A_140], %swap3A_143 {strides = array<i32>} : memref<2x224x128xbf16, #tpu.memory_space<vmem>>, vector<1x216x128xbf16>,
      %broadcast_in_dim3A_144 = arith.constant 0.000000e+00 : bf16
      %broadcast_in_dim3A_145 = vector.broadcast %broadcast_in_dim3A_144 : bf16 to vector<8x128xbf16>
      %swap3A_146 = arith.constant 1 : index
      %swap3A_147 = arith.constant 216 : index
      %swap3A_148 = arith.constant 0 : index
      %swap3A_149 = vector.load %arg8[%swap3A_146, %swap3A_147, %swap3A_148] : memref<2x224x128xbf16, #tpu.memory_space<vmem>>, vector<1x8x128xbf16>
      %swap3A_150 = vector.shape_cast %swap3A_149 : vector<1x8x128xbf16> to vector<8x128xbf16>
      %swap3A_151 = vector.shape_cast %broadcast_in_dim3A_145 : vector<8x128xbf16> to vector<1x8x128xbf16>
      tpu.vector_store %arg8[%swap3A_146, %swap3A_147, %swap3A_148], %swap3A_151 {strides = array<i32>} : memref<2x224x128xbf16, #tpu.memory_space<vmem>>, vector<1x8x128xbf16>,
      %iota3A = tpu.iota {dimensions = array<i32: 0>} : vector<224x1xi32>
      %ge3A = arith.constant 216 : i32
      %ge3A_152 = vector.broadcast %ge3A : i32 to vector<224x1xi32>
      %ge3A_153 = arith.cmpi sge, %iota3A, %ge3A_152 : vector<224x1xi32>
      %jit3A_154 = arith.constant 36 : i32
      %div3A_155 = vector.broadcast %jit3A_154 : i32 to vector<224x1xi32>
      %div3A_156 = arith.divsi %iota3A, %div3A_155 : vector<224x1xi32>
      %sign3A = arith.constant 0 : i32
      %sign3A_157 = vector.broadcast %sign3A : i32 to vector<224x1xi32>
      %sign3A_158 = arith.cmpi sgt, %iota3A, %sign3A_157 : vector<224x1xi32>
      %sign3A_159 = arith.extui %sign3A_158 : vector<224x1xi1> to vector<224x1xi32>
      %sign3A_160 = arith.constant 0 : i32
      %sign3A_161 = vector.broadcast %sign3A_160 : i32 to vector<224x1xi32>
      %sign3A_162 = arith.cmpi slt, %iota3A, %sign3A_161 : vector<224x1xi32>
      %sign3A_163 = arith.extui %sign3A_162 : vector<224x1xi1> to vector<224x1xi32>
      %sign3A_164 = arith.subi %sign3A_159, %sign3A_163 : vector<224x1xi32>
      %sign3A_165 = arith.constant 0 : i32
      %sign3A_166 = arith.cmpi sgt, %jit3A_154, %sign3A_165 : i32
      %sign3A_167 = arith.extui %sign3A_166 : i1 to i32
      %sign3A_168 = arith.constant 0 : i32
      %sign3A_169 = arith.cmpi slt, %jit3A_154, %sign3A_168 : i32
      %sign3A_170 = arith.extui %sign3A_169 : i1 to i32
      %sign3A_171 = arith.subi %sign3A_167, %sign3A_170 : i32
      %ne3A = vector.broadcast %sign3A_171 : i32 to vector<224x1xi32>
      %ne3A_172 = arith.cmpi ne, %sign3A_164, %ne3A : vector<224x1xi32>
      %rem3A = vector.broadcast %jit3A_154 : i32 to vector<224x1xi32>
      %rem3A_173 = arith.remsi %iota3A, %rem3A : vector<224x1xi32>
      %ne3A_174 = arith.constant 0 : i32
      %ne3A_175 = vector.broadcast %ne3A_174 : i32 to vector<224x1xi32>
      %ne3A_176 = arith.cmpi ne, %rem3A_173, %ne3A_175 : vector<224x1xi32>
      %and3A = arith.andi %ne3A_172, %ne3A_176 : vector<224x1xi1>
      %sub3A = arith.constant 1 : i32
      %sub3A_177 = vector.broadcast %sub3A : i32 to vector<224x1xi32>
      %sub3A_178 = arith.subi %div3A_156, %sub3A_177 : vector<224x1xi32>
      %select_n3A_179 = arith.select %and3A, %sub3A_178, %div3A_156 : vector<224x1xi1>, vector<224x1xi32>
      %add3A_180 = arith.constant 2 : i32
      %add3A_181 = vector.broadcast %add3A_180 : i32 to vector<224x1xi32>
      %add3A_182 = arith.addi %add3A_181, %select_n3A_179 : vector<224x1xi32>
      %jit3A_183 = arith.constant 0 : i32
      %broadcast_in_dim3A_184 = vector.broadcast %jit3A_183 : i32 to vector<224x1xi32>
      %select_n3A_185 = arith.select %ge3A_153, %broadcast_in_dim3A_184, %add3A_182 : vector<224x1xi1>, vector<224x1xi32>
      %jit3A_186 = arith.constant 6 : i32
      %div3A_187 = vector.broadcast %jit3A_186 : i32 to vector<224x1xi32>
      %div3A_188 = arith.divsi %iota3A, %div3A_187 : vector<224x1xi32>
      %sign3A_189 = arith.constant 0 : i32
      %sign3A_190 = vector.broadcast %sign3A_189 : i32 to vector<224x1xi32>
      %sign3A_191 = arith.cmpi sgt, %iota3A, %sign3A_190 : vector<224x1xi32>
      %sign3A_192 = arith.extui %sign3A_191 : vector<224x1xi1> to vector<224x1xi32>
      %sign3A_193 = arith.constant 0 : i32
      %sign3A_194 = vector.broadcast %sign3A_193 : i32 to vector<224x1xi32>
      %sign3A_195 = arith.cmpi slt, %iota3A, %sign3A_194 : vector<224x1xi32>
      %sign3A_196 = arith.extui %sign3A_195 : vector<224x1xi1> to vector<224x1xi32>
      %sign3A_197 = arith.subi %sign3A_192, %sign3A_196 : vector<224x1xi32>
      %sign3A_198 = arith.constant 0 : i32
      %sign3A_199 = arith.cmpi sgt, %jit3A_186, %sign3A_198 : i32
      %sign3A_200 = arith.extui %sign3A_199 : i1 to i32
      %sign3A_201 = arith.constant 0 : i32
      %sign3A_202 = arith.cmpi slt, %jit3A_186, %sign3A_201 : i32
      %sign3A_203 = arith.extui %sign3A_202 : i1 to i32
      %sign3A_204 = arith.subi %sign3A_200, %sign3A_203 : i32
      %ne3A_205 = vector.broadcast %sign3A_204 : i32 to vector<224x1xi32>
      %ne3A_206 = arith.cmpi ne, %sign3A_197, %ne3A_205 : vector<224x1xi32>
      %rem3A_207 = vector.broadcast %jit3A_186 : i32 to vector<224x1xi32>
      %rem3A_208 = arith.remsi %iota3A, %rem3A_207 : vector<224x1xi32>
      %ne3A_209 = arith.constant 0 : i32
      %ne3A_210 = vector.broadcast %ne3A_209 : i32 to vector<224x1xi32>
      %ne3A_211 = arith.cmpi ne, %rem3A_208, %ne3A_210 : vector<224x1xi32>
      %and3A_212 = arith.andi %ne3A_206, %ne3A_211 : vector<224x1xi1>
      %sub3A_213 = arith.constant 1 : i32
      %sub3A_214 = vector.broadcast %sub3A_213 : i32 to vector<224x1xi32>
      %sub3A_215 = arith.subi %div3A_188, %sub3A_214 : vector<224x1xi32>
      %select_n3A_216 = arith.select %and3A_212, %sub3A_215, %div3A_188 : vector<224x1xi1>, vector<224x1xi32>
      %jit3A_217 = arith.constant 6 : i32
      %eq3A_218 = arith.constant 0 : i32
      %eq3A_219 = arith.cmpi eq, %jit3A_217, %eq3A_218 : i32
      %jit3A_220 = arith.constant 1 : i32
      %select_n3A_221 = arith.select %eq3A_219, %jit3A_220, %jit3A_217 : i32
      %rem3A_222 = vector.broadcast %select_n3A_221 : i32 to vector<224x1xi32>
      %rem3A_223 = arith.remsi %select_n3A_216, %rem3A_222 : vector<224x1xi32>
      %ne3A_224 = arith.constant 0 : i32
      %ne3A_225 = vector.broadcast %ne3A_224 : i32 to vector<224x1xi32>
      %ne3A_226 = arith.cmpi ne, %rem3A_223, %ne3A_225 : vector<224x1xi32>
      %lt3A = arith.constant 0 : i32
      %lt3A_227 = vector.broadcast %lt3A : i32 to vector<224x1xi32>
      %lt3A_228 = arith.cmpi slt, %rem3A_223, %lt3A_227 : vector<224x1xi32>
      %lt3A_229 = arith.constant 0 : i32
      %lt3A_230 = arith.cmpi slt, %select_n3A_221, %lt3A_229 : i32
      %ne3A_231 = vector.broadcast %lt3A_230 : i1 to vector<224x1xi1>
      %ne3A_232 = vector.broadcast %ne3A_231 : vector<224x1xi1> to vector<224x1xi1>
      %ne3A_233 = arith.xori %lt3A_228, %ne3A_232 : vector<224x1xi1>
      %and3A_234 = arith.andi %ne3A_233, %ne3A_226 : vector<224x1xi1>
      %add3A_235 = vector.broadcast %select_n3A_221 : i32 to vector<224x1xi32>
      %add3A_236 = arith.addi %rem3A_223, %add3A_235 : vector<224x1xi32>
      %select_n3A_237 = arith.select %and3A_234, %add3A_236, %rem3A_223 : vector<224x1xi1>, vector<224x1xi32>
      %add3A_238 = arith.constant 2 : i32
      %add3A_239 = vector.broadcast %add3A_238 : i32 to vector<224x1xi32>
      %add3A_240 = arith.addi %add3A_239, %select_n3A_237 : vector<224x1xi32>
      %jit3A_241 = arith.constant 0 : i32
      %broadcast_in_dim3A_242 = vector.broadcast %jit3A_241 : i32 to vector<224x1xi32>
      %select_n3A_243 = arith.select %ge3A_153, %broadcast_in_dim3A_242, %add3A_240 : vector<224x1xi1>, vector<224x1xi32>
      %jit3A_244 = arith.constant 6 : i32
      %eq3A_245 = arith.constant 0 : i32
      %eq3A_246 = arith.cmpi eq, %jit3A_244, %eq3A_245 : i32
      %jit3A_247 = arith.constant 1 : i32
      %select_n3A_248 = arith.select %eq3A_246, %jit3A_247, %jit3A_244 : i32
      %rem3A_249 = vector.broadcast %select_n3A_248 : i32 to vector<224x1xi32>
      %rem3A_250 = arith.remsi %iota3A, %rem3A_249 : vector<224x1xi32>
      %ne3A_251 = arith.constant 0 : i32
      %ne3A_252 = vector.broadcast %ne3A_251 : i32 to vector<224x1xi32>
      %ne3A_253 = arith.cmpi ne, %rem3A_250, %ne3A_252 : vector<224x1xi32>
      %lt3A_254 = arith.constant 0 : i32
      %lt3A_255 = vector.broadcast %lt3A_254 : i32 to vector<224x1xi32>
      %lt3A_256 = arith.cmpi slt, %rem3A_250, %lt3A_255 : vector<224x1xi32>
      %lt3A_257 = arith.constant 0 : i32
      %lt3A_258 = arith.cmpi slt, %select_n3A_248, %lt3A_257 : i32
      %ne3A_259 = vector.broadcast %lt3A_258 : i1 to vector<224x1xi1>
      %ne3A_260 = vector.broadcast %ne3A_259 : vector<224x1xi1> to vector<224x1xi1>
      %ne3A_261 = arith.xori %lt3A_256, %ne3A_260 : vector<224x1xi1>
      %and3A_262 = arith.andi %ne3A_261, %ne3A_253 : vector<224x1xi1>
      %add3A_263 = vector.broadcast %select_n3A_248 : i32 to vector<224x1xi32>
      %add3A_264 = arith.addi %rem3A_250, %add3A_263 : vector<224x1xi32>
      %select_n3A_265 = arith.select %and3A_262, %add3A_264, %rem3A_250 : vector<224x1xi1>, vector<224x1xi32>
      %add3A_266 = arith.constant 2 : i32
      %add3A_267 = vector.broadcast %add3A_266 : i32 to vector<224x1xi32>
      %add3A_268 = arith.addi %add3A_267, %select_n3A_265 : vector<224x1xi32>
      %jit3A_269 = arith.constant 0 : i32
      %broadcast_in_dim3A_270 = vector.broadcast %jit3A_269 : i32 to vector<224x1xi32>
      %select_n3A_271 = arith.select %ge3A_153, %broadcast_in_dim3A_270, %add3A_268 : vector<224x1xi1>, vector<224x1xi32>
      %convert_element_type3A_272 = arith.sitofp %select_n3A_185 : vector<224x1xi32> to vector<224x1xf32>
      %mul3A_273 = arith.constant 14.2857141 : f32
      %mul3A_274 = vector.broadcast %mul3A_273 : f32 to vector<224x1xf32>
      %mul3A_275 = arith.mulf %convert_element_type3A_272, %mul3A_274 : vector<224x1xf32>
      %add3A_276 = arith.constant -5.000000e+01 : f32
      %add3A_277 = vector.broadcast %add3A_276 : f32 to vector<224x1xf32>
      %add3A_278 = arith.addf %add3A_277, %mul3A_275 : vector<224x1xf32>
      %bitcast_convert_type3A = tpu.bitcast %add3A_278 : vector<224x1xf32> -> vector<224x1xi32>
      %shift_right_arithmetic3A = arith.constant 13 : i32
      %shift_right_arithmetic3A_279 = vector.broadcast %shift_right_arithmetic3A : i32 to vector<224x1xi32>
      %shift_right_arithmetic3A_280 = arith.shrsi %bitcast_convert_type3A, %shift_right_arithmetic3A_279 : vector<224x1xi32>
      %and3A_281 = arith.constant 1 : i32
      %and3A_282 = vector.broadcast %and3A_281 : i32 to vector<224x1xi32>
      %and3A_283 = arith.andi %shift_right_arithmetic3A_280, %and3A_282 : vector<224x1xi32>
      %add3A_284 = arith.constant 4095 : i32
      %add3A_285 = vector.broadcast %add3A_284 : i32 to vector<224x1xi32>
      %add3A_286 = arith.addi %bitcast_convert_type3A, %add3A_285 : vector<224x1xi32>
      %add3A_287 = arith.addi %add3A_286, %and3A_283 : vector<224x1xi32>
      %and3A_288 = arith.constant -8192 : i32
      %and3A_289 = vector.broadcast %and3A_288 : i32 to vector<224x1xi32>
      %and3A_290 = arith.andi %add3A_287, %and3A_289 : vector<224x1xi32>
      %bitcast_convert_type3A_291 = tpu.bitcast %and3A_290 : vector<224x1xi32> -> vector<224x1xf32>
      %jit3A_292 = arith.constant -1.000000e+02 : f32
      %broadcast_in_dim3A_293 = vector.broadcast %jit3A_292 : f32 to vector<224x1xf32>
      %select_n3A_294 = arith.select %ge3A_153, %broadcast_in_dim3A_293, %bitcast_convert_type3A_291 : vector<224x1xi1>, vector<224x1xf32>
      %convert_element_type3A_295 = arith.sitofp %select_n3A_243 : vector<224x1xi32> to vector<224x1xf32>
      %mul3A_296 = arith.constant 14.2857141 : f32
      %mul3A_297 = vector.broadcast %mul3A_296 : f32 to vector<224x1xf32>
      %mul3A_298 = arith.mulf %convert_element_type3A_295, %mul3A_297 : vector<224x1xf32>
      %add3A_299 = arith.constant -5.000000e+01 : f32
      %add3A_300 = vector.broadcast %add3A_299 : f32 to vector<224x1xf32>
      %add3A_301 = arith.addf %add3A_300, %mul3A_298 : vector<224x1xf32>
      %bitcast_convert_type3A_302 = tpu.bitcast %add3A_301 : vector<224x1xf32> -> vector<224x1xi32>
      %shift_right_arithmetic3A_303 = arith.constant 13 : i32
      %shift_right_arithmetic3A_304 = vector.broadcast %shift_right_arithmetic3A_303 : i32 to vector<224x1xi32>
      %shift_right_arithmetic3A_305 = arith.shrsi %bitcast_convert_type3A_302, %shift_right_arithmetic3A_304 : vector<224x1xi32>
      %and3A_306 = arith.constant 1 : i32
      %and3A_307 = vector.broadcast %and3A_306 : i32 to vector<224x1xi32>
      %and3A_308 = arith.andi %shift_right_arithmetic3A_305, %and3A_307 : vector<224x1xi32>
      %add3A_309 = arith.constant 4095 : i32
      %add3A_310 = vector.broadcast %add3A_309 : i32 to vector<224x1xi32>
      %add3A_311 = arith.addi %bitcast_convert_type3A_302, %add3A_310 : vector<224x1xi32>
      %add3A_312 = arith.addi %add3A_311, %and3A_308 : vector<224x1xi32>
      %and3A_313 = arith.constant -8192 : i32
      %and3A_314 = vector.broadcast %and3A_313 : i32 to vector<224x1xi32>
      %and3A_315 = arith.andi %add3A_312, %and3A_314 : vector<224x1xi32>
      %bitcast_convert_type3A_316 = tpu.bitcast %and3A_315 : vector<224x1xi32> -> vector<224x1xf32>
      %jit3A_317 = arith.constant -1.000000e+02 : f32
      %broadcast_in_dim3A_318 = vector.broadcast %jit3A_317 : f32 to vector<224x1xf32>
      %select_n3A_319 = arith.select %ge3A_153, %broadcast_in_dim3A_318, %bitcast_convert_type3A_316 : vector<224x1xi1>, vector<224x1xf32>
      %convert_element_type3A_320 = arith.sitofp %select_n3A_271 : vector<224x1xi32> to vector<224x1xf32>
      %mul3A_321 = arith.constant 14.2857141 : f32
      %mul3A_322 = vector.broadcast %mul3A_321 : f32 to vector<224x1xf32>
      %mul3A_323 = arith.mulf %convert_element_type3A_320, %mul3A_322 : vector<224x1xf32>
      %add3A_324 = arith.constant -5.000000e+01 : f32
      %add3A_325 = vector.broadcast %add3A_324 : f32 to vector<224x1xf32>
      %add3A_326 = arith.addf %add3A_325, %mul3A_323 : vector<224x1xf32>
      %bitcast_convert_type3A_327 = tpu.bitcast %add3A_326 : vector<224x1xf32> -> vector<224x1xi32>
      %shift_right_arithmetic3A_328 = arith.constant 13 : i32
      %shift_right_arithmetic3A_329 = vector.broadcast %shift_right_arithmetic3A_328 : i32 to vector<224x1xi32>
      %shift_right_arithmetic3A_330 = arith.shrsi %bitcast_convert_type3A_327, %shift_right_arithmetic3A_329 : vector<224x1xi32>
      %and3A_331 = arith.constant 1 : i32
      %and3A_332 = vector.broadcast %and3A_331 : i32 to vector<224x1xi32>
      %and3A_333 = arith.andi %shift_right_arithmetic3A_330, %and3A_332 : vector<224x1xi32>
      %add3A_334 = arith.constant 4095 : i32
      %add3A_335 = vector.broadcast %add3A_334 : i32 to vector<224x1xi32>
      %add3A_336 = arith.addi %bitcast_convert_type3A_327, %add3A_335 : vector<224x1xi32>
      %add3A_337 = arith.addi %add3A_336, %and3A_333 : vector<224x1xi32>
      %and3A_338 = arith.constant -8192 : i32
      %and3A_339 = vector.broadcast %and3A_338 : i32 to vector<224x1xi32>
      %and3A_340 = arith.andi %add3A_337, %and3A_339 : vector<224x1xi32>
      %bitcast_convert_type3A_341 = tpu.bitcast %and3A_340 : vector<224x1xi32> -> vector<224x1xf32>
      %jit3A_342 = arith.constant -1.000000e+02 : f32
      %broadcast_in_dim3A_343 = vector.broadcast %jit3A_342 : f32 to vector<224x1xf32>
      %select_n3A_344 = arith.select %ge3A_153, %broadcast_in_dim3A_343, %bitcast_convert_type3A_341 : vector<224x1xi1>, vector<224x1xf32>
      %iota3A_345 = tpu.iota {dimensions = array<i32: 1>} : vector<1x1024xi32>
      %jit3A_346 = arith.constant 32 : i32
      %div3A_347 = vector.broadcast %jit3A_346 : i32 to vector<1x1024xi32>
      %div3A_348 = arith.divsi %iota3A_345, %div3A_347 : vector<1x1024xi32>
      %sign3A_349 = arith.constant 0 : i32
      %sign3A_350 = vector.broadcast %sign3A_349 : i32 to vector<1x1024xi32>
      %sign3A_351 = arith.cmpi sgt, %iota3A_345, %sign3A_350 : vector<1x1024xi32>
      %sign3A_352 = arith.extui %sign3A_351 : vector<1x1024xi1> to vector<1x1024xi32>
      %sign3A_353 = arith.constant 0 : i32
      %sign3A_354 = vector.broadcast %sign3A_353 : i32 to vector<1x1024xi32>
      %sign3A_355 = arith.cmpi slt, %iota3A_345, %sign3A_354 : vector<1x1024xi32>
      %sign3A_356 = arith.extui %sign3A_355 : vector<1x1024xi1> to vector<1x1024xi32>
      %sign3A_357 = arith.subi %sign3A_352, %sign3A_356 : vector<1x1024xi32>
      %sign3A_358 = arith.constant 0 : i32
      %sign3A_359 = arith.cmpi sgt, %jit3A_346, %sign3A_358 : i32
      %sign3A_360 = arith.extui %sign3A_359 : i1 to i32
      %sign3A_361 = arith.constant 0 : i32
      %sign3A_362 = arith.cmpi slt, %jit3A_346, %sign3A_361 : i32
      %sign3A_363 = arith.extui %sign3A_362 : i1 to i32
      %sign3A_364 = arith.subi %sign3A_360, %sign3A_363 : i32
      %ne3A_365 = vector.broadcast %sign3A_364 : i32 to vector<1x1024xi32>
      %ne3A_366 = arith.cmpi ne, %sign3A_357, %ne3A_365 : vector<1x1024xi32>
      %rem3A_367 = vector.broadcast %jit3A_346 : i32 to vector<1x1024xi32>
      %rem3A_368 = arith.remsi %iota3A_345, %rem3A_367 : vector<1x1024xi32>
      %ne3A_369 = arith.constant 0 : i32
      %ne3A_370 = vector.broadcast %ne3A_369 : i32 to vector<1x1024xi32>
      %ne3A_371 = arith.cmpi ne, %rem3A_368, %ne3A_370 : vector<1x1024xi32>
      %and3A_372 = arith.andi %ne3A_366, %ne3A_371 : vector<1x1024xi1>
      %sub3A_373 = arith.constant 1 : i32
      %sub3A_374 = vector.broadcast %sub3A_373 : i32 to vector<1x1024xi32>
      %sub3A_375 = arith.subi %div3A_348, %sub3A_374 : vector<1x1024xi32>
      %select_n3A_376 = arith.select %and3A_372, %sub3A_375, %div3A_348 : vector<1x1024xi1>, vector<1x1024xi32>
      %convert_element_type3A_377 = arith.sitofp %select_n3A_376 : vector<1x1024xi32> to vector<1x1024xf32>
      %jit3A_378 = arith.constant 32 : i32
      %eq3A_379 = arith.constant 0 : i32
      %eq3A_380 = arith.cmpi eq, %jit3A_378, %eq3A_379 : i32
      %jit3A_381 = arith.constant 1 : i32
      %select_n3A_382 = arith.select %eq3A_380, %jit3A_381, %jit3A_378 : i32
      %rem3A_383 = vector.broadcast %select_n3A_382 : i32 to vector<1x1024xi32>
      %rem3A_384 = arith.remsi %iota3A_345, %rem3A_383 : vector<1x1024xi32>
      %ne3A_385 = arith.constant 0 : i32
      %ne3A_386 = vector.broadcast %ne3A_385 : i32 to vector<1x1024xi32>
      %ne3A_387 = arith.cmpi ne, %rem3A_384, %ne3A_386 : vector<1x1024xi32>
      %lt3A_388 = arith.constant 0 : i32
      %lt3A_389 = vector.broadcast %lt3A_388 : i32 to vector<1x1024xi32>
      %lt3A_390 = arith.cmpi slt, %rem3A_384, %lt3A_389 : vector<1x1024xi32>
      %lt3A_391 = arith.constant 0 : i32
      %lt3A_392 = arith.cmpi slt, %select_n3A_382, %lt3A_391 : i32
      %ne3A_393 = vector.broadcast %lt3A_392 : i1 to vector<1x1024xi1>
      %ne3A_394 = vector.broadcast %ne3A_393 : vector<1x1024xi1> to vector<1x1024xi1>
      %ne3A_395 = arith.xori %lt3A_390, %ne3A_394 : vector<1x1024xi1>
      %and3A_396 = arith.andi %ne3A_395, %ne3A_387 : vector<1x1024xi1>
      %add3A_397 = vector.broadcast %select_n3A_382 : i32 to vector<1x1024xi32>
      %add3A_398 = arith.addi %rem3A_384, %add3A_397 : vector<1x1024xi32>
      %select_n3A_399 = arith.select %and3A_396, %add3A_398, %rem3A_384 : vector<1x1024xi1>, vector<1x1024xi32>
      %convert_element_type3A_400 = arith.sitofp %select_n3A_399 : vector<1x1024xi32> to vector<1x1024xf32>
      %sub3A_401 = vector.broadcast %convert_element_type3A_377 : vector<1x1024xf32> to vector<224x1024xf32>
      %sub3A_402 = vector.broadcast %select_n3A_294 : vector<224x1xf32> to vector<224x1024xf32>
      %sub3A_403 = arith.subf %sub3A_401, %sub3A_402 : vector<224x1024xf32>
      %bitcast_convert_type3A_404 = tpu.bitcast %sub3A_403 : vector<224x1024xf32> -> vector<224x1024xi32>
      %shift_right_arithmetic3A_405 = arith.constant 13 : i32
      %shift_right_arithmetic3A_406 = vector.broadcast %shift_right_arithmetic3A_405 : i32 to vector<224x1024xi32>
      %shift_right_arithmetic3A_407 = arith.shrsi %bitcast_convert_type3A_404, %shift_right_arithmetic3A_406 : vector<224x1024xi32>
      %and3A_408 = arith.constant 1 : i32
      %and3A_409 = vector.broadcast %and3A_408 : i32 to vector<224x1024xi32>
      %and3A_410 = arith.andi %shift_right_arithmetic3A_407, %and3A_409 : vector<224x1024xi32>
      %add3A_411 = arith.constant 4095 : i32
      %add3A_412 = vector.broadcast %add3A_411 : i32 to vector<224x1024xi32>
      %add3A_413 = arith.addi %bitcast_convert_type3A_404, %add3A_412 : vector<224x1024xi32>
      %add3A_414 = arith.addi %add3A_413, %and3A_410 : vector<224x1024xi32>
      %and3A_415 = arith.constant -8192 : i32
      %and3A_416 = vector.broadcast %and3A_415 : i32 to vector<224x1024xi32>
      %and3A_417 = arith.andi %add3A_414, %and3A_416 : vector<224x1024xi32>
      %bitcast_convert_type3A_418 = tpu.bitcast %and3A_417 : vector<224x1024xi32> -> vector<224x1024xf32>
      %sub3A_419 = vector.broadcast %convert_element_type3A_400 : vector<1x1024xf32> to vector<224x1024xf32>
      %sub3A_420 = vector.broadcast %select_n3A_319 : vector<224x1xf32> to vector<224x1024xf32>
      %sub3A_421 = arith.subf %sub3A_419, %sub3A_420 : vector<224x1024xf32>
      %bitcast_convert_type3A_422 = tpu.bitcast %sub3A_421 : vector<224x1024xf32> -> vector<224x1024xi32>
      %shift_right_arithmetic3A_423 = arith.constant 13 : i32
      %shift_right_arithmetic3A_424 = vector.broadcast %shift_right_arithmetic3A_423 : i32 to vector<224x1024xi32>
      %shift_right_arithmetic3A_425 = arith.shrsi %bitcast_convert_type3A_422, %shift_right_arithmetic3A_424 : vector<224x1024xi32>
      %and3A_426 = arith.constant 1 : i32
      %and3A_427 = vector.broadcast %and3A_426 : i32 to vector<224x1024xi32>
      %and3A_428 = arith.andi %shift_right_arithmetic3A_425, %and3A_427 : vector<224x1024xi32>
      %add3A_429 = arith.constant 4095 : i32
      %add3A_430 = vector.broadcast %add3A_429 : i32 to vector<224x1024xi32>
      %add3A_431 = arith.addi %bitcast_convert_type3A_422, %add3A_430 : vector<224x1024xi32>
      %add3A_432 = arith.addi %add3A_431, %and3A_428 : vector<224x1024xi32>
      %and3A_433 = arith.constant -8192 : i32
      %and3A_434 = vector.broadcast %and3A_433 : i32 to vector<224x1024xi32>
      %and3A_435 = arith.andi %add3A_432, %and3A_434 : vector<224x1024xi32>
      %bitcast_convert_type3A_436 = tpu.bitcast %and3A_435 : vector<224x1024xi32> -> vector<224x1024xf32>
      %mul3A_437 = arith.mulf %bitcast_convert_type3A_418, %bitcast_convert_type3A_418 : vector<224x1024xf32>
      %bitcast_convert_type3A_438 = tpu.bitcast %mul3A_437 : vector<224x1024xf32> -> vector<224x1024xi32>
      %shift_right_arithmetic3A_439 = arith.constant 13 : i32
      %shift_right_arithmetic3A_440 = vector.broadcast %shift_right_arithmetic3A_439 : i32 to vector<224x1024xi32>
      %shift_right_arithmetic3A_441 = arith.shrsi %bitcast_convert_type3A_438, %shift_right_arithmetic3A_440 : vector<224x1024xi32>
      %and3A_442 = arith.constant 1 : i32
      %and3A_443 = vector.broadcast %and3A_442 : i32 to vector<224x1024xi32>
      %and3A_444 = arith.andi %shift_right_arithmetic3A_441, %and3A_443 : vector<224x1024xi32>
      %add3A_445 = arith.constant 4095 : i32
      %add3A_446 = vector.broadcast %add3A_445 : i32 to vector<224x1024xi32>
      %add3A_447 = arith.addi %bitcast_convert_type3A_438, %add3A_446 : vector<224x1024xi32>
      %add3A_448 = arith.addi %add3A_447, %and3A_444 : vector<224x1024xi32>
      %and3A_449 = arith.constant -8192 : i32
      %and3A_450 = vector.broadcast %and3A_449 : i32 to vector<224x1024xi32>
      %and3A_451 = arith.andi %add3A_448, %and3A_450 : vector<224x1024xi32>
      %bitcast_convert_type3A_452 = tpu.bitcast %and3A_451 : vector<224x1024xi32> -> vector<224x1024xf32>
      %mul3A_453 = arith.mulf %bitcast_convert_type3A_436, %bitcast_convert_type3A_436 : vector<224x1024xf32>
      %bitcast_convert_type3A_454 = tpu.bitcast %mul3A_453 : vector<224x1024xf32> -> vector<224x1024xi32>
      %shift_right_arithmetic3A_455 = arith.constant 13 : i32
      %shift_right_arithmetic3A_456 = vector.broadcast %shift_right_arithmetic3A_455 : i32 to vector<224x1024xi32>
      %shift_right_arithmetic3A_457 = arith.shrsi %bitcast_convert_type3A_454, %shift_right_arithmetic3A_456 : vector<224x1024xi32>
      %and3A_458 = arith.constant 1 : i32
      %and3A_459 = vector.broadcast %and3A_458 : i32 to vector<224x1024xi32>
      %and3A_460 = arith.andi %shift_right_arithmetic3A_457, %and3A_459 : vector<224x1024xi32>
      %add3A_461 = arith.constant 4095 : i32
      %add3A_462 = vector.broadcast %add3A_461 : i32 to vector<224x1024xi32>
      %add3A_463 = arith.addi %bitcast_convert_type3A_454, %add3A_462 : vector<224x1024xi32>
      %add3A_464 = arith.addi %add3A_463, %and3A_460 : vector<224x1024xi32>
      %and3A_465 = arith.constant -8192 : i32
      %and3A_466 = vector.broadcast %and3A_465 : i32 to vector<224x1024xi32>
      %and3A_467 = arith.andi %add3A_464, %and3A_466 : vector<224x1024xi32>
      %bitcast_convert_type3A_468 = tpu.bitcast %and3A_467 : vector<224x1024xi32> -> vector<224x1024xf32>
      %add3A_469 = arith.addf %bitcast_convert_type3A_452, %bitcast_convert_type3A_468 : vector<224x1024xf32>
      %bitcast_convert_type3A_470 = tpu.bitcast %add3A_469 : vector<224x1024xf32> -> vector<224x1024xi32>
      %shift_right_arithmetic3A_471 = arith.constant 13 : i32
      %shift_right_arithmetic3A_472 = vector.broadcast %shift_right_arithmetic3A_471 : i32 to vector<224x1024xi32>
      %shift_right_arithmetic3A_473 = arith.shrsi %bitcast_convert_type3A_470, %shift_right_arithmetic3A_472 : vector<224x1024xi32>
      %and3A_474 = arith.constant 1 : i32
      %and3A_475 = vector.broadcast %and3A_474 : i32 to vector<224x1024xi32>
      %and3A_476 = arith.andi %shift_right_arithmetic3A_473, %and3A_475 : vector<224x1024xi32>
      %add3A_477 = arith.constant 4095 : i32
      %add3A_478 = vector.broadcast %add3A_477 : i32 to vector<224x1024xi32>
      %add3A_479 = arith.addi %bitcast_convert_type3A_470, %add3A_478 : vector<224x1024xi32>
      %add3A_480 = arith.addi %add3A_479, %and3A_476 : vector<224x1024xi32>
      %and3A_481 = arith.constant -8192 : i32
      %and3A_482 = vector.broadcast %and3A_481 : i32 to vector<224x1024xi32>
      %and3A_483 = arith.andi %add3A_480, %and3A_482 : vector<224x1024xi32>
      %bitcast_convert_type3A_484 = tpu.bitcast %and3A_483 : vector<224x1024xi32> -> vector<224x1024xf32>
      %slice3A_485 = vector.extract_strided_slice %bitcast_convert_type3A_484 {offsets = [0, 0], sizes = [224, 128], strides = [1, 1]} : vector<224x1024xf32> to vector<224x128xf32>
      %swap3A_486 = arith.constant 0 : index
      %swap3A_487 = arith.constant 0 : index
      %swap3A_488 = arith.constant 0 : index
      %swap3A_489 = vector.load %arg9[%swap3A_486, %swap3A_487, %swap3A_488] : memref<8x224x128xf32, #tpu.memory_space<vmem>>, vector<1x224x128xf32>
      %swap3A_490 = vector.shape_cast %swap3A_489 : vector<1x224x128xf32> to vector<224x128xf32>
      %swap3A_491 = vector.shape_cast %slice3A_485 : vector<224x128xf32> to vector<1x224x128xf32>
      tpu.vector_store %arg9[%swap3A_486, %swap3A_487, %swap3A_488], %swap3A_491 {strides = array<i32>} : memref<8x224x128xf32, #tpu.memory_space<vmem>>, vector<1x224x128xf32>,
      %slice3A_492 = vector.extract_strided_slice %bitcast_convert_type3A_484 {offsets = [0, 128], sizes = [224, 128], strides = [1, 1]} : vector<224x1024xf32> to vector<224x128xf32>
      %swap3A_493 = arith.constant 1 : index
      %swap3A_494 = arith.constant 0 : index
      %swap3A_495 = arith.constant 0 : index
      %swap3A_496 = vector.load %arg9[%swap3A_493, %swap3A_494, %swap3A_495] : memref<8x224x128xf32, #tpu.memory_space<vmem>>, vector<1x224x128xf32>
      %swap3A_497 = vector.shape_cast %swap3A_496 : vector<1x224x128xf32> to vector<224x128xf32>
      %swap3A_498 = vector.shape_cast %slice3A_492 : vector<224x128xf32> to vector<1x224x128xf32>
      tpu.vector_store %arg9[%swap3A_493, %swap3A_494, %swap3A_495], %swap3A_498 {strides = array<i32>} : memref<8x224x128xf32, #tpu.memory_space<vmem>>, vector<1x224x128xf32>,
      %slice3A_499 = vector.extract_strided_slice %bitcast_convert_type3A_484 {offsets = [0, 256], sizes = [224, 128], strides = [1, 1]} : vector<224x1024xf32> to vector<224x128xf32>
      %swap3A_500 = arith.constant 2 : index
      %swap3A_501 = arith.constant 0 : index
      %swap3A_502 = arith.constant 0 : index
      %swap3A_503 = vector.load %arg9[%swap3A_500, %swap3A_501, %swap3A_502] : memref<8x224x128xf32, #tpu.memory_space<vmem>>, vector<1x224x128xf32>
      %swap3A_504 = vector.shape_cast %swap3A_503 : vector<1x224x128xf32> to vector<224x128xf32>
      %swap3A_505 = vector.shape_cast %slice3A_499 : vector<224x128xf32> to vector<1x224x128xf32>
      tpu.vector_store %arg9[%swap3A_500, %swap3A_501, %swap3A_502], %swap3A_505 {strides = array<i32>} : memref<8x224x128xf32, #tpu.memory_space<vmem>>, vector<1x224x128xf32>,
      %slice3A_506 = vector.extract_strided_slice %bitcast_convert_type3A_484 {offsets = [0, 384], sizes = [224, 128], strides = [1, 1]} : vector<224x1024xf32> to vector<224x128xf32>
      %swap3A_507 = arith.constant 3 : index
      %swap3A_508 = arith.constant 0 : index
      %swap3A_509 = arith.constant 0 : index
      %swap3A_510 = vector.load %arg9[%swap3A_507, %swap3A_508, %swap3A_509] : memref<8x224x128xf32, #tpu.memory_space<vmem>>, vector<1x224x128xf32>
      %swap3A_511 = vector.shape_cast %swap3A_510 : vector<1x224x128xf32> to vector<224x128xf32>
      %swap3A_512 = vector.shape_cast %slice3A_506 : vector<224x128xf32> to vector<1x224x128xf32>
      tpu.vector_store %arg9[%swap3A_507, %swap3A_508, %swap3A_509], %swap3A_512 {strides = array<i32>} : memref<8x224x128xf32, #tpu.memory_space<vmem>>, vector<1x224x128xf32>,
      %slice3A_513 = vector.extract_strided_slice %bitcast_convert_type3A_484 {offsets = [0, 512], sizes = [224, 128], strides = [1, 1]} : vector<224x1024xf32> to vector<224x128xf32>
      %swap3A_514 = arith.constant 4 : index
      %swap3A_515 = arith.constant 0 : index
      %swap3A_516 = arith.constant 0 : index
      %swap3A_517 = vector.load %arg9[%swap3A_514, %swap3A_515, %swap3A_516] : memref<8x224x128xf32, #tpu.memory_space<vmem>>, vector<1x224x128xf32>
      %swap3A_518 = vector.shape_cast %swap3A_517 : vector<1x224x128xf32> to vector<224x128xf32>
      %swap3A_519 = vector.shape_cast %slice3A_513 : vector<224x128xf32> to vector<1x224x128xf32>
      tpu.vector_store %arg9[%swap3A_514, %swap3A_515, %swap3A_516], %swap3A_519 {strides = array<i32>} : memref<8x224x128xf32, #tpu.memory_space<vmem>>, vector<1x224x128xf32>,
      %slice3A_520 = vector.extract_strided_slice %bitcast_convert_type3A_484 {offsets = [0, 640], sizes = [224, 128], strides = [1, 1]} : vector<224x1024xf32> to vector<224x128xf32>
      %swap3A_521 = arith.constant 5 : index
      %swap3A_522 = arith.constant 0 : index
      %swap3A_523 = arith.constant 0 : index
      %swap3A_524 = vector.load %arg9[%swap3A_521, %swap3A_522, %swap3A_523] : memref<8x224x128xf32, #tpu.memory_space<vmem>>, vector<1x224x128xf32>
      %swap3A_525 = vector.shape_cast %swap3A_524 : vector<1x224x128xf32> to vector<224x128xf32>
      %swap3A_526 = vector.shape_cast %slice3A_520 : vector<224x128xf32> to vector<1x224x128xf32>
      tpu.vector_store %arg9[%swap3A_521, %swap3A_522, %swap3A_523], %swap3A_526 {strides = array<i32>} : memref<8x224x128xf32, #tpu.memory_space<vmem>>, vector<1x224x128xf32>,
      %slice3A_527 = vector.extract_strided_slice %bitcast_convert_type3A_484 {offsets = [0, 768], sizes = [224, 128], strides = [1, 1]} : vector<224x1024xf32> to vector<224x128xf32>
      %swap3A_528 = arith.constant 6 : index
      %swap3A_529 = arith.constant 0 : index
      %swap3A_530 = arith.constant 0 : index
      %swap3A_531 = vector.load %arg9[%swap3A_528, %swap3A_529, %swap3A_530] : memref<8x224x128xf32, #tpu.memory_space<vmem>>, vector<1x224x128xf32>
      %swap3A_532 = vector.shape_cast %swap3A_531 : vector<1x224x128xf32> to vector<224x128xf32>
      %swap3A_533 = vector.shape_cast %slice3A_527 : vector<224x128xf32> to vector<1x224x128xf32>
      tpu.vector_store %arg9[%swap3A_528, %swap3A_529, %swap3A_530], %swap3A_533 {strides = array<i32>} : memref<8x224x128xf32, #tpu.memory_space<vmem>>, vector<1x224x128xf32>,
      %slice3A_534 = vector.extract_strided_slice %bitcast_convert_type3A_484 {offsets = [0, 896], sizes = [224, 128], strides = [1, 1]} : vector<224x1024xf32> to vector<224x128xf32>
      %swap3A_535 = arith.constant 7 : index
      %swap3A_536 = arith.constant 0 : index
      %swap3A_537 = arith.constant 0 : index
      %swap3A_538 = vector.load %arg9[%swap3A_535, %swap3A_536, %swap3A_537] : memref<8x224x128xf32, #tpu.memory_space<vmem>>, vector<1x224x128xf32>
      %swap3A_539 = vector.shape_cast %swap3A_538 : vector<1x224x128xf32> to vector<224x128xf32>
      %swap3A_540 = vector.shape_cast %slice3A_534 : vector<224x128xf32> to vector<1x224x128xf32>
      tpu.vector_store %arg9[%swap3A_535, %swap3A_536, %swap3A_537], %swap3A_540 {strides = array<i32>} : memref<8x224x128xf32, #tpu.memory_space<vmem>>, vector<1x224x128xf32>,
      %iota3A_541 = tpu.iota {dimensions = array<i32: 1>} : vector<1x32xi32>
      %convert_element_type3A_542 = arith.sitofp %iota3A_541 : vector<1x32xi32> to vector<1x32xf32>
      %sub3A_543 = vector.broadcast %convert_element_type3A_542 : vector<1x32xf32> to vector<224x32xf32>
      %sub3A_544 = vector.broadcast %select_n3A_344 : vector<224x1xf32> to vector<224x32xf32>
      %sub3A_545 = arith.subf %sub3A_543, %sub3A_544 : vector<224x32xf32>
      %bitcast_convert_type3A_546 = tpu.bitcast %sub3A_545 : vector<224x32xf32> -> vector<224x32xi32>
      %shift_right_arithmetic3A_547 = arith.constant 13 : i32
      %shift_right_arithmetic3A_548 = vector.broadcast %shift_right_arithmetic3A_547 : i32 to vector<224x32xi32>
      %shift_right_arithmetic3A_549 = arith.shrsi %bitcast_convert_type3A_546, %shift_right_arithmetic3A_548 : vector<224x32xi32>
      %and3A_550 = arith.constant 1 : i32
      %and3A_551 = vector.broadcast %and3A_550 : i32 to vector<224x32xi32>
      %and3A_552 = arith.andi %shift_right_arithmetic3A_549, %and3A_551 : vector<224x32xi32>
      %add3A_553 = arith.constant 4095 : i32
      %add3A_554 = vector.broadcast %add3A_553 : i32 to vector<224x32xi32>
      %add3A_555 = arith.addi %bitcast_convert_type3A_546, %add3A_554 : vector<224x32xi32>
      %add3A_556 = arith.addi %add3A_555, %and3A_552 : vector<224x32xi32>
      %and3A_557 = arith.constant -8192 : i32
      %and3A_558 = vector.broadcast %and3A_557 : i32 to vector<224x32xi32>
      %and3A_559 = arith.andi %add3A_556, %and3A_558 : vector<224x32xi32>
      %bitcast_convert_type3A_560 = tpu.bitcast %and3A_559 : vector<224x32xi32> -> vector<224x32xf32>
      %mul3A_561 = arith.mulf %bitcast_convert_type3A_560, %bitcast_convert_type3A_560 : vector<224x32xf32>
      %bitcast_convert_type3A_562 = tpu.bitcast %mul3A_561 : vector<224x32xf32> -> vector<224x32xi32>
      %shift_right_arithmetic3A_563 = arith.constant 13 : i32
      %shift_right_arithmetic3A_564 = vector.broadcast %shift_right_arithmetic3A_563 : i32 to vector<224x32xi32>
      %shift_right_arithmetic3A_565 = arith.shrsi %bitcast_convert_type3A_562, %shift_right_arithmetic3A_564 : vector<224x32xi32>
      %and3A_566 = arith.constant 1 : i32
      %and3A_567 = vector.broadcast %and3A_566 : i32 to vector<224x32xi32>
      %and3A_568 = arith.andi %shift_right_arithmetic3A_565, %and3A_567 : vector<224x32xi32>
      %add3A_569 = arith.constant 4095 : i32
      %add3A_570 = vector.broadcast %add3A_569 : i32 to vector<224x32xi32>
      %add3A_571 = arith.addi %bitcast_convert_type3A_562, %add3A_570 : vector<224x32xi32>
      %add3A_572 = arith.addi %add3A_571, %and3A_568 : vector<224x32xi32>
      %and3A_573 = arith.constant -8192 : i32
      %and3A_574 = vector.broadcast %and3A_573 : i32 to vector<224x32xi32>
      %and3A_575 = arith.andi %add3A_572, %and3A_574 : vector<224x32xi32>
      %bitcast_convert_type3A_576 = tpu.bitcast %and3A_575 : vector<224x32xi32> -> vector<224x32xf32>
      %iota3A_577 = tpu.iota {dimensions = array<i32: 1>} : vector<1x4096xi32>
      %jit3A_578 = arith.constant 32 : i32
      %div3A_579 = vector.broadcast %jit3A_578 : i32 to vector<1x4096xi32>
      %div3A_580 = arith.divsi %iota3A_577, %div3A_579 : vector<1x4096xi32>
      %sign3A_581 = arith.constant 0 : i32
      %sign3A_582 = vector.broadcast %sign3A_581 : i32 to vector<1x4096xi32>
      %sign3A_583 = arith.cmpi sgt, %iota3A_577, %sign3A_582 : vector<1x4096xi32>
      %sign3A_584 = arith.extui %sign3A_583 : vector<1x4096xi1> to vector<1x4096xi32>
      %sign3A_585 = arith.constant 0 : i32
      %sign3A_586 = vector.broadcast %sign3A_585 : i32 to vector<1x4096xi32>
      %sign3A_587 = arith.cmpi slt, %iota3A_577, %sign3A_586 : vector<1x4096xi32>
      %sign3A_588 = arith.extui %sign3A_587 : vector<1x4096xi1> to vector<1x4096xi32>
      %sign3A_589 = arith.subi %sign3A_584, %sign3A_588 : vector<1x4096xi32>
      %sign3A_590 = arith.constant 0 : i32
      %sign3A_591 = arith.cmpi sgt, %jit3A_578, %sign3A_590 : i32
      %sign3A_592 = arith.extui %sign3A_591 : i1 to i32
      %sign3A_593 = arith.constant 0 : i32
      %sign3A_594 = arith.cmpi slt, %jit3A_578, %sign3A_593 : i32
      %sign3A_595 = arith.extui %sign3A_594 : i1 to i32
      %sign3A_596 = arith.subi %sign3A_592, %sign3A_595 : i32
      %ne3A_597 = vector.broadcast %sign3A_596 : i32 to vector<1x4096xi32>
      %ne3A_598 = arith.cmpi ne, %sign3A_589, %ne3A_597 : vector<1x4096xi32>
      %rem3A_599 = vector.broadcast %jit3A_578 : i32 to vector<1x4096xi32>
      %rem3A_600 = arith.remsi %iota3A_577, %rem3A_599 : vector<1x4096xi32>
      %ne3A_601 = arith.constant 0 : i32
      %ne3A_602 = vector.broadcast %ne3A_601 : i32 to vector<1x4096xi32>
      %ne3A_603 = arith.cmpi ne, %rem3A_600, %ne3A_602 : vector<1x4096xi32>
      %and3A_604 = arith.andi %ne3A_598, %ne3A_603 : vector<1x4096xi1>
      %sub3A_605 = arith.constant 1 : i32
      %sub3A_606 = vector.broadcast %sub3A_605 : i32 to vector<1x4096xi32>
      %sub3A_607 = arith.subi %div3A_580, %sub3A_606 : vector<1x4096xi32>
      %select_n3A_608 = arith.select %and3A_604, %sub3A_607, %div3A_580 : vector<1x4096xi1>, vector<1x4096xi32>
      %iota3A_609 = tpu.iota {dimensions = array<i32: 0>} : vector<128x1xi32>
      %eq3A_610 = vector.broadcast %select_n3A_608 : vector<1x4096xi32> to vector<128x4096xi32>
      %eq3A_611 = vector.broadcast %iota3A_609 : vector<128x1xi32> to vector<128x4096xi32>
      %eq3A_612 = arith.cmpi eq, %eq3A_610, %eq3A_611 : vector<128x4096xi32>
      %convert_element_type3A_613 = arith.extui %eq3A_612 : vector<128x4096xi1> to vector<128x4096xi32>
      %convert_element_type3A_614 = arith.sitofp %convert_element_type3A_613 : vector<128x4096xi32> to vector<128x4096xf32>
      %swap3A_615 = arith.constant 0 : index
      %swap3A_616 = arith.constant 0 : index
      %swap3A_617 = vector.load %arg11[%swap3A_615, %swap3A_616] : memref<128x4096xf32, #tpu.memory_space<vmem>>, vector<128x4096xf32>
      tpu.vector_store %arg11[%swap3A_615, %swap3A_616], %convert_element_type3A_614 {strides = array<i32>} : memref<128x4096xf32, #tpu.memory_space<vmem>>, vector<128x4096xf32>,
      %jit3A_618 = arith.constant 32 : i32
      %eq3A_619 = arith.constant 0 : i32
      %eq3A_620 = arith.cmpi eq, %jit3A_618, %eq3A_619 : i32
      %jit3A_621 = arith.constant 1 : i32
      %select_n3A_622 = arith.select %eq3A_620, %jit3A_621, %jit3A_618 : i32
      %rem3A_623 = vector.broadcast %select_n3A_622 : i32 to vector<1x4096xi32>
      %rem3A_624 = arith.remsi %iota3A_577, %rem3A_623 : vector<1x4096xi32>
      %ne3A_625 = arith.constant 0 : i32
      %ne3A_626 = vector.broadcast %ne3A_625 : i32 to vector<1x4096xi32>
      %ne3A_627 = arith.cmpi ne, %rem3A_624, %ne3A_626 : vector<1x4096xi32>
      %lt3A_628 = arith.constant 0 : i32
      %lt3A_629 = vector.broadcast %lt3A_628 : i32 to vector<1x4096xi32>
      %lt3A_630 = arith.cmpi slt, %rem3A_624, %lt3A_629 : vector<1x4096xi32>
      %lt3A_631 = arith.constant 0 : i32
      %lt3A_632 = arith.cmpi slt, %select_n3A_622, %lt3A_631 : i32
      %ne3A_633 = vector.broadcast %lt3A_632 : i1 to vector<1x4096xi1>
      %ne3A_634 = vector.broadcast %ne3A_633 : vector<1x4096xi1> to vector<1x4096xi1>
      %ne3A_635 = arith.xori %lt3A_630, %ne3A_634 : vector<1x4096xi1>
      %and3A_636 = arith.andi %ne3A_635, %ne3A_627 : vector<1x4096xi1>
      %add3A_637 = vector.broadcast %select_n3A_622 : i32 to vector<1x4096xi32>
      %add3A_638 = arith.addi %rem3A_624, %add3A_637 : vector<1x4096xi32>
      %select_n3A_639 = arith.select %and3A_636, %add3A_638, %rem3A_624 : vector<1x4096xi1>, vector<1x4096xi32>
      %iota3A_640 = tpu.iota {dimensions = array<i32: 0>} : vector<32x1xi32>
      %eq3A_641 = vector.broadcast %select_n3A_639 : vector<1x4096xi32> to vector<32x4096xi32>
      %eq3A_642 = vector.broadcast %iota3A_640 : vector<32x1xi32> to vector<32x4096xi32>
      %eq3A_643 = arith.cmpi eq, %eq3A_641, %eq3A_642 : vector<32x4096xi32>
      %convert_element_type3A_644 = arith.extui %eq3A_643 : vector<32x4096xi1> to vector<32x4096xi32>
      %convert_element_type3A_645 = arith.sitofp %convert_element_type3A_644 : vector<32x4096xi32> to vector<32x4096xf32>
      %dot_general3A_646 = arith.constant dense<0.000000e+00> : vector<224x4096xf32>
      %dot_general3A_647 = tpu.matmul %bitcast_convert_type3A_576, %convert_element_type3A_645, %dot_general3A_646 {dimension_numbers = #tpu.dot_dimension_numbers<[1], [0], [0], [1], [0, 0, 1, 1], [], []>, transpose_lhs_hint = false} : vector<224x32xf32>, vector<32x4096xf32>, vector<224x4096xf32> -> vector<224x4096xf32>
      %swap3A_648 = arith.constant 0 : index
      %swap3A_649 = arith.constant 0 : index
      %swap3A_650 = vector.load %arg10[%swap3A_648, %swap3A_649] : memref<224x4096xf32, #tpu.memory_space<vmem>>, vector<224x4096xf32>
      tpu.vector_store %arg10[%swap3A_648, %swap3A_649], %dot_general3A_647 {strides = array<i32>} : memref<224x4096xf32, #tpu.memory_space<vmem>>, vector<224x4096xf32>,
    } else {
    }
    %get3A = arith.index_cast %arg0 : i32 to index
    %get3A_2 = arith.constant 0 : index
    %get3A_3 = arith.constant 0 : index
    %get3A_4 = vector.load %arg9[%get3A, %get3A_2, %get3A_3] : memref<8x224x128xf32, #tpu.memory_space<vmem>>, vector<1x224x128xf32>
    %get3A_5 = vector.shape_cast %get3A_4 : vector<1x224x128xf32> to vector<224x128xf32>
    %get3A_6 = arith.constant 0 : index
    %get3A_7 = arith.constant 0 : index
    %get3A_8 = vector.load %arg11[%get3A_6, %get3A_7] : memref<128x4096xf32, #tpu.memory_space<vmem>>, vector<128x4096xf32>
    %dot_general3A = arith.constant dense<0.000000e+00> : vector<224x4096xf32>
    %dot_general3A_9 = tpu.matmul %get3A_5, %get3A_8, %dot_general3A {dimension_numbers = #tpu.dot_dimension_numbers<[1], [0], [0], [1], [0, 0, 1, 1], [], []>, transpose_lhs_hint = false} : vector<224x128xf32>, vector<128x4096xf32>, vector<224x4096xf32> -> vector<224x4096xf32>
    %get3A_10 = arith.constant 0 : index
    %get3A_11 = arith.constant 0 : index
    %get3A_12 = vector.load %arg10[%get3A_10, %get3A_11] : memref<224x4096xf32, #tpu.memory_space<vmem>>, vector<224x4096xf32>
    %add3A = arith.addf %dot_general3A_9, %get3A_12 : vector<224x4096xf32>
    %rsqrt3A = math.rsqrt %add3A : vector<224x4096xf32>
    %mul3A = arith.mulf %add3A, %rsqrt3A : vector<224x4096xf32>
    %neg3A = arith.constant 0.000000e+00 : f32
    %neg3A_13 = vector.broadcast %neg3A : f32 to vector<224x4096xf32>
    %neg3A_14 = arith.subf %neg3A_13, %mul3A : vector<224x4096xf32>
    %exp3A = math.exp %neg3A_14 : vector<224x4096xf32>
    %reduce_sum3A = arith.constant dense<0.000000e+00> : vector<4096xf32>
    %reduce_sum3A_15 = vector.multi_reduction <add>, %exp3A, %reduce_sum3A [0] : vector<224x4096xf32> to vector<4096xf32>
    %broadcast_in_dim3A = vector.shape_cast %reduce_sum3A_15 : vector<4096xf32> to vector<1x4096xf32>
    %div3A = arith.constant 1.000000e+00 : f32
    %div3A_16 = vector.broadcast %div3A : f32 to vector<1x4096xf32>
    %div3A_17 = arith.divf %div3A_16, %broadcast_in_dim3A : vector<1x4096xf32>
    %get3A_18 = arith.constant 0 : index
    %get3A_19 = arith.constant 0 : index
    %get3A_20 = vector.load %arg6[%get3A_18, %get3A_19] : memref<4x4096xf32, #tpu.memory_space<vmem>>, vector<1x4096xf32>
    %get3A_21 = vector.shape_cast %get3A_20 : vector<1x4096xf32> to vector<4096xf32>
    %get3A_22 = arith.constant 2 : index
    %get3A_23 = arith.constant 0 : index
    %get3A_24 = vector.load %arg6[%get3A_22, %get3A_23] : memref<4x4096xf32, #tpu.memory_space<vmem>>, vector<1x4096xf32>
    %get3A_25 = vector.shape_cast %get3A_24 : vector<1x4096xf32> to vector<4096xf32>
    %add3A_26 = arith.addf %get3A_21, %get3A_25 : vector<4096xf32>
    %gt3A = arith.constant 0.000000e+00 : f32
    %gt3A_27 = vector.broadcast %gt3A : f32 to vector<4096xf32>
    %gt3A_28 = arith.cmpf ogt, %add3A_26, %gt3A_27 : vector<4096xf32>
    %jit3A = arith.constant 0.000000e+00 : f32
    %broadcast_in_dim3A_29 = vector.shape_cast %gt3A_28 : vector<4096xi1> to vector<1x4096xi1>
    %broadcast_in_dim3A_30 = vector.broadcast %jit3A : f32 to vector<1x4096xf32>
    %select_n3A = arith.select %broadcast_in_dim3A_29, %div3A_17, %broadcast_in_dim3A_30 : vector<1x4096xi1>, vector<1x4096xf32>
    %mul3A_31 = vector.broadcast %select_n3A : vector<1x4096xf32> to vector<224x4096xf32>
    %mul3A_32 = arith.mulf %exp3A, %mul3A_31 : vector<224x4096xf32>
    %convert_element_type3A_33 = arith.truncf %mul3A_32 : vector<224x4096xf32> to vector<224x4096xbf16>
    %get3A_34 = arith.constant 0 : index
    %get3A_35 = arith.constant 0 : index
    %get3A_36 = arith.constant 0 : index
    %get3A_37 = vector.load %arg8[%get3A_34, %get3A_35, %get3A_36] : memref<2x224x128xbf16, #tpu.memory_space<vmem>>, vector<1x224x128xbf16>
    %get3A_38 = vector.shape_cast %get3A_37 : vector<1x224x128xbf16> to vector<224x128xbf16>
    %dot_general3A_39 = arith.constant dense<0.000000e+00> : vector<4096x128xf32>
    %dot_general3A_40 = tpu.matmul %convert_element_type3A_33, %get3A_38, %dot_general3A_39 {dimension_numbers = #tpu.dot_dimension_numbers<[0], [0], [1], [1], [0, 1, 1, 1], [], []>, transpose_lhs_hint = false} : vector<224x4096xbf16>, vector<224x128xbf16>, vector<4096x128xf32> -> vector<4096x128xf32>
    %swap3A = arith.constant 0 : index
    %swap3A_41 = arith.constant 0 : index
    %swap3A_42 = arith.constant 0 : index
    %swap3A_43 = vector.load %arg7[%swap3A, %swap3A_41, %swap3A_42] : memref<2x4096x128xf32, #tpu.memory_space<vmem>>, vector<1x4096x128xf32>
    %swap3A_44 = vector.shape_cast %swap3A_43 : vector<1x4096x128xf32> to vector<4096x128xf32>
    %swap3A_45 = vector.shape_cast %dot_general3A_40 : vector<4096x128xf32> to vector<1x4096x128xf32>
    tpu.vector_store %arg7[%swap3A, %swap3A_41, %swap3A_42], %swap3A_45 {strides = array<i32>} : memref<2x4096x128xf32, #tpu.memory_space<vmem>>, vector<1x4096x128xf32>,
    %get3A_46 = arith.constant 1 : index
    %get3A_47 = arith.constant 0 : index
    %get3A_48 = vector.load %arg6[%get3A_46, %get3A_47] : memref<4x4096xf32, #tpu.memory_space<vmem>>, vector<1x4096xf32>
    %get3A_49 = vector.shape_cast %get3A_48 : vector<1x4096xf32> to vector<4096xf32>
    %get3A_50 = arith.constant 3 : index
    %get3A_51 = arith.constant 0 : index
    %get3A_52 = vector.load %arg6[%get3A_50, %get3A_51] : memref<4x4096xf32, #tpu.memory_space<vmem>>, vector<1x4096xf32>
    %get3A_53 = vector.shape_cast %get3A_52 : vector<1x4096xf32> to vector<4096xf32>
    %add3A_54 = arith.addf %get3A_49, %get3A_53 : vector<4096xf32>
    %gt3A_55 = arith.constant 0.000000e+00 : f32
    %gt3A_56 = vector.broadcast %gt3A_55 : f32 to vector<4096xf32>
    %gt3A_57 = arith.cmpf ogt, %add3A_54, %gt3A_56 : vector<4096xf32>
    %jit3A_58 = arith.constant 0.000000e+00 : f32
    %broadcast_in_dim3A_59 = vector.shape_cast %gt3A_57 : vector<4096xi1> to vector<1x4096xi1>
    %broadcast_in_dim3A_60 = vector.broadcast %jit3A_58 : f32 to vector<1x4096xf32>
    %select_n3A_61 = arith.select %broadcast_in_dim3A_59, %div3A_17, %broadcast_in_dim3A_60 : vector<1x4096xi1>, vector<1x4096xf32>
    %mul3A_62 = vector.broadcast %select_n3A_61 : vector<1x4096xf32> to vector<224x4096xf32>
    %mul3A_63 = arith.mulf %exp3A, %mul3A_62 : vector<224x4096xf32>
    %convert_element_type3A_64 = arith.truncf %mul3A_63 : vector<224x4096xf32> to vector<224x4096xbf16>
    %get3A_65 = arith.constant 1 : index
    %get3A_66 = arith.constant 0 : index
    %get3A_67 = arith.constant 0 : index
    %get3A_68 = vector.load %arg8[%get3A_65, %get3A_66, %get3A_67] : memref<2x224x128xbf16, #tpu.memory_space<vmem>>, vector<1x224x128xbf16>
    %get3A_69 = vector.shape_cast %get3A_68 : vector<1x224x128xbf16> to vector<224x128xbf16>
    %dot_general3A_70 = arith.constant dense<0.000000e+00> : vector<4096x128xf32>
    %dot_general3A_71 = tpu.matmul %convert_element_type3A_64, %get3A_69, %dot_general3A_70 {dimension_numbers = #tpu.dot_dimension_numbers<[0], [0], [1], [1], [0, 1, 1, 1], [], []>, transpose_lhs_hint = false} : vector<224x4096xbf16>, vector<224x128xbf16>, vector<4096x128xf32> -> vector<4096x128xf32>
    %swap3A_72 = arith.constant 1 : index
    %swap3A_73 = arith.constant 0 : index
    %swap3A_74 = arith.constant 0 : index
    %swap3A_75 = vector.load %arg7[%swap3A_72, %swap3A_73, %swap3A_74] : memref<2x4096x128xf32, #tpu.memory_space<vmem>>, vector<1x4096x128xf32>
    %swap3A_76 = vector.shape_cast %swap3A_75 : vector<1x4096x128xf32> to vector<4096x128xf32>
    %swap3A_77 = vector.shape_cast %dot_general3A_71 : vector<4096x128xf32> to vector<1x4096x128xf32>
    tpu.vector_store %arg7[%swap3A_72, %swap3A_73, %swap3A_74], %swap3A_77 {strides = array<i32>} : memref<2x4096x128xf32, #tpu.memory_space<vmem>>, vector<1x4096x128xf32>,
    return
  }
  func.func @transform_0(%arg0: i32) -> (i32, i32, i32) {
    %c0_i32 = arith.constant 0 : i32
    %c0_i32_0 = arith.constant 0 : i32
    %c0_i32_1 = arith.constant 0 : i32
    %c0_i32_2 = arith.constant 0 : i32
    return %c0_i32, %c0_i32_0, %c0_i32_1 : i32, i32, i32
  }
  func.func @transform_1(%arg0: i32) -> (i32, i32) {
    %c0_i32 = arith.constant 0 : i32
    %c0_i32_0 = arith.constant 0 : i32
    %c0_i32_1 = arith.constant 0 : i32
    return %c0_i32, %c0_i32_0 : i32, i32
  }
  func.func @transform_2(%arg0: i32) -> (i32, i32) {
    %c0_i32 = arith.constant 0 : i32
    %c0_i32_0 = arith.constant 0 : i32
    %c0_i32_1 = arith.constant 0 : i32
    return %c0_i32, %c0_i32_0 : i32, i32
  }
  func.func @transform_3(%arg0: i32) -> (i32, i32) {
    %c0_i32 = arith.constant 0 : i32
    %c0_i32_0 = arith.constant 0 : i32
    %c0_i32_1 = arith.constant 0 : i32
    return %c0_i32, %c0_i32_0 : i32, i32
  }
  func.func @transform_4(%arg0: i32) -> (i32, i32) {
    %c0_i32 = arith.constant 0 : i32
    %c0_i32_0 = arith.constant 0 : i32
    %c0_i32_1 = arith.constant 0 : i32
    return %c0_i32, %c0_i32_0 : i32, i32
  }
  func.func @transform_5(%arg0: i32) -> (i32, i32) {
    %c0_i32 = arith.constant 0 : i32
    %c0_i32_0 = arith.constant 0 : i32
    return %c0_i32, %arg0 : i32, i32
  }
  func.func @transform_6(%arg0: i32) -> (i32, i32, i32) {
    %c0_i32 = arith.constant 0 : i32
    %c0_i32_0 = arith.constant 0 : i32
    %c0_i32_1 = arith.constant 0 : i32
    return %c0_i32, %arg0, %c0_i32_0 : i32, i32, i32
  }
}

</mosaic_0001>

<sc_bundles>
// kernel: kernel.4.cloned.1.call-start
scs
__scs_entry_jumppad:
0x0: {  	(pc) =	sbr.rel $0x88, $3  }
0x1: {  	(tag) =	ssettag $0x0;
	lr =	simm.s32 $0x1  }
0x2: {  	[smem:$0x3F98] =	sst lr;
	_ =	strace $0xD0000000  }
0x3: {  	_ = 	snop  }
0x4: {  	_ = 	snop  }
0x5: {  	_ = 	snop  }
0x6: {  	_ = 	snop  }
0x7: {  	_ = 	snop  }
__scs_overlays_trampoline_lowered:
0x8: {  	[smem:$0x3FA7] =	sst s0  }
0x9: {  	[smem:$0x3FA8] =	sst s1  }
0xa: {  	[smem:$0x3FA9] =	sst s2  }
0xb: {  	[smem:$0x3FAA] =	sst s3  }
0xc: {  	[smem:$0x3FAB] =	sst s4  }
0xd: {  	[smem:$0x3FAC] =	sst s5  }
0xe: {  	[smem:$0x3FAD] =	sst s6  }
0xf: {  	[smem:$0x3FAE] =	sst s7  }
0x10: {  	[smem:$0x3FAF] =	sst s8  }
0x11: {  	[smem:$0x3FB0] =	sst s9;
	s0 =	simm.s32 @!p0 $0x0  }
0x12: {  	s1 =	sld [smem:$0x3F96];
	s0 =	simm.s32 @p0 $0x1  }
0x13: {  	[smem:$0x3FB1] =	sst s0;
	s0 =	simm.s32 @!p1 $0x0  }
0x14: {  	s2 =	sld [smem:$0x3F95];
	s0 =	simm.s32 @p1 $0x1  }
0x15: {  	[smem:$0x3FB2] =	sst s0;
	s0 =	simm.s32 @!p2 $0x0  }
0x16: {  	s3 =	sld [smem:$0x3FDB];
	s0 =	simm.s32 @p2 $0x1  }
0x17: {  	s4 =	simm.s32 $0x1BF5;
	[smem:$0x3FB4] =	sst s0  }
0x18: {  	s0 =	sld [smem:$0x3F97];
	_ =	swait.ge [sflag:s4], $0x0  }
0x19: {  	s7 =	sld [smem:$0x3F98]  }
0x1a: {  	s8 =	sadd.s32 $0xFFFFE003, lr  }
0x1b: {  	s9 =	sadd.s32 $0xFFFFFEF7, lr;
	s5 =	simm.s32 $0xFFFFFFFF;
	p2 =	slt.u32 s8, $0xFFFFF086  }
0x1c: {  	p1 =	slt.u32 s9, $0xF7A;
	s5 =	simm.s32 @!p2 $0x0  }
0x1d: {  	s5 =	simm.s32 @p1 $0x1;
	p0 =	seq.s32 s7, s2  }
0x1e: {  	s7 =	smul.u32 @!p0 $0xF7A, s2;
	p2 =	seq.s32 @!p0 s5, $0x0  }
0x1f: {  	s9 =	smul.u32 $0xF7A, s1;
	s8 =	simm.s32 @!p0 $0x1BF5;
	p2 =	por !p2, p0  }
0x20: {  	[sflag:s8] =	ssyncset.s32 @!p0 $0xFFFFF086;
	s6 =	sadd.s32 @!p0 s3, s7;
	s7 =	simm.s32 @!p0 $0x108  }
0x21: {  	s3 =	sadd.s32 s3, s9;
	s6 =	sadd.s32 @!p0 $0x88, s6;
	s7 =	simm.s32 @p2 $0x1082  }
0x22: {  	[simem:s7], [sflag:s8] =	dma.local @!p0 [hbm:s6], $0xF7A  }
0x23: {  	s9 =	sor.u32 $0xD0000000, s2;
	s6 =	simm.s32 $0x108;
	_ =	swait.ge @!p0 [sflag:s8], $0x0  }
0x24: {  	s3 =	sadd.s32 $0x88, s3;
	s6 =	simm.s32 @!p1 $0x1082;
	[sflag:s4] =	ssyncset.s32 $0xFFFFF086  }
0x25: {  	[simem:s6], [sflag:s4] =	dma.local [hbm:s3], $0xF7A  }
0x26: {  	[smem:$0x3F98] =	sst s1;
	(tag) =	ssettag s2;
	_ =	strace s9  }
0x27: {  	s1 =	sld [smem:$0x3FA8]  }
0x28: {  	s2 =	sld [smem:$0x3FA9]  }
0x29: {  	s4 =	sld [smem:$0x3FAB]  }
0x2a: {  	p0 =	seq.s32 s5, $0x0;
	s5 =	sld [smem:$0x3FAC]  }
0x2b: {  	s6 =	sld [smem:$0x3FAD]  }
0x2c: {  	s7 =	sld [smem:$0x3FAE]  }
0x2d: {  	s3 =	simm.s32 $0x108;
	s8 =	sld [smem:$0x3FAF]  }
0x2e: {  	s3 =	simm.s32 @!p0 $0x1082;
	s9 =	sld [smem:$0x3FB0]  }
0x2f: {  	lr =	sadd.s32 s0, s3;
	s0 =	sld [smem:$0x3FA7]  }
0x30: {  	s3 =	sld [smem:$0x3FAA]  }
0x31: {  	[smem:$0x3FB3] =	sst s10  }
0x32: {  	s10 =	sld [smem:$0x3FB1];
	_ =	sdelay $0x3  }
0x33: {  	p0 =	seq.s32 s10, $0x1;
	s10 =	sld [smem:$0x3FB3];
	_ =	sdelay $0x3  }
0x34: {  	[smem:$0x3FB3] =	sst s10  }
0x35: {  	s10 =	sld [smem:$0x3FB2];
	_ =	sdelay $0x3  }
0x36: {  	p1 =	seq.s32 s10, $0x1;
	s10 =	sld [smem:$0x3FB3];
	_ =	sdelay $0x3  }
0x37: {  	[smem:$0x3FB3] =	sst s10  }
0x38: {  	s10 =	sld [smem:$0x3FB4]  }
0x39: {  	_ = 	snop;
	(pc) =	sbr.ind lr, $3  }
0x3a: {  	_ = 	snop  }
0x3b: {  	_ = 	snop  }
0x3c: {  	p2 =	seq.s32 s10, $0x1;
	s10 =	sld [smem:$0x3FB3]  }
0x3d: {  	_ =	shalt  }
0x3e: {  	_ =	shalt  }
0x3f: {  	_ =	shalt  }
0x40: {  	_ =	shalt  }
0x41: {  	_ =	shalt  }
0x42: {  	_ =	shalt  }
0x43: {  	_ =	shalt  }
0x44: {  	_ =	shalt  }
0x45: {  	_ =	shalt  }
0x46: {  	_ =	shalt  }
0x47: {  	_ =	shalt  }
0x48: {  	_ =	shalt  }
0x49: {  	_ =	shalt  }
0x4a: {  	_ =	shalt  }
0x4b: {  	_ =	shalt  }
0x4c: {  	_ =	shalt  }
0x4d: {  	_ =	shalt  }
0x4e: {  	_ =	shalt  }
0x4f: {  	_ =	shalt  }
0x50: {  	_ =	shalt  }
0x51: {  	_ =	shalt  }
0x52: {  	_ =	shalt  }
0x53: {  	_ =	shalt  }
0x54: {  	_ =	shalt  }
0x55: {  	_ =	shalt  }
0x56: {  	_ =	shalt  }
0x57: {  	_ =	shalt  }
0x58: {  	_ =	shalt  }
0x59: {  	_ =	shalt  }
0x5a: {  	_ =	shalt  }
0x5b: {  	_ =	shalt  }
0x5c: {  	_ =	shalt  }
0x5d: {  	_ =	shalt  }
0x5e: {  	_ =	shalt  }
0x5f: {  	_ =	shalt  }
0x60: {  	_ =	shalt  }
0x61: {  	_ =	shalt  }
0x62: {  	_ =	shalt  }
0x63: {  	_ =	shalt  }
0x64: {  	_ =	shalt  }
0x65: {  	_ =	shalt  }
0x66: {  	_ =	shalt  }
0x67: {  	_ =	shalt  }
0x68: {  	_ =	shalt  }
0x69: {  	_ =	shalt  }
0x6a: {  	_ =	shalt  }
0x6b: {  	_ =	shalt  }
0x6c: {  	_ =	shalt  }
0x6d: {  	_ =	shalt  }
0x6e: {  	_ =	shalt  }
0x6f: {  	_ =	shalt  }
0x70: {  	_ =	shalt  }
0x71: {  	_ =	shalt  }
0x72: {  	_ =	shalt  }
0x73: {  	_ =	shalt  }
0x74: {  	_ =	shalt  }
0x75: {  	_ =	shalt  }
0x76: {  	_ =	shalt  }
0x77: {  	_ =	shalt  }
0x78: {  	_ =	shalt  }
0x79: {  	_ =	shalt  }
0x7a: {  	_ =	shalt  }
0x7b: {  	_ =	shalt  }
0x7c: {  	_ =	shalt  }
0x7d: {  	_ =	shalt  }
0x7e: {  	_ =	shalt  }
0x7f: {  	_ =	shalt  }
0x80: {  	_ =	shalt  }
0x81: {  	_ =	shalt  }
0x82: {  	_ =	shalt  }
0x83: {  	_ =	shalt  }
0x84: {  	_ =	shalt  }
0x85: {  	_ =	shalt  }
0x86: {  	_ =	shalt  }
0x87: {  	_ =	shalt  }
.Lfunc_end0:
.L_simem_size_0:
called_computation_lowered:
.L_overlay_start_0:
0x88: {  	s2 =	sld [smem:$0x3FD9]  }
0x89: {  	s3 =	sld [smem:$0x3FFE];
	_ =	sdelay $0x1  }
0x8a: {  	s1 =	srdreg.scid  }
0x8b: {  	s0 =	sand.u32 $0x1, s1  }
0x8c: {  	s17 =	sshll.u32 s0, $0xA;
	s2 =	sadd.s32 s3, s2  }
0x8d: {  	s2 =	sadd.s32 s2, s17  }
0x8e: {  	[smem:$0x3FBF] =	sst s2  }
0x8f: {  	_ = 	snop  }
0x90: {  	s2 =	sld [smem:$0x3FD0];
	(tm) =	ssettm $0x1  }
0x91: {  	s18 =	sld [smem:$0x3FFB];
	_ =	sdelay $0x3  }
0x92: {  	_ =	strace s18  }
0x93: {  	s3 =	sld [smem:$0x3FFC];
	_ =	sdelay $0x3  }
0x94: {  	_ =	strace s3  }
0x95: {  	s3 =	sld [smem:$0x3FFD];
	_ =	sdelay $0x3  }
0x96: {  	_ =	strace s3  }
0x97: {  	_ =	strace $0x8FFFFFFF  }
0x98: {  	s19 =	sld [smem:$0x3FDB];
	_ =	sdelay $0x1  }
0x99: {  	s4 =	simm.s32 $_scs_section_size  }
0x9a: {  	s5 =	simm.s32 $_size__tile_overlayer_lowered;
	s6 =	simm.s32 $_tile_overlayer_lowered  }
0x9b: {  	s22 =	simm.s32 $0x1BFF;
	s21 =	sshll.u32 s6, $0x1;
	s3 =	sadd.s32 s4, s19  }
0x9c: {  	s7 =	simm.s32 $0x0;
	s20 =	sshll.u32 s5, $0x1;
	s5 =	sadd.s32 s21, s3  }
0x9d: {  	[timem:s7], [sflag:s22] =	dma.local [hbm:s5], s20  }
0x9e: {  	_ =	swait.ge [sflag:s22], s20  }
0x9f: {  	s4 =	ssub.s32 $0x0, s20;
	[sflag:s22] =	ssyncset.done $0x0  }
0xa0: {  	[sflag:s22] =	ssyncadd.s32 s4;
	_ =	sdelay $0x1  }
0xa1: {  	s23 =	simm.s32 $0x1B8B  }
0xa2: {  	_ =	swait.ge [sflag:s23], $0x1  }
0xa3: {  	[sflag:s23] =	ssyncset.done $0x0  }
0xa4: {  	s25 =	simm.s32 $0x1B8E;
	s24 =	sld [smem:$0x3FFE];
	[sflag:s23] =	ssyncadd.s32 $0xFFFFFFFF  }
0xa5: {  	s26 =	simm.s32 $execute0_lowered;
	[smem:$0x3FD2] =	sst s25  }
0xa6: {  	s5 =	sshll.u32 s26, $0x1;
	_ =	strace $0x80000046;
	[dreg:$0x1] =	wrdreg $0xFFFFFFFF  }
0xa7: {  	s28 =	simm.s32 $_size_execute0_lowered;
	s3 =	sadd.s32 s3, s5;
	[dreg:$0x0] =	wrdreg $0x0  }
0xa8: {  	s5 =	sshll.u32 s28, $0x1;
	[dreg:$0x2] =	wrdreg s3  }
0xa9: {  	[dreg:$0x3] =	wrdreg s5  }
0xaa: {  	[dreg:$0x4] =	wrdreg $0xC0  }
0xab: {  	_ =	task [dreg:s7], $0x5FFFF  }
0xac: {  	[dreg:$0x1] =	wrdreg $0xFFFFFFFF  }
0xad: {  	[dreg:$0x0] =	wrdreg $0x60  }
0xae: {  	[dreg:$0x2] =	wrdreg s24  }
0xaf: {  	[dreg:$0x3] =	wrdreg s2  }
0xb0: {  	[dreg:$0x4] =	wrdreg $0x1F000  }
0xb1: {  	[dreg:$0x5] =	wrdreg $0x9  }
0xb2: {  	_ =	task.clear_ibuf [dreg:s7], $0x6FFFF;
	_ =	strace $0x90000046  }
0xb3: {  	s29 =	simm.s32 $0x9;
	_ =	strace $0x80000048  }
0xb4: {  	_ =	swait.ge [sflag:s29], $0x1  }
0xb5: {  	[sflag:s29] =	ssyncadd.s32 $0xFFFFFFFF  }
0xb6: {  	_ =	strace $0x90000048  }
0xb7: {  	_ =	sfence  }
0xb8: {  	s30 =	sld [smem:$0x0];
	_ =	sdelay $0x2  }
0xb9: {  	s31 =	sshll.u32 s1, $0xD;
	s1 =	sshrl.u32 s1, $0x2  }
0xba: {  	s3 =	sand.u32 $0x4000, s31;
	s1 =	sadd.s32 s1, s30  }
0xbb: {  	s0 =	sor.u32 s3, s0;
	s1 =	sshll.u32 s1, $0x11  }
0xbc: {  	s0 =	sor.u32 s1, s0  }
0xbd: {  	s0 =	sadd.s32 $0x8F2B, s0  }
0xbe: {  	[sflag:s0] =	ssyncadd.remote.s32 $0x1  }
0xbf: {  	_ =	sfence.sel $0xFFFF  }
0xc0: {  	[dreg:$0x0] =	wrdreg $0xFFFFFFFF;
	(pc) =	sbr.abs _section_cstart, $3  }
0xc1: {  	[dreg:$0x1] =	wrdreg $0xFFFFFFFF  }
0xc2: {  	_ =	task.clear_ibuf [dreg:s7], $0x2FFFF;
	_ =	strace $0x9FFFFFFF  }
0xc3: {  	(tm) =	ssettm $0x7FFFFFFF  }
tec
execute0_lowered:
.L_overlay_start_1:
0x0: {  	(tag) =	ssettag $0x1  }
0x1: {  	s4 =	rddreg [dreg:$0x0];
	s1 =	srdreg.scid  }
0x2: {  	s0 =	stileid.u32;
	s6 =	rddreg [dreg:$0x1]  }
0x3: {  	s2 =	rddreg [dreg:$0x2];
	s3 =	simm.s32 $0x0;
	s11 =	simm.s32 $0xA00  }
0x4: {  	s12 =	simm.s32 $0xE00;
	s13 =	simm.s32 $0xA80;
	s14 =	simm.s32 $0xB00  }
0x5: {  	s15 =	simm.s32 $0xB80;
	s16 =	simm.s32 $0xC00;
	s19 =	simm.s32 $0x20  }
0x6: {  	s20 =	simm.s32 $0x10;
	s7 =	sand.u32 $0x1, s1;
	s1 =	rddreg [dreg:$0x3]  }
0x7: {  	s21 =	simm.s32 $0x0;
	s28 =	sshll.u32 s0, $0x1;
	[smem:$0x7FF] =	sst s3  }
0x8: {  	s9 =	smul.u32 $0x4100, s0;
	s30 =	sshll.u32 s0, $0xA;
	s31 =	sshll.u32 s0, $0xC  }
0x9: {  	s17 =	sshll.u32 s0, $0x6;
	s5 =	sor.u32 s7, s28;
	s8 =	ssub.s32 $0x2, s7  }
0xa: {  	_ =	strace $0x80000047;
	s7 =	sshll.u32 s7, $0x4;
	s18 =	sadd.s32 s31, s2  }
0xb: {  	s17 =	sor.u32 $0x1C01, s17;
	s5 =	smul.u32 $0x140, s5;
	s10 =	sshrl.u32 s8, $0x1  }
0xc: {  	s29 =	sshrl.u32 s9, $0x2;
	s6 =	sadd.s32 s6, s7;
	s9 =	simm.s32 $0x1  }
0xd: {  	s18 =	sshrl.u32 s18, $0x3;
	s8 =	ssub.s32 s8, s10;
	s6 =	sadd.s32 s30, s6  }
0xe: {  	s10 =	simm.s32 $0x80;
	s5 =	sadd.s32 s5, s4;
	s4 =	sadd.s32 s29, s2  }
0xf: {  	v0 =	vimm.f32 $0.0e+00;
	s7 =	smax.u32 s8, $0x1;
	s8 =	simm.s32 $0xE80;
	s5 =	sadd.s32 $0xC00, s5  }
.LBB2_1:
0x10: {  	s22 =	simm.s32 $0x40;
	s23 =	simm.s32 $0x0  }
.LBB2_2:
0x11: {  	p0 =	sne.s32 s22, $0x40C0;
	[tilespmem:s23+$0xE80] =	vst v0;
	s23 =	smov.u32 s22;
	s22 =	sadd.s32 $0x40, s22  }
.Ltmp0:
0x12: {  	(pc) =	sbr.rel @p0 .LBB2_2-.Ltmp0, $2  }
0x13: {  	_ =	sdelay $0x2  }
0x14: {  	s23 =	sshra.s32 s23, $0x2  }
0x15: {  	[tilespmem:s23+$0xE80] =	vst v0  }
0x16: {  	[spmem:s4] =	stream.linear.scatter [tilespmem:s8], [sflag:$0x1], $0x1040, $0x38;
	[tilespmem:$0x2F40] =	vst v63  }
0x17: {  	_ =	swait.ge [sflag:s9], $0x1040  }
0x18: {  	[sflag:s9] =	ssyncset.done $0x0  }
0x19: {  	v1 =	vimm.f32 $1.000000000e+00;
	[sflag:s9] =	ssyncadd.s32 $0xFFFFEFC0  }
0x1a: {  	[tilespmem:$0xE00] =	vst v1  }
0x1b: {  	[tilespmem:$0xE10] =	vst v1  }
0x1c: {  	[tilespmem:$0xE20] =	vst v1  }
0x1d: {  	[tilespmem:$0xE30] =	vst v1  }
0x1e: {  	[tilespmem:$0xE40] =	vst v1  }
0x1f: {  	[tilespmem:$0xE50] =	vst v1  }
0x20: {  	[tilespmem:$0xE60] =	vst v1  }
0x21: {  	[tilespmem:$0xE70] =	vst v1  }
0x22: {  	[tilespmem:s3], [sflag:$0x1] =	stream.linear.gather [hbm4b:s5+s3], $0xA00, $0x38;
	[tilespmem:$0x2F40] =	vst v63  }
0x23: {  	_ =	swait.ge [sflag:s9], $0xA00  }
0x24: {  	[sflag:s9] =	ssyncset.done $0x0  }
0x25: {  	[sflag:s9] =	ssyncadd.s32 $0xFFFFF600  }
0x26: {  	v41 =	vld [tilespmem:$0x3D0];
	_ =	sdelay $0x4  }
0x27: {  	[tilespmem:$0x1FE50] =	vst v41;
	v41 =	vld [tilespmem:$0x3F0];
	_ =	sdelay $0x4  }
0x28: {  	[tilespmem:$0x1FE80] =	vst v41;
	v41 =	vld [tilespmem:$0x400];
	_ =	sdelay $0x4  }
0x29: {  	[tilespmem:$0x1FE60] =	vst v41;
	v41 =	vld [tilespmem:$0x500];
	_ =	sdelay $0x4  }
0x2a: {  	[tilespmem:$0x1FE90] =	vst v41;
	v41 =	vld [tilespmem:$0x580];
	_ =	sdelay $0x2  }
0x2b: {  	v1 =	vld [tilespmem:$0x0]  }
0x2c: {  	v3 =	vld [tilespmem:$0x80]  }
0x2d: {  	[tilespmem:$0x1FEF0] =	vst v41;
	v41 =	vld [tilespmem:$0x410]  }
0x2e: {  	v5 =	vld [tilespmem:$0x100]  }
0x2f: {  	v6 =	vld [tilespmem:$0x180]  }
0x30: {  	v10 =	vld [tilespmem:$0x10]  }
0x31: {  	v14 =	vld [tilespmem:$0x90]  }
0x32: {  	[tilespmem:$0x1FEA0] =	vst v41;
	v41 =	vld [tilespmem:$0x490]  }
0x33: {  	v19 =	vld [tilespmem:$0x110]  }
0x34: {  	v26 =	vld [tilespmem:$0x190]  }
0x35: {  	v20 =	vld [tilespmem:$0x20]  }
0x36: {  	v25 =	vld [tilespmem:$0xA0]  }
0x37: {  	[tilespmem:$0x1FEB0] =	vst v41;
	v41 =	vld [tilespmem:$0x510]  }
0x38: {  	v27 =	vld [tilespmem:$0x120]  }
0x39: {  	v30 =	vld [tilespmem:$0x1A0]  }
0x3a: {  	v31 =	vld [tilespmem:$0x30]  }
0x3b: {  	v32 =	vld [tilespmem:$0xB0]  }
0x3c: {  	[tilespmem:$0x1FEE0] =	vst v41;
	v41 =	vld [tilespmem:$0x590]  }
0x3d: {  	v38 =	vld [tilespmem:$0x130]  }
0x3e: {  	v39 =	vld [tilespmem:$0x1B0]  }
0x3f: {  	v40 =	vld [tilespmem:$0x40]  }
0x40: {  	v46 =	vld [tilespmem:$0xC0]  }
0x41: {  	[tilespmem:$0x1FF30] =	vst v41;
	v41 =	vld [tilespmem:$0x420]  }
0x42: {  	v47 =	vld [tilespmem:$0x140]  }
0x43: {  	v49 =	vld [tilespmem:$0x1C0]  }
0x44: {  	v50 =	vld [tilespmem:$0x50]  }
0x45: {  	v51 =	vld [tilespmem:$0xD0]  }
0x46: {  	[tilespmem:$0x1FEC0] =	vst v41;
	v41 =	vld [tilespmem:$0x4A0]  }
0x47: {  	v54 =	vld [tilespmem:$0x150]  }
0x48: {  	v55 =	vld [tilespmem:$0x1D0]  }
0x49: {  	v61 =	vld [tilespmem:$0x60]  }
0x4a: {  	v62 =	vld [tilespmem:$0xE0]  }
0x4b: {  	[tilespmem:$0x1FED0] =	vst v41;
	v41 =	vld [tilespmem:$0x520]  }
0x4c: {  	v2 =	vld [tilespmem:$0x160]  }
0x4d: {  	v13 =	vld [tilespmem:$0x1E0]  }
0x4e: {  	v4 =	vld [tilespmem:$0x70]  }
0x4f: {  	v7 =	vld [tilespmem:$0xF0]  }
0x50: {  	[tilespmem:$0x1FF00] =	vst v41;
	v41 =	vld [tilespmem:$0x5A0]  }
0x51: {  	v15 =	vld [tilespmem:$0x170]  }
0x52: {  	v22 =	vld [tilespmem:$0x1F0]  }
0x53: {  	v8 =	vld [tilespmem:$0x200]  }
0x54: {  	v9 =	vld [tilespmem:$0x280]  }
0x55: {  	[tilespmem:$0x1FF40] =	vst v41;
	v41 =	vld [tilespmem:$0x430]  }
0x56: {  	v16 =	vld [tilespmem:$0x300]  }
0x57: {  	v35 =	vld [tilespmem:$0x380]  }
0x58: {  	v11 =	vld [tilespmem:$0x210]  }
0x59: {  	v12 =	vld [tilespmem:$0x290]  }
0x5a: {  	[tilespmem:$0x1FF10] =	vst v41;
	v41 =	vld [tilespmem:$0x4B0]  }
0x5b: {  	v17 =	vld [tilespmem:$0x310]  }
0x5c: {  	v33 =	vld [tilespmem:$0x390]  }
0x5d: {  	v18 =	vld [tilespmem:$0x220]  }
0x5e: {  	v21 =	vld [tilespmem:$0x2A0]  }
0x5f: {  	[tilespmem:$0x1FF20] =	vst v41;
	v41 =	vld [tilespmem:$0x530]  }
0x60: {  	v34 =	vld [tilespmem:$0x320]  }
0x61: {  	v56 =	vld [tilespmem:$0x3A0]  }
0x62: {  	v23 =	vld [tilespmem:$0x230]  }
0x63: {  	v24 =	vld [tilespmem:$0x2B0]  }
0x64: {  	[tilespmem:$0x1FF50] =	vst v41;
	v41 =	vld [tilespmem:$0x5B0]  }
0x65: {  	v43 =	vld [tilespmem:$0x330]  }
0x66: {  	v48 =	vld [tilespmem:$0x3B0]  }
0x67: {  	v28 =	vld [tilespmem:$0x240]  }
0x68: {  	v29 =	vld [tilespmem:$0x2C0]  }
0x69: {  	[tilespmem:$0x1FFA0] =	vst v41;
	v41 =	vld [tilespmem:$0x440]  }
0x6a: {  	v36 =	vld [tilespmem:$0x340]  }
0x6b: {  	v52 =	vld [tilespmem:$0x3C0]  }
0x6c: {  	v63 =	vld [tilespmem:$0x250];
	v1 =	vshll.u32 v1, $0xA;
	v3 =	vshll.u32 v3, $0x5  }
0x6d: {  	v1 =	vadd.s32 v1, v3;
	v3 =	vld [tilespmem:$0x5C0]  }
0x6e: {  	[tilespmem:$0x1FF60] =	vst v41;
	v41 =	vld [tilespmem:$0x4C0]  }
0x6f: {  	v37 =	vld [tilespmem:$0x2D0]  }
0x70: {  	v53 =	vld [tilespmem:$0x350]  }
0x71: {  	v57 =	vld [tilespmem:$0x260]  }
0x72: {  	[tilespmem:$0x1FFC0] =	vst v3;
	v3 =	vld [tilespmem:$0x450]  }
0x73: {  	[tilespmem:$0x1FF70] =	vst v41;
	v41 =	vld [tilespmem:$0x540]  }
0x74: {  	v58 =	vld [tilespmem:$0x2E0]  }
0x75: {  	v45 =	vld [tilespmem:$0x360]  }
0x76: {  	v60 =	vld [tilespmem:$0x3E0]  }
0x77: {  	v59 =	vld [tilespmem:$0x270];
	v1 =	vadd.s32 v5, v1;
	[tilespmem:$0x1FF80] =	vst v3  }
0x78: {  	v44 =	vld [tilespmem:$0x370];
	v1 =	vshll.u32 v1, $0x5;
	v3 =	vshll.u32 v10, $0xA;
	[tilespmem:$0x1FF90] =	vst v41;
	v41 =	vshll.u32 v14, $0x5  }
0x79: {  	v14 =	vadd.s32 v6, v1;
	v1 =	vadd.s32 v3, v41;
	v3 =	vld [tilespmem:$0x550]  }
0x7a: {  	v42 =	vld [tilespmem:$0x480]  }
0x7b: {  	[tilespmem:$0x1FE70] =	vst v60;
	v60 =	vld [tilespmem:$0x2F0]  }
0x7c: {  	v10 =	vld [tilespmem:$0x4D0]  }
0x7d: {  	v41 =	vshll.u32 v31, $0xA;
	v31 =	vshll.u32 v40, $0xA;
	v40 =	vld [tilespmem:$0x5E0]  }
0x7e: {  	v6 =	vld [tilespmem:$0x720];
	[tilespmem:$0x1FFB0] =	vst v3;
	v3 =	vshll.u32 v20, $0xA;
	v20 =	vshll.u32 v25, $0x5  }
0x7f: {  	v25 =	vld [tilespmem:$0x5D0];
	v3 =	vadd.s32 v3, v20  }
0x80: {  	v1 =	vadd.s32 v19, v1;
	v19 =	vld [tilespmem:$0x560];
	v3 =	vadd.s32 v27, v3  }
0x81: {  	v20 =	vld [tilespmem:$0x460];
	v3 =	vshll.u32 v3, $0x5  }
0x82: {  	[tilespmem:$0x1FFE0] =	vst v40;
	v40 =	vadd.s32 v30, v3;
	v30 =	vld [tilespmem:$0x470]  }
0x83: {  	v1 =	vshll.u32 v1, $0x5;
	v3 =	vshll.u32 v50, $0xA;
	v50 =	vld [tilespmem:$0x5F0]  }
0x84: {  	[tilespmem:$0x1FFD0] =	vst v25;
	v25 =	vshll.u32 v32, $0x5;
	v32 =	vadd.s32 v26, v1;
	v26 =	vld [tilespmem:$0x570]  }
0x85: {  	v5 =	vadd.s32 v41, v25;
	v25 =	vld [tilespmem:$0x4E0]  }
0x86: {  	v41 =	vshll.u32 v51, $0x5;
	[tilespmem:$0xA10] =	vst v32;
	v32 =	vld [tilespmem:$0x7F0];
	v1 =	vadd.s32 v38, v5  }
0x87: {  	v38 =	vshll.u32 v46, $0x5;
	v3 =	vadd.s32 v3, v41;
	v46 =	vshll.u32 v61, $0xA;
	v61 =	vld [tilespmem:$0x680]  }
0x88: {  	v1 =	vshll.u32 v1, $0x5;
	v3 =	vadd.s32 v54, v3;
	v54 =	vld [tilespmem:$0x610]  }
0x89: {  	v27 =	vadd.s32 v39, v1;
	v1 =	vadd.s32 v31, v38;
	v38 =	vld [tilespmem:$0x4F0]  }
0x8a: {  	[tilespmem:$0x1FFF0] =	vst v50;
	v50 =	vld [tilespmem:$0x600]  }
0x8b: {  	v39 =	vld [tilespmem:$0x780]  }
0x8c: {  	v51 =	vshll.u32 v7, $0x5;
	v31 =	vld [tilespmem:$0x790]  }
0x8d: {  	v20 =	vshll.u32 v20, $0xA;
	v1 =	vadd.s32 v47, v1;
	v47 =	vshll.u32 v62, $0x5;
	v62 =	vld [tilespmem:$0x690]  }
0x8e: {  	[tilespmem:$0xA30] =	vst v27;
	v27 =	vld [tilespmem:$0x980];
	v5 =	vadd.s32 v46, v47;
	v1 =	vshll.u32 v1, $0x5;
	v25 =	vshll.u32 v25, $0x5  }
0x8f: {  	v46 =	vld [tilespmem:$0x700];
	v49 =	vadd.s32 v49, v1;
	v1 =	vadd.s32 v2, v5;
	v2 =	vshll.u32 v3, $0x5  }
0x90: {  	v3 =	vshll.u32 v4, $0xA;
	v5 =	vld [tilespmem:$0x620];
	v20 =	vadd.s32 v20, v25;
	v1 =	vshll.u32 v1, $0x5  }
0x91: {  	v25 =	vld [tilespmem:$0x800];
	v55 =	vadd.s32 v55, v2;
	v2 =	vshll.u32 v8, $0xA;
	v47 =	vadd.s32 v13, v1  }
0x92: {  	[tilespmem:$0xA40] =	vst v49;
	v1 =	vadd.s32 v3, v51;
	v3 =	vshll.u32 v9, $0x5;
	v51 =	vld [tilespmem:$0x710];
	v49 =	vshll.u32 v50, $0xA  }
0x93: {  	v50 =	vshll.u32 v61, $0x5;
	v1 =	vadd.s32 v15, v1;
	v15 =	vshll.u32 v12, $0x5;
	v12 =	vld [tilespmem:$0x730]  }
0x94: {  	v2 =	vadd.s32 v2, v3;
	v3 =	vshll.u32 v11, $0xA;
	[tilespmem:$0xA60] =	vst v47;
	v47 =	vld [tilespmem:$0x890];
	v1 =	vshll.u32 v1, $0x5  }
0x95: {  	[tilespmem:$0xA50] =	vst v55;
	v55 =	vadd.s32 v49, v50;
	v49 =	vld [tilespmem:$0x8B0];
	v4 =	vadd.s32 v3, v15;
	v3 =	vadd.s32 v22, v1  }
0x96: {  	v15 =	vld [tilespmem:$0x6B0];
	v1 =	vadd.s32 v17, v4;
	v17 =	vshll.u32 v18, $0xA;
	v18 =	vshll.u32 v21, $0x5  }
0x97: {  	v22 =	vshll.u32 v24, $0x5;
	v24 =	vshll.u32 v29, $0x5;
	v29 =	vshll.u32 v37, $0x5;
	v37 =	vld [tilespmem:$0x1FE50]  }
0x98: {  	v21 =	vshll.u32 v23, $0xA;
	v23 =	vshll.u32 v28, $0xA;
	v28 =	vshll.u32 v63, $0xA;
	v63 =	vld [tilespmem:$0x1FEF0]  }
0x99: {  	v2 =	vadd.s32 v16, v2;
	v7 =	vadd.s32 v21, v22;
	v22 =	vld [tilespmem:$0x640]  }
0x9a: {  	v2 =	vshll.u32 v2, $0x5;
	v21 =	vld [tilespmem:$0x6C0]  }
0x9b: {  	v8 =	vadd.s32 v35, v2;
	v35 =	vshll.u32 v59, $0xA;
	v59 =	vld [tilespmem:$0x1FED0]  }
0x9c: {  	v1 =	vshll.u32 v1, $0x5;
	v7 =	vadd.s32 v43, v7;
	v43 =	vld [tilespmem:$0x7A0]  }
0x9d: {  	v4 =	vadd.s32 v33, v1;
	v1 =	vadd.s32 v17, v18;
	v33 =	vshll.u32 v57, $0xA;
	v57 =	vld [tilespmem:$0x1FEB0]  }
0x9e: {  	v2 =	vadd.s32 v34, v1;
	v1 =	vld [tilespmem:$0x6A0]  }
0x9f: {  	v7 =	vshll.u32 v7, $0x5;
	v34 =	vshll.u32 v58, $0x5;
	v58 =	vld [tilespmem:$0x1FEC0]  }
0xa0: {  	v16 =	vadd.s32 v48, v7;
	v7 =	vld [tilespmem:$0x7B0]  }
0xa1: {  	v9 =	vadd.s32 v23, v24;
	v2 =	vshll.u32 v2, $0x5;
	v48 =	vld [tilespmem:$0x1FE70]  }
0xa2: {  	v11 =	vadd.s32 v56, v2;
	v2 =	vadd.s32 v36, v9;
	v9 =	vld [tilespmem:$0x630]  }
0xa3: {  	v56 =	vld [tilespmem:$0x1FEA0]  }
0xa4: {  	v36 =	vshll.u32 v60, $0x5;
	v60 =	vld [tilespmem:$0x1FEE0]  }
0xa5: {  	[tilespmem:$0xAB0] =	vst v16;
	v16 =	vld [tilespmem:$0x9A0]  }
0xa6: {  	v18 =	vadd.s32 v35, v36;
	v35 =	vld [tilespmem:$0x6D0]  }
0xa7: {  	v36 =	vshll.u32 v59, $0x5;
	v59 =	vld [tilespmem:$0x1FF80]  }
0xa8: {  	v2 =	vshll.u32 v2, $0x5;
	[tilespmem:$0xAA0] =	vst v11;
	v11 =	vld [tilespmem:$0x820]  }
0xa9: {  	v17 =	vadd.s32 v52, v2;
	v52 =	vld [tilespmem:$0x1FE80]  }
0xaa: {  	v13 =	vadd.s32 v33, v34;
	v2 =	vadd.s32 v28, v29;
	v29 =	vld [tilespmem:$0x650]  }
0xab: {  	v13 =	vadd.s32 v45, v13;
	v34 =	vshll.u32 v57, $0x5;
	v57 =	vld [tilespmem:$0x1FF60]  }
0xac: {  	v13 =	vshll.u32 v13, $0x5;
	v2 =	vadd.s32 v53, v2;
	v53 =	vld [tilespmem:$0x1FE90]  }
0xad: {  	v2 =	vshll.u32 v2, $0x5;
	v13 =	vadd.s32 v48, v13;
	v48 =	vld [tilespmem:$0x1FF20]  }
0xae: {  	v23 =	vadd.s32 v37, v2;
	v2 =	vadd.s32 v44, v18;
	v18 =	vld [tilespmem:$0x740]  }
0xaf: {  	v5 =	vshll.u32 v5, $0xA;
	v1 =	vshll.u32 v1, $0x5;
	v37 =	vld [tilespmem:$0x750]  }
0xb0: {  	v1 =	vadd.s32 v5, v1;
	v33 =	vshll.u32 v56, $0xA;
	v56 =	vld [tilespmem:$0x1FF50]  }
0xb1: {  	v1 =	vadd.s32 v6, v1;
	v6 =	vld [tilespmem:$0x8A0]  }
0xb2: {  	v41 =	vshll.u32 v2, $0x5;
	v2 =	vld [tilespmem:$0x1FE60]  }
0xb3: {  	v33 =	vadd.s32 v33, v34;
	v34 =	vshll.u32 v58, $0xA;
	v58 =	vld [tilespmem:$0x1FF70]  }
0xb4: {  	v34 =	vadd.s32 v34, v36;
	v36 =	vld [tilespmem:$0x7D0]  }
0xb5: {  	v24 =	vadd.s32 v52, v41;
	v41 =	vld [tilespmem:$0x660]  }
0xb6: {  	v52 =	vld [tilespmem:$0x1FF30]  }
0xb7: {  	v33 =	vadd.s32 v60, v33;
	v60 =	vld [tilespmem:$0x1FF90]  }
0xb8: {  	v45 =	vshll.u32 v42, $0x5;
	v44 =	vshll.u32 v2, $0xA;
	v2 =	vld [tilespmem:$0x7C0]  }
0xb9: {  	v28 =	vadd.s32 v44, v45;
	v44 =	vld [tilespmem:$0x1FF00]  }
0xba: {  	v33 =	vshll.u32 v33, $0x5;
	v45 =	vld [tilespmem:$0x1FF10]  }
0xbb: {  	v33 =	vadd.s32 v52, v33;
	v52 =	vshll.u32 v58, $0x5;
	v58 =	vld [tilespmem:$0x1FFB0]  }
0xbc: {  	v50 =	vshll.u32 v41, $0xA;
	v41 =	vld [tilespmem:$0x950]  }
0xbd: {  	v10 =	vshll.u32 v10, $0x5;
	v19 =	vadd.s32 v19, v20;
	v28 =	vadd.s32 v53, v28;
	v53 =	vld [tilespmem:$0x1FF40]  }
0xbe: {  	v19 =	vshll.u32 v19, $0x5;
	v15 =	vshll.u32 v15, $0x5;
	[tilespmem:$0xB10] =	vst v33;
	v33 =	vld [tilespmem:$0x9C0];
	v28 =	vshll.u32 v28, $0x5  }
0xbf: {  	v1 =	vshll.u32 v1, $0x5;
	[tilespmem:$0xAD0] =	vst v23;
	v23 =	vshll.u32 v22, $0xA;
	v28 =	vadd.s32 v63, v28;
	v63 =	vld [tilespmem:$0x1FFA0]  }
0xc0: {  	v34 =	vadd.s32 v44, v34;
	v42 =	vshll.u32 v45, $0xA;
	v44 =	vshll.u32 v48, $0x5;
	v45 =	vld [tilespmem:$0x6E0]  }
0xc1: {  	v1 =	vadd.s32 v43, v1;
	v48 =	vshll.u32 v57, $0xA;
	v42 =	vadd.s32 v42, v44;
	v44 =	vld [tilespmem:$0x760]  }
0xc2: {  	v34 =	vshll.u32 v34, $0x5;
	v48 =	vadd.s32 v48, v52;
	v52 =	vshll.u32 v59, $0xA;
	v59 =	vld [tilespmem:$0x1FFC0]  }
0xc3: {  	v43 =	vshll.u32 v29, $0xA;
	v29 =	vshll.u32 v25, $0xA;
	v34 =	vadd.s32 v53, v34;
	v53 =	vld [tilespmem:$0x7E0]  }
0xc4: {  	v6 =	vshll.u32 v6, $0x5;
	v42 =	vadd.s32 v56, v42;
	v56 =	vld [tilespmem:$0x670];
	v48 =	vadd.s32 v60, v48  }
0xc5: {  	v10 =	vadd.s32 v52, v10;
	v52 =	vld [tilespmem:$0x6F0];
	v42 =	vshll.u32 v42, $0x5;
	v57 =	vshll.u32 v48, $0x5  }
0xc6: {  	[tilespmem:$0xA00] =	vst v14;
	v60 =	vld [tilespmem:$0x1FFD0];
	v10 =	vadd.s32 v58, v10;
	v58 =	vshll.u32 v54, $0xA;
	v14 =	vadd.s32 v63, v42  }
0xc7: {  	v48 =	vld [tilespmem:$0x770];
	v10 =	vshll.u32 v10, $0x5;
	v63 =	vshll.u32 v30, $0xA;
	v42 =	vshll.u32 v38, $0x5  }
0xc8: {  	[tilespmem:$0xA20] =	vst v40;
	v54 =	vld [tilespmem:$0x930];
	v20 =	vadd.s32 v63, v42;
	v63 =	vshll.u32 v9, $0xA;
	v40 =	vadd.s32 v59, v57  }
0xc9: {  	v30 =	vld [tilespmem:$0x880];
	v20 =	vadd.s32 v26, v20;
	v26 =	vadd.s32 v46, v55;
	v59 =	vshll.u32 v62, $0x5  }
0xca: {  	[tilespmem:$0xA70] =	vst v3;
	v38 =	vld [tilespmem:$0x810];
	v5 =	vadd.s32 v63, v15;
	v46 =	vshll.u32 v35, $0x5;
	v35 =	vshll.u32 v47, $0x5  }
0xcb: {  	[tilespmem:$0xA80] =	vst v8;
	v42 =	vld [tilespmem:$0x900];
	v10 =	vadd.s32 v60, v10;
	v20 =	vshll.u32 v20, $0x5;
	v3 =	vshll.u32 v26, $0x5  }
0xcc: {  	[tilespmem:$0xAE0] =	vst v13;
	v9 =	vld [tilespmem:$0x920];
	v61 =	vadd.s32 v58, v59;
	v5 =	vadd.s32 v12, v5;
	v13 =	vadd.s32 v43, v46  }
0xcd: {  	[tilespmem:$0xA90] =	vst v4;
	v57 =	vld [tilespmem:$0x1FFE0];
	v59 =	vshll.u32 v56, $0xA;
	v43 =	vshll.u32 v11, $0xA;
	v3 =	vadd.s32 v39, v3  }
0xce: {  	[tilespmem:$0xAC0] =	vst v17;
	v60 =	vld [tilespmem:$0x1FFF0];
	v62 =	vadd.s32 v51, v61;
	v5 =	vshll.u32 v5, $0x5;
	v51 =	vshll.u32 v45, $0x5  }
0xcf: {  	[tilespmem:$0xAF0] =	vst v24;
	v26 =	vld [tilespmem:$0x910];
	v13 =	vadd.s32 v37, v13;
	v6 =	vadd.s32 v43, v6;
	v4 =	vshll.u32 v62, $0x5  }
0xd0: {  	[tilespmem:$0xBA0] =	vst v1;
	v12 =	vld [tilespmem:$0x830];
	v5 =	vadd.s32 v7, v5;
	v15 =	vadd.s32 v50, v51;
	v55 =	vshll.u32 v13, $0x5  }
0xd1: {  	[tilespmem:$0xB20] =	vst v34;
	v58 =	vld [tilespmem:$0x840];
	v34 =	vshll.u32 v38, $0xA;
	v4 =	vadd.s32 v31, v4;
	v31 =	vshll.u32 v21, $0x5  }
0xd2: {  	[tilespmem:$0xB00] =	vst v28;
	v61 =	vld [tilespmem:$0x8C0];
	v38 =	vadd.s32 v34, v35;
	v46 =	vadd.s32 v9, v6;
	v19 =	vadd.s32 v57, v19  }
0xd3: {  	[tilespmem:$0xB30] =	vst v14;
	v45 =	vld [tilespmem:$0x860];
	v39 =	vadd.s32 v23, v31;
	v57 =	vadd.s32 v44, v15;
	v31 =	vshll.u32 v30, $0x5  }
0xd4: {  	v62 =	vld [tilespmem:$0x940];
	[tilespmem:$0xBB0] =	vst v5;
	v5 =	vshll.u32 v46, $0x5;
	v8 =	vadd.s32 v60, v20;
	v7 =	vadd.s32 v18, v39  }
0xd5: {  	[tilespmem:$0xB40] =	vst v40;
	v44 =	vld [tilespmem:$0x9D0];
	v13 =	vshll.u32 v57, $0x5;
	v60 =	vshll.u32 v52, $0x5;
	v40 =	vadd.s32 v26, v38  }
0xd6: {  	[tilespmem:$0xB50] =	vst v10;
	v20 =	vld [tilespmem:$0x990];
	v47 =	vshll.u32 v12, $0xA;
	v50 =	vshll.u32 v58, $0xA;
	v5 =	vadd.s32 v16, v5  }
0xd7: {  	[tilespmem:$0xB80] =	vst v3;
	v18 =	vld [tilespmem:$0x9B0];
	v7 =	vshll.u32 v7, $0x5;
	v13 =	vadd.s32 v53, v13;
	v14 =	vadd.s32 v59, v60  }
0xd8: {  	[tilespmem:$0xB90] =	vst v4;
	v39 =	vld [tilespmem:$0x8D0];
	v51 =	vshll.u32 v61, $0x5;
	v59 =	vshll.u32 v45, $0xA;
	v2 =	vadd.s32 v2, v7  }
0xd9: {  	[tilespmem:$0xB60] =	vst v19;
	v52 =	vld [tilespmem:$0x870];
	v7 =	vadd.s32 v36, v55;
	v63 =	vadd.s32 v48, v14;
	v14 =	vadd.s32 v29, v31  }
0xda: {  	[tilespmem:$0xB70] =	vst v8;
	v36 =	vld [tilespmem:$0x850];
	v48 =	vshll.u32 v49, $0x5;
	v6 =	vadd.s32 v50, v51;
	v37 =	vadd.s32 v42, v14  }
0xdb: {  	v49 =	vld [tilespmem:$0x8E0];
	v10 =	vshll.u32 v63, $0x5;
	v42 =	vshll.u32 v40, $0x5;
	[tilespmem:$0xBC0] =	vst v2;
	v2 =	vadd.s32 v47, v48  }
0xdc: {  	v53 =	vld [tilespmem:$0x8F0];
	[tilespmem:$0xC20] =	vst v5;
	v6 =	vadd.s32 v62, v6;
	v3 =	vadd.s32 v32, v10;
	v8 =	vshll.u32 v37, $0x5  }
0xdd: {  	[tilespmem:$0xBE0] =	vst v13;
	v2 =	vadd.s32 v54, v2;
	v54 =	vld [tilespmem:$0x960];
	v1 =	vadd.s32 v27, v8;
	v4 =	vadd.s32 v20, v42  }
0xde: {  	v57 =	vld [tilespmem:$0x970];
	v2 =	vshll.u32 v2, $0x5;
	[tilespmem:$0xBF0] =	vst v3;
	v3 =	vshll.u32 v6, $0x5;
	v56 =	vshll.u32 v39, $0x5  }
0xdf: {  	v58 =	vld [tilespmem:$0x9E0];
	v62 =	vshll.u32 v52, $0xA;
	[tilespmem:$0xC00] =	vst v1;
	v1 =	vadd.s32 v18, v2;
	v55 =	vshll.u32 v36, $0xA  }
0xe0: {  	v61 =	vld [tilespmem:$0x9F0];
	[tilespmem:$0xBD0] =	vst v7;
	v2 =	vadd.s32 v33, v3;
	v60 =	vshll.u32 v49, $0x5;
	v3 =	vadd.s32 v55, v56  }
0xe1: {  	[tilespmem:$0xC10] =	vst v4;
	v7 =	vshll.u32 v53, $0x5;
	v4 =	vadd.s32 v59, v60;
	v3 =	vadd.s32 v41, v3  }
0xe2: {  	[tilespmem:$0xC30] =	vst v1;
	v63 =	vadd.s32 v62, v7;
	v1 =	vadd.s32 v54, v4;
	v3 =	vshll.u32 v3, $0x5  }
0xe3: {  	[tilespmem:$0xC40] =	vst v2;
	v1 =	vshll.u32 v1, $0x5;
	v2 =	vadd.s32 v44, v3;
	v3 =	vadd.s32 v57, v63  }
0xe4: {  	v1 =	vadd.s32 v58, v1;
	[tilespmem:$0xC50] =	vst v2;
	v2 =	vshll.u32 v3, $0x5  }
0xe5: {  	[tilespmem:$0xC60] =	vst v1;
	v1 =	vadd.s32 v61, v2  }
0xe6: {  	[tilespmem:$0xC70] =	vst v1  }
0xe7: {  	[bflag:$0x0] =	sbarrier.arrive $0xFFFF  }
0xe8: {  	[spmem:s2] =	stream.indirect.scatter.add.f32 [tilespmem:s12], [sflag:$0x1], $0x1, s11, s10, $0xb8;
	[tilespmem:$0x2F40] =	vst v63  }
0xe9: {  	_ =	swait.ge [sflag:s9], $0x80  }
0xea: {  	[sflag:s9] =	ssyncset.done $0x0  }
0xeb: {  	[sflag:s9] =	ssyncadd.s32 $0xFFFFFF80  }
0xec: {  	[spmem:s2] =	stream.indirect.scatter.add.f32 [tilespmem:s12], [sflag:$0x1], $0x1, s13, s10, $0xb8;
	[tilespmem:$0x2F40] =	vst v63  }
0xed: {  	_ =	swait.ge [sflag:s9], $0x80  }
0xee: {  	[sflag:s9] =	ssyncset.done $0x0  }
0xef: {  	[sflag:s9] =	ssyncadd.s32 $0xFFFFFF80  }
0xf0: {  	[spmem:s2] =	stream.indirect.scatter.add.f32 [tilespmem:s12], [sflag:$0x1], $0x1, s14, s10, $0xb8;
	[tilespmem:$0x2F40] =	vst v63  }
0xf1: {  	_ =	swait.ge [sflag:s9], $0x80  }
0xf2: {  	[sflag:s9] =	ssyncset.done $0x0  }
0xf3: {  	[sflag:s9] =	ssyncadd.s32 $0xFFFFFF80  }
0xf4: {  	[spmem:s2] =	stream.indirect.scatter.add.f32 [tilespmem:s12], [sflag:$0x1], $0x1, s15, s10, $0xb8;
	[tilespmem:$0x2F40] =	vst v63  }
0xf5: {  	_ =	swait.ge [sflag:s9], $0x80  }
0xf6: {  	[sflag:s9] =	ssyncset.done $0x0  }
0xf7: {  	[sflag:s9] =	ssyncadd.s32 $0xFFFFFF80  }
0xf8: {  	[spmem:s2] =	stream.indirect.scatter.add.f32 [tilespmem:s12], [sflag:$0x1], $0x1, s16, s10, $0xb8;
	[tilespmem:$0x2F40] =	vst v63  }
0xf9: {  	_ =	swait.ge [sflag:s9], $0x80  }
0xfa: {  	s21 =	sadd.s32 $0x1, s21;
	[sflag:s9] =	ssyncset.done $0x0  }
0xfb: {  	p0 =	sne.s32 s21, s7;
	[sflag:s9] =	ssyncadd.s32 $0xFFFFFF80  }
.Ltmp1:
0xfc: {  	[bflag:$0x0] =	sbarrier.arrive $0xFFFF;
	(pc) =	sbr.rel @p0 .LBB2_1-.Ltmp1, $4  }
0xfd: {  	[hbm:s6@s19], [sflag:s17] =	dma.strided [spmem:s18@s20], $0x200, s9, $0x10   }
0xfe: {  	_ =	swait.ge [sflag:s9], $0x200  }
0xff: {  	[sflag:s9] =	ssyncset.done $0x0  }
0x100: {  	[sflag:s9] =	ssyncadd.s32 $0xFFFFFE00  }
0x101: {  	_ =	sfence.sel $0x180000  }
0x102: {  	[bflag:$0x0] =	sbarrier.arrive $0xFFFF  }
0x103: {  	p0 =	sne.s32 s0, $0x0;
	_ =	strace $0x90000047  }
0x104: {  	s0 =	sadd.s32 @!p0 $0x100000, s1;
	[bflag:$0x2] =	sbarrier.arrive $0xFFFF  }
0x105: {  	[sflag:s0] =	ssyncadd.tile.s32 @!p0 $0x1;
	_ =	shalt  }
.Lfunc_end2:
_tile_overlayer_lowered:
.L_overlay_start_2:
0x106: {  	(tag) =	ssettag $0x2  }
0x107: {  	s0 =	rddreg [dreg:$0x0];
	s2 =	stileid.u32  }
0x108: {  	s1 =	rddreg [dreg:$0x1];
	p0 =	sne.s32 s2, $0x0  }
0x109: {  	s3 =	rddreg [dreg:$0x2];
	[bflag:$0x3] =	sbarrier.arrive $0xFFFF;
	s2 =	simm.s32 @!p0 $0x1C01  }
0x10a: {  	[timem:s3], [sflag:s2] =	dma.local @!p0 [hbm:s0], s1  }
0x10b: {  	s0 =	simm.s32 @!p0 $0x1  }
0x10c: {  	_ =	swait.ge @!p0 [sflag:s0], s1  }
0x10d: {  	s1 =	ssub.s32 @!p0 $0x0, s1;
	[sflag:s0] =	ssyncset.done @!p0 $0x0  }
0x10e: {  	[sflag:s0] =	ssyncadd.s32 @!p0 s1  }
0x10f: {  	[bflag:$0x3] =	sbarrier.arrive $0xFFFF  }
0x110: {  	_ =	shalt  }

</sc_bundles>
